<compile_context>
chip_gen: v7x
topology: tpu7x:2x2x1
jax: 0.10.2.dev20260603
libtpu: 0.0.44.dev20260713+nightly
codegen_flags: <defaults>
</compile_context>

<pallas_src>
import functools

import jax
import jax.numpy as jnp
from jax import lax
from jax.experimental import pallas as pl
from jax.experimental.pallas import tpu as pltpu
from jax.experimental.pallas import tpu_sc as plsc

T = 4096
D = 1024
F = 512
E = 8
K = 2

BT = 1024
BG = 512
G = T * K // BG + E
P = G * BG

NC = 2
NS = 16
NW = NC * NS
CH = 32


def _router_body(hs_ref, rw_ref, w8_ref, dst0_ref, dst1_ref, te_ref,
                 cnt_ref, e0_ref, e1_ref, r0_ref, r1_ref):
    i = pl.program_id(0)
    nsteps = pl.num_programs(0)

    @pl.when(i == 0)
    def _init():
        cnt_ref[...] = jnp.zeros((1, E), jnp.float32)

    x = hs_ref[...]
    logits = lax.dot_general(x, rw_ref[...], (((1,), (1,)), ((), ())),
                             preferred_element_type=jnp.float32)
    m = jnp.max(logits, axis=-1, keepdims=True)
    ex = jnp.exp(logits - m)
    probs = ex / jnp.sum(ex, axis=-1, keepdims=True)
    cols = lax.broadcasted_iota(jnp.int32, (BT, E), 1)
    i1 = jnp.argmax(probs, axis=-1, keepdims=True)
    is1 = cols == i1
    probs_m = jnp.where(is1, -1.0, probs)
    i2 = jnp.argmax(probs_m, axis=-1, keepdims=True)
    is2 = cols == i2
    w1 = jnp.max(probs, axis=-1, keepdims=True)
    w2 = jnp.max(probs_m, axis=-1, keepdims=True)

    w8_ref[...] = jnp.where(cols == 0, w1, jnp.where(cols == 1, w2, 0.0))

    a1 = is1.astype(jnp.float32)
    a2 = is2.astype(jnp.float32)
    tri = (lax.broadcasted_iota(jnp.int32, (BT, BT), 1)
           < lax.broadcasted_iota(jnp.int32, (BT, BT), 0)).astype(jnp.bfloat16)
    cum1 = jnp.dot(tri, a1.astype(jnp.bfloat16),
                   preferred_element_type=jnp.float32)
    cum2 = jnp.dot(tri, a2.astype(jnp.bfloat16),
                   preferred_element_type=jnp.float32)
    s1 = jnp.sum(a1, axis=0, keepdims=True)
    s2 = jnp.sum(a2, axis=0, keepdims=True)
    cnt = cnt_ref[...]
    rank1 = cnt + cum1
    rank2 = cnt + s1 + cum2
    cnt_ref[...] = cnt + s1 + s2

    e0_ref[i] = a1
    e1_ref[i] = a2
    r0_ref[i] = a1 * rank1
    r1_ref[i] = a2 * rank2

    @pl.when(i == nsteps - 1)
    def _finale():
        counts = cnt_ref[...]
        tiles = jnp.ceil(counts * (1.0 / BG))
        et = lax.broadcasted_iota(jnp.int32, (E, E), 0)
        ee = lax.broadcasted_iota(jnp.int32, (E, E), 1)
        mlt = (et < ee).astype(jnp.float32)
        cum_excl = jnp.dot(tiles, mlt,
                           preferred_element_type=jnp.float32)
        base_rows = cum_excl * float(BG)

        oh0 = e0_ref[...].reshape(T, E)
        oh1 = e1_ref[...].reshape(T, E)
        rf0 = r0_ref[...].reshape(T, E)
        rf1 = r1_ref[...].reshape(T, E)
        dst0_ref[...] = jnp.sum(oh0 * base_rows + rf0, axis=-1,
                                keepdims=True).astype(jnp.int32)
        dst1_ref[...] = jnp.sum(oh1 * base_rows + rf1, axis=-1,
                                keepdims=True).astype(jnp.int32)

        gg = lax.broadcasted_iota(jnp.int32, (G, E), 0).astype(jnp.float32)
        ge = lax.broadcasted_iota(jnp.int32, (G, E), 1).astype(jnp.float32)
        lo = cum_excl
        hi = cum_excl + tiles
        in_e = jnp.logical_and(gg >= lo, gg < hi).astype(jnp.float32)
        te = jnp.sum(in_e * ge, axis=-1, keepdims=True)
        any_e = jnp.sum(in_e, axis=-1, keepdims=True)
        te_ref[...] = jnp.where(any_e > 0.0, te, -1.0).astype(jnp.int32)


def _router(hidden_states, router_weight):
    return pl.pallas_call(
        _router_body,
        grid=(T // BT,),
        in_specs=[
            pl.BlockSpec((BT, D), lambda i: (i, 0)),
            pl.BlockSpec((E, D), lambda i: (0, 0)),
        ],
        out_specs=[
            pl.BlockSpec((BT, E), lambda i: (i, 0)),
            pl.BlockSpec((T, 1), lambda i: (0, 0)),
            pl.BlockSpec((T, 1), lambda i: (0, 0)),
            pl.BlockSpec((G, 1), lambda i: (0, 0)),
        ],
        out_shape=[
            jax.ShapeDtypeStruct((T, E), jnp.float32),
            jax.ShapeDtypeStruct((T, 1), jnp.int32),
            jax.ShapeDtypeStruct((T, 1), jnp.int32),
            jax.ShapeDtypeStruct((G, 1), jnp.int32),
        ],
        scratch_shapes=[
            pltpu.VMEM((1, E), jnp.float32),
            pltpu.VMEM((T // BT, BT, E), jnp.float32),
            pltpu.VMEM((T // BT, BT, E), jnp.float32),
            pltpu.VMEM((T // BT, BT, E), jnp.float32),
            pltpu.VMEM((T // BT, BT, E), jnp.float32),
        ],
        compiler_params=pltpu.CompilerParams(
            dimension_semantics=("arbitrary",)),
    )(hidden_states, router_weight)


@functools.cache
def _make_dispatch():
    mesh = plsc.VectorSubcoreMesh(core_axis_name="c", subcore_axis_name="s")

    nch = T * K // NW // CH

    @functools.partial(
        pl.kernel,
        out_type=jax.ShapeDtypeStruct((P, D), jnp.float32),
        mesh=mesh,
        scratch_types=[
            pltpu.VMEM((nch, CH), jnp.int32),
            pltpu.VMEM((CH, D), jnp.float32),
            pltpu.VMEM((CH, D), jnp.float32),
            pltpu.SemaphoreType.DMA,
            pltpu.SemaphoreType.DMA,
            pltpu.SemaphoreType.DMA,
        ],
    )
    def _dispatch(hid_hbm, i0_hbm, i1_hbm, xp_hbm, idx_v, rows0, rows1,
                  ls0, ls1, ss):
        wid = lax.axis_index("s") * NC + lax.axis_index("c")
        npairs = T * K // NW
        tb = (wid % (T // npairs)) * npairs
        rows = (rows0, rows1)
        lsem = (ls0, ls1)
        half = T // npairs
        irow = (wid % half) * nch

        @pl.when(wid < half)
        def _load0():
            pltpu.sync_copy(i0_hbm.at[pl.ds(irow, nch)], idx_v)

        @pl.when(wid >= half)
        def _load1():
            pltpu.sync_copy(i1_hbm.at[pl.ds(irow, nch)], idx_v)
        cp0 = pltpu.make_async_copy(hid_hbm.at[pl.ds(tb, CH)], rows0, ls0)
        cp0.start()
        cp1 = pltpu.make_async_copy(hid_hbm.at[pl.ds(tb + CH, CH)], rows1,
                                    ls1)
        cp1.start()
        loads = [cp0, cp1]
        for c in range(nch):
            b = c % 2
            loads[b].wait()
            pltpu.async_copy(rows[b], xp_hbm.at[idx_v.at[c]], ss).wait()
            if c + 2 < nch:
                cp = pltpu.make_async_copy(
                    hid_hbm.at[pl.ds(tb + (c + 2) * CH, CH)], rows[b],
                    lsem[b])
                cp.start()
                loads[b] = cp

    return _dispatch


def _gemm_body(te_ref, x_ref, wgu_ref, wd_ref, y_ref, wgu_bf, wd_bf):
    g = pl.program_id(0)
    te_g = te_ref[g]
    changed = jnp.logical_or(g == 0, te_g != te_ref[jnp.maximum(g - 1, 0)])

    @pl.when(jnp.logical_and(te_g >= 0, changed))
    def _cast():
        wgu_bf[...] = wgu_ref[0].astype(jnp.bfloat16)
        wd_bf[...] = wd_ref[0].astype(jnp.bfloat16)

    @pl.when(te_g >= 0)
    def _compute():
        gu = jnp.dot(x_ref[...].astype(jnp.bfloat16), wgu_bf[...],
                     preferred_element_type=jnp.float32)
        gt = gu[:, :F]
        up = gu[:, F:]
        h = (gt * lax.logistic(gt) * up).astype(jnp.bfloat16)
        y_ref[...] = jnp.dot(h, wd_bf[...],
                             preferred_element_type=jnp.float32)


def _gemm(te, xp, wgu_f32, wd_f32):
    def _emap(g, te):
        return (jnp.where(te[g] < 0, E - 1, te[g]), 0, 0)

    grid_spec = pltpu.PrefetchScalarGridSpec(
        num_scalar_prefetch=1,
        grid=(G,),
        in_specs=[
            pl.BlockSpec((BG, D), lambda g, te: (g, 0)),
            pl.BlockSpec((1, D, 2 * F), _emap),
            pl.BlockSpec((1, F, D), _emap),
        ],
        out_specs=pl.BlockSpec((BG, D), lambda g, te: (g, 0)),
        scratch_shapes=[
            pltpu.VMEM((D, 2 * F), jnp.bfloat16),
            pltpu.VMEM((F, D), jnp.bfloat16),
        ],
    )
    return pl.pallas_call(
        _gemm_body,
        grid_spec=grid_spec,
        out_shape=jax.ShapeDtypeStruct((P, D), jnp.float32),
        compiler_params=pltpu.CompilerParams(
            dimension_semantics=("arbitrary",)),
    )(te, xp, wgu_f32, wd_f32)


@functools.cache
def _make_combine():
    mesh = plsc.VectorSubcoreMesh(core_axis_name="c", subcore_axis_name="s")

    nch = T // NW // CH

    @functools.partial(
        pl.kernel,
        out_type=[
            jax.ShapeDtypeStruct((T, D), jnp.float32),
            jax.ShapeDtypeStruct((T, D), jnp.float32),
        ],
        mesh=mesh,
        scratch_types=[
            pltpu.VMEM((nch, CH), jnp.int32),
            pltpu.VMEM((nch, CH), jnp.int32),
            pltpu.VMEM((CH, D), jnp.float32),
            pltpu.VMEM((CH, D), jnp.float32),
            pltpu.SemaphoreType.DMA,
            pltpu.SemaphoreType.DMA,
        ],
    )
    def _combine(y_hbm, d0_hbm, d1_hbm, a_hbm, b_hbm, i0_v, i1_v, rows0,
                 rows1, g0, g1, ):
        wid = lax.axis_index("s") * NC + lax.axis_index("c")
        ntok = T // NW
        rows = (rows0, rows1)
        gsem = (g0, g1)
        pltpu.sync_copy(d0_hbm.at[pl.ds(wid * nch, nch)], i0_v)
        pltpu.sync_copy(d1_hbm.at[pl.ds(wid * nch, nch)], i1_v)
        units = [(kk, cc) for cc in range(nch) for kk in range(2)]

        def _start(u, b):
            kk, cc = units[u]
            iv = i0_v if kk == 0 else i1_v
            cp = pltpu.make_async_copy(y_hbm.at[iv.at[cc]], rows[b],
                                       gsem[b])
            cp.start()
            return cp

        gat = [_start(0, 0), _start(1, 1)]
        for u in range(len(units)):
            b = u % 2
            kk, cc = units[u]
            gat[b].wait()
            dest = a_hbm if kk == 0 else b_hbm
            pltpu.sync_copy(rows[b], dest.at[pl.ds(wid * ntok + cc * CH,
                                                   CH)])
            if u + 2 < len(units):
                gat[b] = _start(u + 2, b)

    return _combine


def _final_body(a_ref, b_ref, w8_ref, out_ref):
    w8 = w8_ref[...]
    cols = lax.broadcasted_iota(jnp.int32, (BT, E), 1)
    w0 = jnp.sum(jnp.where(cols == 0, w8, 0.0), axis=-1, keepdims=True)
    w1 = jnp.sum(jnp.where(cols == 1, w8, 0.0), axis=-1, keepdims=True)
    out_ref[...] = w0 * a_ref[...] + w1 * b_ref[...]


def _final(a, b, w8):
    return pl.pallas_call(
        _final_body,
        grid=(T // BT,),
        in_specs=[
            pl.BlockSpec((BT, D), lambda i: (i, 0)),
            pl.BlockSpec((BT, D), lambda i: (i, 0)),
            pl.BlockSpec((BT, E), lambda i: (i, 0)),
        ],
        out_specs=pl.BlockSpec((BT, D), lambda i: (i, 0)),
        out_shape=jax.ShapeDtypeStruct((T, D), jnp.float32),
    )(a, b, w8)


@jax.jit
def kernel(hidden_states, router_weight, merged_gate_up_proj, merged_down_proj):
    w8, dst0, dst1, te = _router(hidden_states, router_weight)
    d0 = dst0.reshape(T // CH, CH)
    d1 = dst1.reshape(T // CH, CH)
    xp = _make_dispatch()(hidden_states, d0, d1)
    y = _gemm(te.reshape(G), xp, merged_gate_up_proj, merged_down_proj)
    a, b = _make_combine()(y, d0, d1)
    return _final(a, b, w8)

# --- scband reference (transcript-rebuilt; emitter-appended) ---
"""Pipeline reference for scband-qwen2-mo-elayer-80676665688478 (READ-ONLY COPY).

The authoritative reference and input builder live on the scoring server;
editing this copy changes nothing except your own understanding.
"""

import jax, jax.numpy as jnp
import numpy as np

T = 4096   # batch 2 * seq_len 2048
D = 1024   # hidden_size
F = 512    # moe_intermediate_size
E = 8      # num_experts
K = 2      # top_k

def setup_inputs(seed: int = 0) -> dict:
    key = jax.random.key(seed)
    k1, k2, k3, k4 = jax.random.split(key, 4)
    hidden_states = jax.random.normal(k1, (T, D), dtype=jnp.float32)
    # Router weight kept in float32, matching the original module's assertion.
    router_weight = jax.random.normal(k2, (E, D), dtype=jnp.float32) * 0.02
    # GroupedMLP merged parameters: [E, D, 2F] and [E, F, D]
    merged_gate_up_proj = jax.random.normal(k3, (E, D, 2 * F), dtype=jnp.float32) * 0.02
    merged_down_proj = jax.random.normal(k4, (E, F, D), dtype=jnp.float32) * 0.02
    return {
        "hidden_states": hidden_states,
        "router_weight": router_weight,
        "merged_gate_up_proj": merged_gate_up_proj,
        "merged_down_proj": merged_down_proj,
    }

def reference(hidden_states, router_weight, merged_gate_up_proj, merged_down_proj):
    # Router.gating: logits in fp32 (no bias)
    logits = hidden_states.astype(jnp.float32) @ router_weight.T  # [T, E]
    # Router.top_k_softmax (topk_version=False -> dense masked gates)
    probs = jax.nn.softmax(logits, axis=-1)
    routing_weights, routing_indices = jax.lax.top_k(probs, K)  # [T, K]
    rows = jnp.arange(logits.shape[0])[:, None]
    topk_masked_gates = jnp.zeros_like(logits).at[rows, routing_indices].set(routing_weights)  # [T, E]
    topk_map = jnp.zeros_like(logits).at[rows, routing_indices].set(1.0)
    # _dispatch_tokens bookkeeping (bincount over routing indices)
    num_tokens_per_expert = jnp.sum(topk_map.astype(jnp.int32), axis=0)  # [E]
    # GroupedMLP (grouped gemm expressed densely: each expert applied to its tokens,
    # masked combine is mathematically identical to permute -> gmm -> unpermute)
    merged_states = jnp.einsum('td,edf->etf', hidden_states, merged_gate_up_proj)  # [E, T, 2F]
    gate_states, up_states = jnp.split(merged_states, 2, axis=-1)
    h = jax.nn.silu(gate_states) * up_states  # [E, T, F]
    expert_out = jnp.einsum('etf,efd->etd', h, merged_down_proj)  # [E, T, D]
    # _combine_expert_outputs: weighted sum by routing weights (unpermute)
    out = jnp.einsum('te,etd->td', topk_masked_gates, expert_out)  # [T, D]
    return out

if __name__ == "__main__":
    import jax
    _d = setup_inputs()
    print(jax.jit(kernel)(*tuple(_d.values())))

</pallas_src>

<mosaic_0001>
#map = affine_map<(d0, d1) -> (0, 0)>
module attributes {stable_mosaic.version = 14 : i64} {
  func.func @_dispatch(%arg0: i32, %arg1: i32, %arg2: memref<4096x1024xf32, #tpu.memory_space<hbm>>, %arg3: memref<128x32xi32, #tpu.memory_space<hbm>>, %arg4: memref<128x32xi32, #tpu.memory_space<hbm>>, %arg5: memref<12288x1024xf32, #tpu.memory_space<hbm>>, %arg6: memref<8x32xi32, #tpu.memory_space<vmem>>, %arg7: memref<32x1024xf32, #tpu.memory_space<vmem>>, %arg8: memref<32x1024xf32, #tpu.memory_space<vmem>>, %arg9: memref<!tpu.dma_semaphore, #tpu.memory_space<semaphore_mem>>, %arg10: memref<!tpu.dma_semaphore, #tpu.memory_space<semaphore_mem>>, %arg11: memref<!tpu.dma_semaphore, #tpu.memory_space<semaphore_mem>>) attributes {dimension_semantics = [#tpu.dimension_semantics<core_parallel>, #tpu.dimension_semantics<subcore_parallel>], iteration_bounds = array<i64: 2, 16>, scalar_prefetch = 0 : i64, scratch_operands = 6 : i64, tpu.core_type = #tpu.core_type<sc_vector_subcore>, window_params = [{transform_indices = #map}, {transform_indices = #map}, {transform_indices = #map}, {transform_indices = #map}]} {
    %mul3A = arith.constant 2 : i32
    %mul3A_0 = arith.muli %arg1, %mul3A : i32
    %add3A = arith.addi %mul3A_0, %arg0 : i32
    %jit3A = arith.constant 16 : i32
    %eq3A = arith.constant 0 : i32
    %eq3A_1 = arith.cmpi eq, %jit3A, %eq3A : i32
    %jit3A_2 = arith.constant 1 : i32
    %select_n3A = arith.select %eq3A_1, %jit3A_2, %jit3A : i32
    %rem3A = arith.remsi %add3A, %select_n3A : i32
    %ne3A = arith.constant 0 : i32
    %ne3A_3 = arith.cmpi ne, %rem3A, %ne3A : i32
    %lt3A = arith.constant 0 : i32
    %lt3A_4 = arith.cmpi slt, %rem3A, %lt3A : i32
    %lt3A_5 = arith.constant 0 : i32
    %lt3A_6 = arith.cmpi slt, %select_n3A, %lt3A_5 : i32
    %ne3A_7 = arith.xori %lt3A_4, %lt3A_6 : i1
    %and3A = arith.andi %ne3A_7, %ne3A_3 : i1
    %add3A_8 = arith.addi %rem3A, %select_n3A : i32
    %select_n3A_9 = arith.select %and3A, %add3A_8, %rem3A : i32
    %mul3A_10 = arith.constant 256 : i32
    %mul3A_11 = arith.muli %select_n3A_9, %mul3A_10 : i32
    %jit3A_12 = arith.constant 16 : i32
    %eq3A_13 = arith.constant 0 : i32
    %eq3A_14 = arith.cmpi eq, %jit3A_12, %eq3A_13 : i32
    %jit3A_15 = arith.constant 1 : i32
    %select_n3A_16 = arith.select %eq3A_14, %jit3A_15, %jit3A_12 : i32
    %rem3A_17 = arith.remsi %add3A, %select_n3A_16 : i32
    %ne3A_18 = arith.constant 0 : i32
    %ne3A_19 = arith.cmpi ne, %rem3A_17, %ne3A_18 : i32
    %lt3A_20 = arith.constant 0 : i32
    %lt3A_21 = arith.cmpi slt, %rem3A_17, %lt3A_20 : i32
    %lt3A_22 = arith.constant 0 : i32
    %lt3A_23 = arith.cmpi slt, %select_n3A_16, %lt3A_22 : i32
    %ne3A_24 = arith.xori %lt3A_21, %lt3A_23 : i1
    %and3A_25 = arith.andi %ne3A_24, %ne3A_19 : i1
    %add3A_26 = arith.addi %rem3A_17, %select_n3A_16 : i32
    %select_n3A_27 = arith.select %and3A_25, %add3A_26, %rem3A_17 : i32
    %mul3A_28 = arith.constant 8 : i32
    %mul3A_29 = arith.muli %select_n3A_27, %mul3A_28 : i32
    %lt3A_30 = arith.constant 16 : i32
    %lt3A_31 = arith.cmpi slt, %add3A, %lt3A_30 : i32
    %convert_element_type3A = arith.extui %lt3A_31 : i1 to i32
    %cond3A = arith.constant 0 : i32
    %cond3A_32 = arith.cmpi ne, %convert_element_type3A, %cond3A : i32
    scf.if %cond3A_32 {
      "tpu.region"() ({
        %run_scoped3A = tpu.sem_alloc : memref<!tpu.dma_semaphore, #tpu.memory_space<semaphore_mem>>
        %dma_start3A_225 = arith.constant 0 : i32
        %dma_start3A_226 = tpu.memref_slice %arg3[%mul3A_29, %dma_start3A_225] : memref<128x32xi32, #tpu.memory_space<hbm>> -> memref<8x32xi32, #tpu.memory_space<hbm>>
        %dma_start3A_227 = arith.constant 0 : i32
        %dma_start3A_228 = tpu.memref_slice %arg3[%mul3A_29, %dma_start3A_227] : memref<128x32xi32, #tpu.memory_space<hbm>> -> memref<8x32xi32, #tpu.memory_space<hbm>>
        tpu.enqueue_dma source(%dma_start3A_228 : memref<8x32xi32, #tpu.memory_space<hbm>>) target(%arg6 : memref<8x32xi32, #tpu.memory_space<vmem>>) target_semaphore(%run_scoped3A : memref<!tpu.dma_semaphore, #tpu.memory_space<semaphore_mem>>)
        %dma_wait3A_229 = arith.constant 0 : i32
        %dma_wait3A_230 = tpu.memref_slice %arg3[%mul3A_29, %dma_wait3A_229] : memref<128x32xi32, #tpu.memory_space<hbm>> -> memref<8x32xi32, #tpu.memory_space<hbm>>
        %dma_wait3A_231 = arith.constant 0 : i32
        %dma_wait3A_232 = tpu.memref_slice %arg3[%mul3A_29, %dma_wait3A_231] : memref<128x32xi32, #tpu.memory_space<hbm>> -> memref<8x32xi32, #tpu.memory_space<hbm>>
        tpu.wait_dma2 semaphore(%run_scoped3A : memref<!tpu.dma_semaphore, #tpu.memory_space<semaphore_mem>>) src(%dma_wait3A_232 : memref<8x32xi32, #tpu.memory_space<hbm>>) dst(%arg6 : memref<8x32xi32, #tpu.memory_space<vmem>>)
        tpu.yield
      }) : () -> ()
    } else {
    }
    %ge3A = arith.constant 16 : i32
    %ge3A_33 = arith.cmpi sge, %add3A, %ge3A : i32
    %convert_element_type3A_34 = arith.extui %ge3A_33 : i1 to i32
    %cond3A_35 = arith.constant 0 : i32
    %cond3A_36 = arith.cmpi ne, %convert_element_type3A_34, %cond3A_35 : i32
    scf.if %cond3A_36 {
      "tpu.region"() ({
        %run_scoped3A = tpu.sem_alloc : memref<!tpu.dma_semaphore, #tpu.memory_space<semaphore_mem>>
        %dma_start3A_225 = arith.constant 0 : i32
        %dma_start3A_226 = tpu.memref_slice %arg4[%mul3A_29, %dma_start3A_225] : memref<128x32xi32, #tpu.memory_space<hbm>> -> memref<8x32xi32, #tpu.memory_space<hbm>>
        %dma_start3A_227 = arith.constant 0 : i32
        %dma_start3A_228 = tpu.memref_slice %arg4[%mul3A_29, %dma_start3A_227] : memref<128x32xi32, #tpu.memory_space<hbm>> -> memref<8x32xi32, #tpu.memory_space<hbm>>
        tpu.enqueue_dma source(%dma_start3A_228 : memref<8x32xi32, #tpu.memory_space<hbm>>) target(%arg6 : memref<8x32xi32, #tpu.memory_space<vmem>>) target_semaphore(%run_scoped3A : memref<!tpu.dma_semaphore, #tpu.memory_space<semaphore_mem>>)
        %dma_wait3A_229 = arith.constant 0 : i32
        %dma_wait3A_230 = tpu.memref_slice %arg4[%mul3A_29, %dma_wait3A_229] : memref<128x32xi32, #tpu.memory_space<hbm>> -> memref<8x32xi32, #tpu.memory_space<hbm>>
        %dma_wait3A_231 = arith.constant 0 : i32
        %dma_wait3A_232 = tpu.memref_slice %arg4[%mul3A_29, %dma_wait3A_231] : memref<128x32xi32, #tpu.memory_space<hbm>> -> memref<8x32xi32, #tpu.memory_space<hbm>>
        tpu.wait_dma2 semaphore(%run_scoped3A : memref<!tpu.dma_semaphore, #tpu.memory_space<semaphore_mem>>) src(%dma_wait3A_232 : memref<8x32xi32, #tpu.memory_space<hbm>>) dst(%arg6 : memref<8x32xi32, #tpu.memory_space<vmem>>)
        tpu.yield
      }) : () -> ()
    } else {
    }
    %dma_start3A = arith.constant 0 : i32
    %dma_start3A_37 = tpu.memref_slice %arg2[%mul3A_11, %dma_start3A] : memref<4096x1024xf32, #tpu.memory_space<hbm>> -> memref<32x1024xf32, #tpu.memory_space<hbm>>
    %dma_start3A_38 = arith.constant 0 : i32
    %dma_start3A_39 = tpu.memref_slice %arg2[%mul3A_11, %dma_start3A_38] : memref<4096x1024xf32, #tpu.memory_space<hbm>> -> memref<32x1024xf32, #tpu.memory_space<hbm>>
    tpu.enqueue_dma source(%dma_start3A_39 : memref<32x1024xf32, #tpu.memory_space<hbm>>) target(%arg7 : memref<32x1024xf32, #tpu.memory_space<vmem>>) target_semaphore(%arg9 : memref<!tpu.dma_semaphore, #tpu.memory_space<semaphore_mem>>)
    %add3A_40 = arith.constant 32 : i32
    %add3A_41 = arith.addi %mul3A_11, %add3A_40 : i32
    %dma_start3A_42 = arith.constant 0 : i32
    %dma_start3A_43 = tpu.memref_slice %arg2[%add3A_41, %dma_start3A_42] : memref<4096x1024xf32, #tpu.memory_space<hbm>> -> memref<32x1024xf32, #tpu.memory_space<hbm>>
    %dma_start3A_44 = arith.constant 0 : i32
    %dma_start3A_45 = tpu.memref_slice %arg2[%add3A_41, %dma_start3A_44] : memref<4096x1024xf32, #tpu.memory_space<hbm>> -> memref<32x1024xf32, #tpu.memory_space<hbm>>
    tpu.enqueue_dma source(%dma_start3A_45 : memref<32x1024xf32, #tpu.memory_space<hbm>>) target(%arg8 : memref<32x1024xf32, #tpu.memory_space<vmem>>) target_semaphore(%arg10 : memref<!tpu.dma_semaphore, #tpu.memory_space<semaphore_mem>>)
    %dma_wait3A = arith.constant 0 : i32
    %dma_wait3A_46 = tpu.memref_slice %arg2[%mul3A_11, %dma_wait3A] : memref<4096x1024xf32, #tpu.memory_space<hbm>> -> memref<32x1024xf32, #tpu.memory_space<hbm>>
    %dma_wait3A_47 = arith.constant 0 : i32
    %dma_wait3A_48 = tpu.memref_slice %arg2[%mul3A_11, %dma_wait3A_47] : memref<4096x1024xf32, #tpu.memory_space<hbm>> -> memref<32x1024xf32, #tpu.memory_space<hbm>>
    tpu.wait_dma2 semaphore(%arg9 : memref<!tpu.dma_semaphore, #tpu.memory_space<semaphore_mem>>) src(%dma_wait3A_48 : memref<32x1024xf32, #tpu.memory_space<hbm>>) dst(%arg7 : memref<32x1024xf32, #tpu.memory_space<vmem>>)
    %dma_start3A_49 = arith.constant 0 : i32
    %dma_start3A_50 = arith.constant 0 : i32
    %dma_start3A_51 = tpu.memref_slice %arg6[%dma_start3A_49, %dma_start3A_50] : memref<8x32xi32, #tpu.memory_space<vmem>> -> memref<1x32xi32, #tpu.memory_space<vmem>>
    %dma_start3A_52 = tpu.memref_squeeze %dma_start3A_51 : memref<1x32xi32, #tpu.memory_space<vmem>> -> memref<32xi32, #tpu.memory_space<vmem>>
    %dma_start3A_53 = arith.constant 0 : i32
    %dma_start3A_54 = arith.constant 0 : i32
    %dma_start3A_55 = tpu.memref_slice %arg5[%dma_start3A_53, %dma_start3A_54] : memref<12288x1024xf32, #tpu.memory_space<hbm>> -> memref<12288x1024xf32, #tpu.memory_space<hbm>>
    tpu.enqueue_indirect_dma source(%arg7 : memref<32x1024xf32, #tpu.memory_space<vmem>>) target(%dma_start3A_55 : memref<12288x1024xf32, #tpu.memory_space<hbm>>) offsets(%dma_start3A_52 : memref<32xi32, #tpu.memory_space<vmem>>) semaphore(%arg11 : memref<!tpu.dma_semaphore, #tpu.memory_space<semaphore_mem>>)
    %dma_wait3A_56 = arith.constant 0 : i32
    %dma_wait3A_57 = arith.constant 0 : i32
    %dma_wait3A_58 = tpu.memref_slice %arg6[%dma_wait3A_56, %dma_wait3A_57] : memref<8x32xi32, #tpu.memory_space<vmem>> -> memref<1x32xi32, #tpu.memory_space<vmem>>
    %dma_wait3A_59 = tpu.memref_squeeze %dma_wait3A_58 : memref<1x32xi32, #tpu.memory_space<vmem>> -> memref<32xi32, #tpu.memory_space<vmem>>
    %dma_wait3A_60 = arith.constant 0 : i32
    %dma_wait3A_61 = arith.constant 0 : i32
    %dma_wait3A_62 = tpu.memref_slice %arg5[%dma_wait3A_60, %dma_wait3A_61] : memref<12288x1024xf32, #tpu.memory_space<hbm>> -> memref<12288x1024xf32, #tpu.memory_space<hbm>>
    tpu.wait_indirect_dma semaphore(%arg11 : memref<!tpu.dma_semaphore, #tpu.memory_space<semaphore_mem>>) src(%arg7 : memref<32x1024xf32, #tpu.memory_space<vmem>>) dst(%dma_wait3A_62 : memref<12288x1024xf32, #tpu.memory_space<hbm>>)
    %add3A_63 = arith.constant 64 : i32
    %add3A_64 = arith.addi %mul3A_11, %add3A_63 : i32
    %dma_start3A_65 = arith.constant 0 : i32
    %dma_start3A_66 = tpu.memref_slice %arg2[%add3A_64, %dma_start3A_65] : memref<4096x1024xf32, #tpu.memory_space<hbm>> -> memref<32x1024xf32, #tpu.memory_space<hbm>>
    %dma_start3A_67 = arith.constant 0 : i32
    %dma_start3A_68 = tpu.memref_slice %arg2[%add3A_64, %dma_start3A_67] : memref<4096x1024xf32, #tpu.memory_space<hbm>> -> memref<32x1024xf32, #tpu.memory_space<hbm>>
    tpu.enqueue_dma source(%dma_start3A_68 : memref<32x1024xf32, #tpu.memory_space<hbm>>) target(%arg7 : memref<32x1024xf32, #tpu.memory_space<vmem>>) target_semaphore(%arg9 : memref<!tpu.dma_semaphore, #tpu.memory_space<semaphore_mem>>)
    %dma_wait3A_69 = arith.constant 0 : i32
    %dma_wait3A_70 = tpu.memref_slice %arg2[%add3A_41, %dma_wait3A_69] : memref<4096x1024xf32, #tpu.memory_space<hbm>> -> memref<32x1024xf32, #tpu.memory_space<hbm>>
    %dma_wait3A_71 = arith.constant 0 : i32
    %dma_wait3A_72 = tpu.memref_slice %arg2[%add3A_41, %dma_wait3A_71] : memref<4096x1024xf32, #tpu.memory_space<hbm>> -> memref<32x1024xf32, #tpu.memory_space<hbm>>
    tpu.wait_dma2 semaphore(%arg10 : memref<!tpu.dma_semaphore, #tpu.memory_space<semaphore_mem>>) src(%dma_wait3A_72 : memref<32x1024xf32, #tpu.memory_space<hbm>>) dst(%arg8 : memref<32x1024xf32, #tpu.memory_space<vmem>>)
    %dma_start3A_73 = arith.constant 1 : i32
    %dma_start3A_74 = arith.constant 0 : i32
    %dma_start3A_75 = tpu.memref_slice %arg6[%dma_start3A_73, %dma_start3A_74] : memref<8x32xi32, #tpu.memory_space<vmem>> -> memref<1x32xi32, #tpu.memory_space<vmem>>
    %dma_start3A_76 = tpu.memref_squeeze %dma_start3A_75 : memref<1x32xi32, #tpu.memory_space<vmem>> -> memref<32xi32, #tpu.memory_space<vmem>>
    %dma_start3A_77 = arith.constant 0 : i32
    %dma_start3A_78 = arith.constant 0 : i32
    %dma_start3A_79 = tpu.memref_slice %arg5[%dma_start3A_77, %dma_start3A_78] : memref<12288x1024xf32, #tpu.memory_space<hbm>> -> memref<12288x1024xf32, #tpu.memory_space<hbm>>
    tpu.enqueue_indirect_dma source(%arg8 : memref<32x1024xf32, #tpu.memory_space<vmem>>) target(%dma_start3A_79 : memref<12288x1024xf32, #tpu.memory_space<hbm>>) offsets(%dma_start3A_76 : memref<32xi32, #tpu.memory_space<vmem>>) semaphore(%arg11 : memref<!tpu.dma_semaphore, #tpu.memory_space<semaphore_mem>>)
    %dma_wait3A_80 = arith.constant 1 : i32
    %dma_wait3A_81 = arith.constant 0 : i32
    %dma_wait3A_82 = tpu.memref_slice %arg6[%dma_wait3A_80, %dma_wait3A_81] : memref<8x32xi32, #tpu.memory_space<vmem>> -> memref<1x32xi32, #tpu.memory_space<vmem>>
    %dma_wait3A_83 = tpu.memref_squeeze %dma_wait3A_82 : memref<1x32xi32, #tpu.memory_space<vmem>> -> memref<32xi32, #tpu.memory_space<vmem>>
    %dma_wait3A_84 = arith.constant 0 : i32
    %dma_wait3A_85 = arith.constant 0 : i32
    %dma_wait3A_86 = tpu.memref_slice %arg5[%dma_wait3A_84, %dma_wait3A_85] : memref<12288x1024xf32, #tpu.memory_space<hbm>> -> memref<12288x1024xf32, #tpu.memory_space<hbm>>
    tpu.wait_indirect_dma semaphore(%arg11 : memref<!tpu.dma_semaphore, #tpu.memory_space<semaphore_mem>>) src(%arg8 : memref<32x1024xf32, #tpu.memory_space<vmem>>) dst(%dma_wait3A_86 : memref<12288x1024xf32, #tpu.memory_space<hbm>>)
    %add3A_87 = arith.constant 96 : i32
    %add3A_88 = arith.addi %mul3A_11, %add3A_87 : i32
    %dma_start3A_89 = arith.constant 0 : i32
    %dma_start3A_90 = tpu.memref_slice %arg2[%add3A_88, %dma_start3A_89] : memref<4096x1024xf32, #tpu.memory_space<hbm>> -> memref<32x1024xf32, #tpu.memory_space<hbm>>
    %dma_start3A_91 = arith.constant 0 : i32
    %dma_start3A_92 = tpu.memref_slice %arg2[%add3A_88, %dma_start3A_91] : memref<4096x1024xf32, #tpu.memory_space<hbm>> -> memref<32x1024xf32, #tpu.memory_space<hbm>>
    tpu.enqueue_dma source(%dma_start3A_92 : memref<32x1024xf32, #tpu.memory_space<hbm>>) target(%arg8 : memref<32x1024xf32, #tpu.memory_space<vmem>>) target_semaphore(%arg10 : memref<!tpu.dma_semaphore, #tpu.memory_space<semaphore_mem>>)
    %dma_wait3A_93 = arith.constant 0 : i32
    %dma_wait3A_94 = tpu.memref_slice %arg2[%add3A_64, %dma_wait3A_93] : memref<4096x1024xf32, #tpu.memory_space<hbm>> -> memref<32x1024xf32, #tpu.memory_space<hbm>>
    %dma_wait3A_95 = arith.constant 0 : i32
    %dma_wait3A_96 = tpu.memref_slice %arg2[%add3A_64, %dma_wait3A_95] : memref<4096x1024xf32, #tpu.memory_space<hbm>> -> memref<32x1024xf32, #tpu.memory_space<hbm>>
    tpu.wait_dma2 semaphore(%arg9 : memref<!tpu.dma_semaphore, #tpu.memory_space<semaphore_mem>>) src(%dma_wait3A_96 : memref<32x1024xf32, #tpu.memory_space<hbm>>) dst(%arg7 : memref<32x1024xf32, #tpu.memory_space<vmem>>)
    %dma_start3A_97 = arith.constant 2 : i32
    %dma_start3A_98 = arith.constant 0 : i32
    %dma_start3A_99 = tpu.memref_slice %arg6[%dma_start3A_97, %dma_start3A_98] : memref<8x32xi32, #tpu.memory_space<vmem>> -> memref<1x32xi32, #tpu.memory_space<vmem>>
    %dma_start3A_100 = tpu.memref_squeeze %dma_start3A_99 : memref<1x32xi32, #tpu.memory_space<vmem>> -> memref<32xi32, #tpu.memory_space<vmem>>
    %dma_start3A_101 = arith.constant 0 : i32
    %dma_start3A_102 = arith.constant 0 : i32
    %dma_start3A_103 = tpu.memref_slice %arg5[%dma_start3A_101, %dma_start3A_102] : memref<12288x1024xf32, #tpu.memory_space<hbm>> -> memref<12288x1024xf32, #tpu.memory_space<hbm>>
    tpu.enqueue_indirect_dma source(%arg7 : memref<32x1024xf32, #tpu.memory_space<vmem>>) target(%dma_start3A_103 : memref<12288x1024xf32, #tpu.memory_space<hbm>>) offsets(%dma_start3A_100 : memref<32xi32, #tpu.memory_space<vmem>>) semaphore(%arg11 : memref<!tpu.dma_semaphore, #tpu.memory_space<semaphore_mem>>)
    %dma_wait3A_104 = arith.constant 2 : i32
    %dma_wait3A_105 = arith.constant 0 : i32
    %dma_wait3A_106 = tpu.memref_slice %arg6[%dma_wait3A_104, %dma_wait3A_105] : memref<8x32xi32, #tpu.memory_space<vmem>> -> memref<1x32xi32, #tpu.memory_space<vmem>>
    %dma_wait3A_107 = tpu.memref_squeeze %dma_wait3A_106 : memref<1x32xi32, #tpu.memory_space<vmem>> -> memref<32xi32, #tpu.memory_space<vmem>>
    %dma_wait3A_108 = arith.constant 0 : i32
    %dma_wait3A_109 = arith.constant 0 : i32
    %dma_wait3A_110 = tpu.memref_slice %arg5[%dma_wait3A_108, %dma_wait3A_109] : memref<12288x1024xf32, #tpu.memory_space<hbm>> -> memref<12288x1024xf32, #tpu.memory_space<hbm>>
    tpu.wait_indirect_dma semaphore(%arg11 : memref<!tpu.dma_semaphore, #tpu.memory_space<semaphore_mem>>) src(%arg7 : memref<32x1024xf32, #tpu.memory_space<vmem>>) dst(%dma_wait3A_110 : memref<12288x1024xf32, #tpu.memory_space<hbm>>)
    %add3A_111 = arith.constant 128 : i32
    %add3A_112 = arith.addi %mul3A_11, %add3A_111 : i32
    %dma_start3A_113 = arith.constant 0 : i32
    %dma_start3A_114 = tpu.memref_slice %arg2[%add3A_112, %dma_start3A_113] : memref<4096x1024xf32, #tpu.memory_space<hbm>> -> memref<32x1024xf32, #tpu.memory_space<hbm>>
    %dma_start3A_115 = arith.constant 0 : i32
    %dma_start3A_116 = tpu.memref_slice %arg2[%add3A_112, %dma_start3A_115] : memref<4096x1024xf32, #tpu.memory_space<hbm>> -> memref<32x1024xf32, #tpu.memory_space<hbm>>
    tpu.enqueue_dma source(%dma_start3A_116 : memref<32x1024xf32, #tpu.memory_space<hbm>>) target(%arg7 : memref<32x1024xf32, #tpu.memory_space<vmem>>) target_semaphore(%arg9 : memref<!tpu.dma_semaphore, #tpu.memory_space<semaphore_mem>>)
    %dma_wait3A_117 = arith.constant 0 : i32
    %dma_wait3A_118 = tpu.memref_slice %arg2[%add3A_88, %dma_wait3A_117] : memref<4096x1024xf32, #tpu.memory_space<hbm>> -> memref<32x1024xf32, #tpu.memory_space<hbm>>
    %dma_wait3A_119 = arith.constant 0 : i32
    %dma_wait3A_120 = tpu.memref_slice %arg2[%add3A_88, %dma_wait3A_119] : memref<4096x1024xf32, #tpu.memory_space<hbm>> -> memref<32x1024xf32, #tpu.memory_space<hbm>>
    tpu.wait_dma2 semaphore(%arg10 : memref<!tpu.dma_semaphore, #tpu.memory_space<semaphore_mem>>) src(%dma_wait3A_120 : memref<32x1024xf32, #tpu.memory_space<hbm>>) dst(%arg8 : memref<32x1024xf32, #tpu.memory_space<vmem>>)
    %dma_start3A_121 = arith.constant 3 : i32
    %dma_start3A_122 = arith.constant 0 : i32
    %dma_start3A_123 = tpu.memref_slice %arg6[%dma_start3A_121, %dma_start3A_122] : memref<8x32xi32, #tpu.memory_space<vmem>> -> memref<1x32xi32, #tpu.memory_space<vmem>>
    %dma_start3A_124 = tpu.memref_squeeze %dma_start3A_123 : memref<1x32xi32, #tpu.memory_space<vmem>> -> memref<32xi32, #tpu.memory_space<vmem>>
    %dma_start3A_125 = arith.constant 0 : i32
    %dma_start3A_126 = arith.constant 0 : i32
    %dma_start3A_127 = tpu.memref_slice %arg5[%dma_start3A_125, %dma_start3A_126] : memref<12288x1024xf32, #tpu.memory_space<hbm>> -> memref<12288x1024xf32, #tpu.memory_space<hbm>>
    tpu.enqueue_indirect_dma source(%arg8 : memref<32x1024xf32, #tpu.memory_space<vmem>>) target(%dma_start3A_127 : memref<12288x1024xf32, #tpu.memory_space<hbm>>) offsets(%dma_start3A_124 : memref<32xi32, #tpu.memory_space<vmem>>) semaphore(%arg11 : memref<!tpu.dma_semaphore, #tpu.memory_space<semaphore_mem>>)
    %dma_wait3A_128 = arith.constant 3 : i32
    %dma_wait3A_129 = arith.constant 0 : i32
    %dma_wait3A_130 = tpu.memref_slice %arg6[%dma_wait3A_128, %dma_wait3A_129] : memref<8x32xi32, #tpu.memory_space<vmem>> -> memref<1x32xi32, #tpu.memory_space<vmem>>
    %dma_wait3A_131 = tpu.memref_squeeze %dma_wait3A_130 : memref<1x32xi32, #tpu.memory_space<vmem>> -> memref<32xi32, #tpu.memory_space<vmem>>
    %dma_wait3A_132 = arith.constant 0 : i32
    %dma_wait3A_133 = arith.constant 0 : i32
    %dma_wait3A_134 = tpu.memref_slice %arg5[%dma_wait3A_132, %dma_wait3A_133] : memref<12288x1024xf32, #tpu.memory_space<hbm>> -> memref<12288x1024xf32, #tpu.memory_space<hbm>>
    tpu.wait_indirect_dma semaphore(%arg11 : memref<!tpu.dma_semaphore, #tpu.memory_space<semaphore_mem>>) src(%arg8 : memref<32x1024xf32, #tpu.memory_space<vmem>>) dst(%dma_wait3A_134 : memref<12288x1024xf32, #tpu.memory_space<hbm>>)
    %add3A_135 = arith.constant 160 : i32
    %add3A_136 = arith.addi %mul3A_11, %add3A_135 : i32
    %dma_start3A_137 = arith.constant 0 : i32
    %dma_start3A_138 = tpu.memref_slice %arg2[%add3A_136, %dma_start3A_137] : memref<4096x1024xf32, #tpu.memory_space<hbm>> -> memref<32x1024xf32, #tpu.memory_space<hbm>>
    %dma_start3A_139 = arith.constant 0 : i32
    %dma_start3A_140 = tpu.memref_slice %arg2[%add3A_136, %dma_start3A_139] : memref<4096x1024xf32, #tpu.memory_space<hbm>> -> memref<32x1024xf32, #tpu.memory_space<hbm>>
    tpu.enqueue_dma source(%dma_start3A_140 : memref<32x1024xf32, #tpu.memory_space<hbm>>) target(%arg8 : memref<32x1024xf32, #tpu.memory_space<vmem>>) target_semaphore(%arg10 : memref<!tpu.dma_semaphore, #tpu.memory_space<semaphore_mem>>)
    %dma_wait3A_141 = arith.constant 0 : i32
    %dma_wait3A_142 = tpu.memref_slice %arg2[%add3A_112, %dma_wait3A_141] : memref<4096x1024xf32, #tpu.memory_space<hbm>> -> memref<32x1024xf32, #tpu.memory_space<hbm>>
    %dma_wait3A_143 = arith.constant 0 : i32
    %dma_wait3A_144 = tpu.memref_slice %arg2[%add3A_112, %dma_wait3A_143] : memref<4096x1024xf32, #tpu.memory_space<hbm>> -> memref<32x1024xf32, #tpu.memory_space<hbm>>
    tpu.wait_dma2 semaphore(%arg9 : memref<!tpu.dma_semaphore, #tpu.memory_space<semaphore_mem>>) src(%dma_wait3A_144 : memref<32x1024xf32, #tpu.memory_space<hbm>>) dst(%arg7 : memref<32x1024xf32, #tpu.memory_space<vmem>>)
    %dma_start3A_145 = arith.constant 4 : i32
    %dma_start3A_146 = arith.constant 0 : i32
    %dma_start3A_147 = tpu.memref_slice %arg6[%dma_start3A_145, %dma_start3A_146] : memref<8x32xi32, #tpu.memory_space<vmem>> -> memref<1x32xi32, #tpu.memory_space<vmem>>
    %dma_start3A_148 = tpu.memref_squeeze %dma_start3A_147 : memref<1x32xi32, #tpu.memory_space<vmem>> -> memref<32xi32, #tpu.memory_space<vmem>>
    %dma_start3A_149 = arith.constant 0 : i32
    %dma_start3A_150 = arith.constant 0 : i32
    %dma_start3A_151 = tpu.memref_slice %arg5[%dma_start3A_149, %dma_start3A_150] : memref<12288x1024xf32, #tpu.memory_space<hbm>> -> memref<12288x1024xf32, #tpu.memory_space<hbm>>
    tpu.enqueue_indirect_dma source(%arg7 : memref<32x1024xf32, #tpu.memory_space<vmem>>) target(%dma_start3A_151 : memref<12288x1024xf32, #tpu.memory_space<hbm>>) offsets(%dma_start3A_148 : memref<32xi32, #tpu.memory_space<vmem>>) semaphore(%arg11 : memref<!tpu.dma_semaphore, #tpu.memory_space<semaphore_mem>>)
    %dma_wait3A_152 = arith.constant 4 : i32
    %dma_wait3A_153 = arith.constant 0 : i32
    %dma_wait3A_154 = tpu.memref_slice %arg6[%dma_wait3A_152, %dma_wait3A_153] : memref<8x32xi32, #tpu.memory_space<vmem>> -> memref<1x32xi32, #tpu.memory_space<vmem>>
    %dma_wait3A_155 = tpu.memref_squeeze %dma_wait3A_154 : memref<1x32xi32, #tpu.memory_space<vmem>> -> memref<32xi32, #tpu.memory_space<vmem>>
    %dma_wait3A_156 = arith.constant 0 : i32
    %dma_wait3A_157 = arith.constant 0 : i32
    %dma_wait3A_158 = tpu.memref_slice %arg5[%dma_wait3A_156, %dma_wait3A_157] : memref<12288x1024xf32, #tpu.memory_space<hbm>> -> memref<12288x1024xf32, #tpu.memory_space<hbm>>
    tpu.wait_indirect_dma semaphore(%arg11 : memref<!tpu.dma_semaphore, #tpu.memory_space<semaphore_mem>>) src(%arg7 : memref<32x1024xf32, #tpu.memory_space<vmem>>) dst(%dma_wait3A_158 : memref<12288x1024xf32, #tpu.memory_space<hbm>>)
    %add3A_159 = arith.constant 192 : i32
    %add3A_160 = arith.addi %mul3A_11, %add3A_159 : i32
    %dma_start3A_161 = arith.constant 0 : i32
    %dma_start3A_162 = tpu.memref_slice %arg2[%add3A_160, %dma_start3A_161] : memref<4096x1024xf32, #tpu.memory_space<hbm>> -> memref<32x1024xf32, #tpu.memory_space<hbm>>
    %dma_start3A_163 = arith.constant 0 : i32
    %dma_start3A_164 = tpu.memref_slice %arg2[%add3A_160, %dma_start3A_163] : memref<4096x1024xf32, #tpu.memory_space<hbm>> -> memref<32x1024xf32, #tpu.memory_space<hbm>>
    tpu.enqueue_dma source(%dma_start3A_164 : memref<32x1024xf32, #tpu.memory_space<hbm>>) target(%arg7 : memref<32x1024xf32, #tpu.memory_space<vmem>>) target_semaphore(%arg9 : memref<!tpu.dma_semaphore, #tpu.memory_space<semaphore_mem>>)
    %dma_wait3A_165 = arith.constant 0 : i32
    %dma_wait3A_166 = tpu.memref_slice %arg2[%add3A_136, %dma_wait3A_165] : memref<4096x1024xf32, #tpu.memory_space<hbm>> -> memref<32x1024xf32, #tpu.memory_space<hbm>>
    %dma_wait3A_167 = arith.constant 0 : i32
    %dma_wait3A_168 = tpu.memref_slice %arg2[%add3A_136, %dma_wait3A_167] : memref<4096x1024xf32, #tpu.memory_space<hbm>> -> memref<32x1024xf32, #tpu.memory_space<hbm>>
    tpu.wait_dma2 semaphore(%arg10 : memref<!tpu.dma_semaphore, #tpu.memory_space<semaphore_mem>>) src(%dma_wait3A_168 : memref<32x1024xf32, #tpu.memory_space<hbm>>) dst(%arg8 : memref<32x1024xf32, #tpu.memory_space<vmem>>)
    %dma_start3A_169 = arith.constant 5 : i32
    %dma_start3A_170 = arith.constant 0 : i32
    %dma_start3A_171 = tpu.memref_slice %arg6[%dma_start3A_169, %dma_start3A_170] : memref<8x32xi32, #tpu.memory_space<vmem>> -> memref<1x32xi32, #tpu.memory_space<vmem>>
    %dma_start3A_172 = tpu.memref_squeeze %dma_start3A_171 : memref<1x32xi32, #tpu.memory_space<vmem>> -> memref<32xi32, #tpu.memory_space<vmem>>
    %dma_start3A_173 = arith.constant 0 : i32
    %dma_start3A_174 = arith.constant 0 : i32
    %dma_start3A_175 = tpu.memref_slice %arg5[%dma_start3A_173, %dma_start3A_174] : memref<12288x1024xf32, #tpu.memory_space<hbm>> -> memref<12288x1024xf32, #tpu.memory_space<hbm>>
    tpu.enqueue_indirect_dma source(%arg8 : memref<32x1024xf32, #tpu.memory_space<vmem>>) target(%dma_start3A_175 : memref<12288x1024xf32, #tpu.memory_space<hbm>>) offsets(%dma_start3A_172 : memref<32xi32, #tpu.memory_space<vmem>>) semaphore(%arg11 : memref<!tpu.dma_semaphore, #tpu.memory_space<semaphore_mem>>)
    %dma_wait3A_176 = arith.constant 5 : i32
    %dma_wait3A_177 = arith.constant 0 : i32
    %dma_wait3A_178 = tpu.memref_slice %arg6[%dma_wait3A_176, %dma_wait3A_177] : memref<8x32xi32, #tpu.memory_space<vmem>> -> memref<1x32xi32, #tpu.memory_space<vmem>>
    %dma_wait3A_179 = tpu.memref_squeeze %dma_wait3A_178 : memref<1x32xi32, #tpu.memory_space<vmem>> -> memref<32xi32, #tpu.memory_space<vmem>>
    %dma_wait3A_180 = arith.constant 0 : i32
    %dma_wait3A_181 = arith.constant 0 : i32
    %dma_wait3A_182 = tpu.memref_slice %arg5[%dma_wait3A_180, %dma_wait3A_181] : memref<12288x1024xf32, #tpu.memory_space<hbm>> -> memref<12288x1024xf32, #tpu.memory_space<hbm>>
    tpu.wait_indirect_dma semaphore(%arg11 : memref<!tpu.dma_semaphore, #tpu.memory_space<semaphore_mem>>) src(%arg8 : memref<32x1024xf32, #tpu.memory_space<vmem>>) dst(%dma_wait3A_182 : memref<12288x1024xf32, #tpu.memory_space<hbm>>)
    %add3A_183 = arith.constant 224 : i32
    %add3A_184 = arith.addi %mul3A_11, %add3A_183 : i32
    %dma_start3A_185 = arith.constant 0 : i32
    %dma_start3A_186 = tpu.memref_slice %arg2[%add3A_184, %dma_start3A_185] : memref<4096x1024xf32, #tpu.memory_space<hbm>> -> memref<32x1024xf32, #tpu.memory_space<hbm>>
    %dma_start3A_187 = arith.constant 0 : i32
    %dma_start3A_188 = tpu.memref_slice %arg2[%add3A_184, %dma_start3A_187] : memref<4096x1024xf32, #tpu.memory_space<hbm>> -> memref<32x1024xf32, #tpu.memory_space<hbm>>
    tpu.enqueue_dma source(%dma_start3A_188 : memref<32x1024xf32, #tpu.memory_space<hbm>>) target(%arg8 : memref<32x1024xf32, #tpu.memory_space<vmem>>) target_semaphore(%arg10 : memref<!tpu.dma_semaphore, #tpu.memory_space<semaphore_mem>>)
    %dma_wait3A_189 = arith.constant 0 : i32
    %dma_wait3A_190 = tpu.memref_slice %arg2[%add3A_160, %dma_wait3A_189] : memref<4096x1024xf32, #tpu.memory_space<hbm>> -> memref<32x1024xf32, #tpu.memory_space<hbm>>
    %dma_wait3A_191 = arith.constant 0 : i32
    %dma_wait3A_192 = tpu.memref_slice %arg2[%add3A_160, %dma_wait3A_191] : memref<4096x1024xf32, #tpu.memory_space<hbm>> -> memref<32x1024xf32, #tpu.memory_space<hbm>>
    tpu.wait_dma2 semaphore(%arg9 : memref<!tpu.dma_semaphore, #tpu.memory_space<semaphore_mem>>) src(%dma_wait3A_192 : memref<32x1024xf32, #tpu.memory_space<hbm>>) dst(%arg7 : memref<32x1024xf32, #tpu.memory_space<vmem>>)
    %dma_start3A_193 = arith.constant 6 : i32
    %dma_start3A_194 = arith.constant 0 : i32
    %dma_start3A_195 = tpu.memref_slice %arg6[%dma_start3A_193, %dma_start3A_194] : memref<8x32xi32, #tpu.memory_space<vmem>> -> memref<1x32xi32, #tpu.memory_space<vmem>>
    %dma_start3A_196 = tpu.memref_squeeze %dma_start3A_195 : memref<1x32xi32, #tpu.memory_space<vmem>> -> memref<32xi32, #tpu.memory_space<vmem>>
    %dma_start3A_197 = arith.constant 0 : i32
    %dma_start3A_198 = arith.constant 0 : i32
    %dma_start3A_199 = tpu.memref_slice %arg5[%dma_start3A_197, %dma_start3A_198] : memref<12288x1024xf32, #tpu.memory_space<hbm>> -> memref<12288x1024xf32, #tpu.memory_space<hbm>>
    tpu.enqueue_indirect_dma source(%arg7 : memref<32x1024xf32, #tpu.memory_space<vmem>>) target(%dma_start3A_199 : memref<12288x1024xf32, #tpu.memory_space<hbm>>) offsets(%dma_start3A_196 : memref<32xi32, #tpu.memory_space<vmem>>) semaphore(%arg11 : memref<!tpu.dma_semaphore, #tpu.memory_space<semaphore_mem>>)
    %dma_wait3A_200 = arith.constant 6 : i32
    %dma_wait3A_201 = arith.constant 0 : i32
    %dma_wait3A_202 = tpu.memref_slice %arg6[%dma_wait3A_200, %dma_wait3A_201] : memref<8x32xi32, #tpu.memory_space<vmem>> -> memref<1x32xi32, #tpu.memory_space<vmem>>
    %dma_wait3A_203 = tpu.memref_squeeze %dma_wait3A_202 : memref<1x32xi32, #tpu.memory_space<vmem>> -> memref<32xi32, #tpu.memory_space<vmem>>
    %dma_wait3A_204 = arith.constant 0 : i32
    %dma_wait3A_205 = arith.constant 0 : i32
    %dma_wait3A_206 = tpu.memref_slice %arg5[%dma_wait3A_204, %dma_wait3A_205] : memref<12288x1024xf32, #tpu.memory_space<hbm>> -> memref<12288x1024xf32, #tpu.memory_space<hbm>>
    tpu.wait_indirect_dma semaphore(%arg11 : memref<!tpu.dma_semaphore, #tpu.memory_space<semaphore_mem>>) src(%arg7 : memref<32x1024xf32, #tpu.memory_space<vmem>>) dst(%dma_wait3A_206 : memref<12288x1024xf32, #tpu.memory_space<hbm>>)
    %dma_wait3A_207 = arith.constant 0 : i32
    %dma_wait3A_208 = tpu.memref_slice %arg2[%add3A_184, %dma_wait3A_207] : memref<4096x1024xf32, #tpu.memory_space<hbm>> -> memref<32x1024xf32, #tpu.memory_space<hbm>>
    %dma_wait3A_209 = arith.constant 0 : i32
    %dma_wait3A_210 = tpu.memref_slice %arg2[%add3A_184, %dma_wait3A_209] : memref<4096x1024xf32, #tpu.memory_space<hbm>> -> memref<32x1024xf32, #tpu.memory_space<hbm>>
    tpu.wait_dma2 semaphore(%arg10 : memref<!tpu.dma_semaphore, #tpu.memory_space<semaphore_mem>>) src(%dma_wait3A_210 : memref<32x1024xf32, #tpu.memory_space<hbm>>) dst(%arg8 : memref<32x1024xf32, #tpu.memory_space<vmem>>)
    %dma_start3A_211 = arith.constant 7 : i32
    %dma_start3A_212 = arith.constant 0 : i32
    %dma_start3A_213 = tpu.memref_slice %arg6[%dma_start3A_211, %dma_start3A_212] : memref<8x32xi32, #tpu.memory_space<vmem>> -> memref<1x32xi32, #tpu.memory_space<vmem>>
    %dma_start3A_214 = tpu.memref_squeeze %dma_start3A_213 : memref<1x32xi32, #tpu.memory_space<vmem>> -> memref<32xi32, #tpu.memory_space<vmem>>
    %dma_start3A_215 = arith.constant 0 : i32
    %dma_start3A_216 = arith.constant 0 : i32
    %dma_start3A_217 = tpu.memref_slice %arg5[%dma_start3A_215, %dma_start3A_216] : memref<12288x1024xf32, #tpu.memory_space<hbm>> -> memref<12288x1024xf32, #tpu.memory_space<hbm>>
    tpu.enqueue_indirect_dma source(%arg8 : memref<32x1024xf32, #tpu.memory_space<vmem>>) target(%dma_start3A_217 : memref<12288x1024xf32, #tpu.memory_space<hbm>>) offsets(%dma_start3A_214 : memref<32xi32, #tpu.memory_space<vmem>>) semaphore(%arg11 : memref<!tpu.dma_semaphore, #tpu.memory_space<semaphore_mem>>)
    %dma_wait3A_218 = arith.constant 7 : i32
    %dma_wait3A_219 = arith.constant 0 : i32
    %dma_wait3A_220 = tpu.memref_slice %arg6[%dma_wait3A_218, %dma_wait3A_219] : memref<8x32xi32, #tpu.memory_space<vmem>> -> memref<1x32xi32, #tpu.memory_space<vmem>>
    %dma_wait3A_221 = tpu.memref_squeeze %dma_wait3A_220 : memref<1x32xi32, #tpu.memory_space<vmem>> -> memref<32xi32, #tpu.memory_space<vmem>>
    %dma_wait3A_222 = arith.constant 0 : i32
    %dma_wait3A_223 = arith.constant 0 : i32
    %dma_wait3A_224 = tpu.memref_slice %arg5[%dma_wait3A_222, %dma_wait3A_223] : memref<12288x1024xf32, #tpu.memory_space<hbm>> -> memref<12288x1024xf32, #tpu.memory_space<hbm>>
    tpu.wait_indirect_dma semaphore(%arg11 : memref<!tpu.dma_semaphore, #tpu.memory_space<semaphore_mem>>) src(%arg8 : memref<32x1024xf32, #tpu.memory_space<vmem>>) dst(%dma_wait3A_224 : memref<12288x1024xf32, #tpu.memory_space<hbm>>)
    return
  }
}

#map = affine_map<(d0, d1) -> (0, 0)>
module attributes {stable_mosaic.version = 14 : i64} {
  func.func @_combine(%arg0: i32, %arg1: i32, %arg2: memref<12288x1024xf32, #tpu.memory_space<hbm>>, %arg3: memref<128x32xi32, #tpu.memory_space<hbm>>, %arg4: memref<128x32xi32, #tpu.memory_space<hbm>>, %arg5: memref<4096x1024xf32, #tpu.memory_space<hbm>>, %arg6: memref<4096x1024xf32, #tpu.memory_space<hbm>>, %arg7: memref<4x32xi32, #tpu.memory_space<vmem>>, %arg8: memref<4x32xi32, #tpu.memory_space<vmem>>, %arg9: memref<32x1024xf32, #tpu.memory_space<vmem>>, %arg10: memref<32x1024xf32, #tpu.memory_space<vmem>>, %arg11: memref<!tpu.dma_semaphore, #tpu.memory_space<semaphore_mem>>, %arg12: memref<!tpu.dma_semaphore, #tpu.memory_space<semaphore_mem>>) attributes {dimension_semantics = [#tpu.dimension_semantics<core_parallel>, #tpu.dimension_semantics<subcore_parallel>], iteration_bounds = array<i64: 2, 16>, scalar_prefetch = 0 : i64, scratch_operands = 6 : i64, tpu.core_type = #tpu.core_type<sc_vector_subcore>, window_params = [{transform_indices = #map}, {transform_indices = #map}, {transform_indices = #map}, {transform_indices = #map}, {transform_indices = #map}]} {
    %mul3A = arith.constant 2 : i32
    %mul3A_0 = arith.muli %arg1, %mul3A : i32
    %add3A = arith.addi %mul3A_0, %arg0 : i32
    %mul3A_1 = arith.constant 4 : i32
    %mul3A_2 = arith.muli %add3A, %mul3A_1 : i32
    "tpu.region"() ({
      %run_scoped3A = tpu.sem_alloc : memref<!tpu.dma_semaphore, #tpu.memory_space<semaphore_mem>>
      %dma_start3A_147 = arith.constant 0 : i32
      %dma_start3A_148 = tpu.memref_slice %arg3[%mul3A_2, %dma_start3A_147] : memref<128x32xi32, #tpu.memory_space<hbm>> -> memref<4x32xi32, #tpu.memory_space<hbm>>
      %dma_start3A_149 = arith.constant 0 : i32
      %dma_start3A_150 = tpu.memref_slice %arg3[%mul3A_2, %dma_start3A_149] : memref<128x32xi32, #tpu.memory_space<hbm>> -> memref<4x32xi32, #tpu.memory_space<hbm>>
      tpu.enqueue_dma source(%dma_start3A_150 : memref<4x32xi32, #tpu.memory_space<hbm>>) target(%arg7 : memref<4x32xi32, #tpu.memory_space<vmem>>) target_semaphore(%run_scoped3A : memref<!tpu.dma_semaphore, #tpu.memory_space<semaphore_mem>>)
      %dma_wait3A_151 = arith.constant 0 : i32
      %dma_wait3A_152 = tpu.memref_slice %arg3[%mul3A_2, %dma_wait3A_151] : memref<128x32xi32, #tpu.memory_space<hbm>> -> memref<4x32xi32, #tpu.memory_space<hbm>>
      %dma_wait3A_153 = arith.constant 0 : i32
      %dma_wait3A_154 = tpu.memref_slice %arg3[%mul3A_2, %dma_wait3A_153] : memref<128x32xi32, #tpu.memory_space<hbm>> -> memref<4x32xi32, #tpu.memory_space<hbm>>
      tpu.wait_dma2 semaphore(%run_scoped3A : memref<!tpu.dma_semaphore, #tpu.memory_space<semaphore_mem>>) src(%dma_wait3A_154 : memref<4x32xi32, #tpu.memory_space<hbm>>) dst(%arg7 : memref<4x32xi32, #tpu.memory_space<vmem>>)
      tpu.yield
    }) : () -> ()
    %mul3A_3 = arith.constant 4 : i32
    %mul3A_4 = arith.muli %add3A, %mul3A_3 : i32
    "tpu.region"() ({
      %run_scoped3A = tpu.sem_alloc : memref<!tpu.dma_semaphore, #tpu.memory_space<semaphore_mem>>
      %dma_start3A_147 = arith.constant 0 : i32
      %dma_start3A_148 = tpu.memref_slice %arg4[%mul3A_4, %dma_start3A_147] : memref<128x32xi32, #tpu.memory_space<hbm>> -> memref<4x32xi32, #tpu.memory_space<hbm>>
      %dma_start3A_149 = arith.constant 0 : i32
      %dma_start3A_150 = tpu.memref_slice %arg4[%mul3A_4, %dma_start3A_149] : memref<128x32xi32, #tpu.memory_space<hbm>> -> memref<4x32xi32, #tpu.memory_space<hbm>>
      tpu.enqueue_dma source(%dma_start3A_150 : memref<4x32xi32, #tpu.memory_space<hbm>>) target(%arg8 : memref<4x32xi32, #tpu.memory_space<vmem>>) target_semaphore(%run_scoped3A : memref<!tpu.dma_semaphore, #tpu.memory_space<semaphore_mem>>)
      %dma_wait3A_151 = arith.constant 0 : i32
      %dma_wait3A_152 = tpu.memref_slice %arg4[%mul3A_4, %dma_wait3A_151] : memref<128x32xi32, #tpu.memory_space<hbm>> -> memref<4x32xi32, #tpu.memory_space<hbm>>
      %dma_wait3A_153 = arith.constant 0 : i32
      %dma_wait3A_154 = tpu.memref_slice %arg4[%mul3A_4, %dma_wait3A_153] : memref<128x32xi32, #tpu.memory_space<hbm>> -> memref<4x32xi32, #tpu.memory_space<hbm>>
      tpu.wait_dma2 semaphore(%run_scoped3A : memref<!tpu.dma_semaphore, #tpu.memory_space<semaphore_mem>>) src(%dma_wait3A_154 : memref<4x32xi32, #tpu.memory_space<hbm>>) dst(%arg8 : memref<4x32xi32, #tpu.memory_space<vmem>>)
      tpu.yield
    }) : () -> ()
    %dma_start3A = arith.constant 0 : i32
    %dma_start3A_5 = arith.constant 0 : i32
    %dma_start3A_6 = tpu.memref_slice %arg7[%dma_start3A, %dma_start3A_5] : memref<4x32xi32, #tpu.memory_space<vmem>> -> memref<1x32xi32, #tpu.memory_space<vmem>>
    %dma_start3A_7 = tpu.memref_squeeze %dma_start3A_6 : memref<1x32xi32, #tpu.memory_space<vmem>> -> memref<32xi32, #tpu.memory_space<vmem>>
    %dma_start3A_8 = arith.constant 0 : i32
    %dma_start3A_9 = arith.constant 0 : i32
    %dma_start3A_10 = tpu.memref_slice %arg2[%dma_start3A_8, %dma_start3A_9] : memref<12288x1024xf32, #tpu.memory_space<hbm>> -> memref<12288x1024xf32, #tpu.memory_space<hbm>>
    tpu.enqueue_indirect_dma source(%dma_start3A_10 : memref<12288x1024xf32, #tpu.memory_space<hbm>>) target(%arg9 : memref<32x1024xf32, #tpu.memory_space<vmem>>) offsets(%dma_start3A_7 : memref<32xi32, #tpu.memory_space<vmem>>) semaphore(%arg11 : memref<!tpu.dma_semaphore, #tpu.memory_space<semaphore_mem>>)
    %dma_start3A_11 = arith.constant 0 : i32
    %dma_start3A_12 = arith.constant 0 : i32
    %dma_start3A_13 = tpu.memref_slice %arg8[%dma_start3A_11, %dma_start3A_12] : memref<4x32xi32, #tpu.memory_space<vmem>> -> memref<1x32xi32, #tpu.memory_space<vmem>>
    %dma_start3A_14 = tpu.memref_squeeze %dma_start3A_13 : memref<1x32xi32, #tpu.memory_space<vmem>> -> memref<32xi32, #tpu.memory_space<vmem>>
    %dma_start3A_15 = arith.constant 0 : i32
    %dma_start3A_16 = arith.constant 0 : i32
    %dma_start3A_17 = tpu.memref_slice %arg2[%dma_start3A_15, %dma_start3A_16] : memref<12288x1024xf32, #tpu.memory_space<hbm>> -> memref<12288x1024xf32, #tpu.memory_space<hbm>>
    tpu.enqueue_indirect_dma source(%dma_start3A_17 : memref<12288x1024xf32, #tpu.memory_space<hbm>>) target(%arg10 : memref<32x1024xf32, #tpu.memory_space<vmem>>) offsets(%dma_start3A_14 : memref<32xi32, #tpu.memory_space<vmem>>) semaphore(%arg12 : memref<!tpu.dma_semaphore, #tpu.memory_space<semaphore_mem>>)
    %dma_wait3A = arith.constant 0 : i32
    %dma_wait3A_18 = arith.constant 0 : i32
    %dma_wait3A_19 = tpu.memref_slice %arg7[%dma_wait3A, %dma_wait3A_18] : memref<4x32xi32, #tpu.memory_space<vmem>> -> memref<1x32xi32, #tpu.memory_space<vmem>>
    %dma_wait3A_20 = tpu.memref_squeeze %dma_wait3A_19 : memref<1x32xi32, #tpu.memory_space<vmem>> -> memref<32xi32, #tpu.memory_space<vmem>>
    %dma_wait3A_21 = arith.constant 0 : i32
    %dma_wait3A_22 = arith.constant 0 : i32
    %dma_wait3A_23 = tpu.memref_slice %arg2[%dma_wait3A_21, %dma_wait3A_22] : memref<12288x1024xf32, #tpu.memory_space<hbm>> -> memref<12288x1024xf32, #tpu.memory_space<hbm>>
    tpu.wait_indirect_dma semaphore(%arg11 : memref<!tpu.dma_semaphore, #tpu.memory_space<semaphore_mem>>) src(%dma_wait3A_23 : memref<12288x1024xf32, #tpu.memory_space<hbm>>) dst(%arg9 : memref<32x1024xf32, #tpu.memory_space<vmem>>)
    %mul3A_24 = arith.constant 128 : i32
    %mul3A_25 = arith.muli %add3A, %mul3A_24 : i32
    %add3A_26 = arith.constant 0 : i32
    %add3A_27 = arith.addi %mul3A_25, %add3A_26 : i32
    "tpu.region"() ({
      %run_scoped3A = tpu.sem_alloc : memref<!tpu.dma_semaphore, #tpu.memory_space<semaphore_mem>>
      %dma_start3A_147 = arith.constant 0 : i32
      %dma_start3A_148 = tpu.memref_slice %arg5[%add3A_27, %dma_start3A_147] : memref<4096x1024xf32, #tpu.memory_space<hbm>> -> memref<32x1024xf32, #tpu.memory_space<hbm>>
      %dma_start3A_149 = arith.constant 0 : i32
      %dma_start3A_150 = tpu.memref_slice %arg5[%add3A_27, %dma_start3A_149] : memref<4096x1024xf32, #tpu.memory_space<hbm>> -> memref<32x1024xf32, #tpu.memory_space<hbm>>
      tpu.enqueue_dma source(%arg9 : memref<32x1024xf32, #tpu.memory_space<vmem>>) target(%dma_start3A_150 : memref<32x1024xf32, #tpu.memory_space<hbm>>) target_semaphore(%run_scoped3A : memref<!tpu.dma_semaphore, #tpu.memory_space<semaphore_mem>>)
      %dma_wait3A_151 = arith.constant 0 : i32
      %dma_wait3A_152 = tpu.memref_slice %arg5[%add3A_27, %dma_wait3A_151] : memref<4096x1024xf32, #tpu.memory_space<hbm>> -> memref<32x1024xf32, #tpu.memory_space<hbm>>
      %dma_wait3A_153 = arith.constant 0 : i32
      %dma_wait3A_154 = tpu.memref_slice %arg5[%add3A_27, %dma_wait3A_153] : memref<4096x1024xf32, #tpu.memory_space<hbm>> -> memref<32x1024xf32, #tpu.memory_space<hbm>>
      tpu.wait_dma2 semaphore(%run_scoped3A : memref<!tpu.dma_semaphore, #tpu.memory_space<semaphore_mem>>) src(%arg9 : memref<32x1024xf32, #tpu.memory_space<vmem>>) dst(%dma_wait3A_154 : memref<32x1024xf32, #tpu.memory_space<hbm>>)
      tpu.yield
    }) : () -> ()
    %dma_start3A_28 = arith.constant 1 : i32
    %dma_start3A_29 = arith.constant 0 : i32
    %dma_start3A_30 = tpu.memref_slice %arg7[%dma_start3A_28, %dma_start3A_29] : memref<4x32xi32, #tpu.memory_space<vmem>> -> memref<1x32xi32, #tpu.memory_space<vmem>>
    %dma_start3A_31 = tpu.memref_squeeze %dma_start3A_30 : memref<1x32xi32, #tpu.memory_space<vmem>> -> memref<32xi32, #tpu.memory_space<vmem>>
    %dma_start3A_32 = arith.constant 0 : i32
    %dma_start3A_33 = arith.constant 0 : i32
    %dma_start3A_34 = tpu.memref_slice %arg2[%dma_start3A_32, %dma_start3A_33] : memref<12288x1024xf32, #tpu.memory_space<hbm>> -> memref<12288x1024xf32, #tpu.memory_space<hbm>>
    tpu.enqueue_indirect_dma source(%dma_start3A_34 : memref<12288x1024xf32, #tpu.memory_space<hbm>>) target(%arg9 : memref<32x1024xf32, #tpu.memory_space<vmem>>) offsets(%dma_start3A_31 : memref<32xi32, #tpu.memory_space<vmem>>) semaphore(%arg11 : memref<!tpu.dma_semaphore, #tpu.memory_space<semaphore_mem>>)
    %dma_wait3A_35 = arith.constant 0 : i32
    %dma_wait3A_36 = arith.constant 0 : i32
    %dma_wait3A_37 = tpu.memref_slice %arg8[%dma_wait3A_35, %dma_wait3A_36] : memref<4x32xi32, #tpu.memory_space<vmem>> -> memref<1x32xi32, #tpu.memory_space<vmem>>
    %dma_wait3A_38 = tpu.memref_squeeze %dma_wait3A_37 : memref<1x32xi32, #tpu.memory_space<vmem>> -> memref<32xi32, #tpu.memory_space<vmem>>
    %dma_wait3A_39 = arith.constant 0 : i32
    %dma_wait3A_40 = arith.constant 0 : i32
    %dma_wait3A_41 = tpu.memref_slice %arg2[%dma_wait3A_39, %dma_wait3A_40] : memref<12288x1024xf32, #tpu.memory_space<hbm>> -> memref<12288x1024xf32, #tpu.memory_space<hbm>>
    tpu.wait_indirect_dma semaphore(%arg12 : memref<!tpu.dma_semaphore, #tpu.memory_space<semaphore_mem>>) src(%dma_wait3A_41 : memref<12288x1024xf32, #tpu.memory_space<hbm>>) dst(%arg10 : memref<32x1024xf32, #tpu.memory_space<vmem>>)
    %mul3A_42 = arith.constant 128 : i32
    %mul3A_43 = arith.muli %add3A, %mul3A_42 : i32
    %add3A_44 = arith.constant 0 : i32
    %add3A_45 = arith.addi %mul3A_43, %add3A_44 : i32
    "tpu.region"() ({
      %run_scoped3A = tpu.sem_alloc : memref<!tpu.dma_semaphore, #tpu.memory_space<semaphore_mem>>
      %dma_start3A_147 = arith.constant 0 : i32
      %dma_start3A_148 = tpu.memref_slice %arg6[%add3A_45, %dma_start3A_147] : memref<4096x1024xf32, #tpu.memory_space<hbm>> -> memref<32x1024xf32, #tpu.memory_space<hbm>>
      %dma_start3A_149 = arith.constant 0 : i32
      %dma_start3A_150 = tpu.memref_slice %arg6[%add3A_45, %dma_start3A_149] : memref<4096x1024xf32, #tpu.memory_space<hbm>> -> memref<32x1024xf32, #tpu.memory_space<hbm>>
      tpu.enqueue_dma source(%arg10 : memref<32x1024xf32, #tpu.memory_space<vmem>>) target(%dma_start3A_150 : memref<32x1024xf32, #tpu.memory_space<hbm>>) target_semaphore(%run_scoped3A : memref<!tpu.dma_semaphore, #tpu.memory_space<semaphore_mem>>)
      %dma_wait3A_151 = arith.constant 0 : i32
      %dma_wait3A_152 = tpu.memref_slice %arg6[%add3A_45, %dma_wait3A_151] : memref<4096x1024xf32, #tpu.memory_space<hbm>> -> memref<32x1024xf32, #tpu.memory_space<hbm>>
      %dma_wait3A_153 = arith.constant 0 : i32
      %dma_wait3A_154 = tpu.memref_slice %arg6[%add3A_45, %dma_wait3A_153] : memref<4096x1024xf32, #tpu.memory_space<hbm>> -> memref<32x1024xf32, #tpu.memory_space<hbm>>
      tpu.wait_dma2 semaphore(%run_scoped3A : memref<!tpu.dma_semaphore, #tpu.memory_space<semaphore_mem>>) src(%arg10 : memref<32x1024xf32, #tpu.memory_space<vmem>>) dst(%dma_wait3A_154 : memref<32x1024xf32, #tpu.memory_space<hbm>>)
      tpu.yield
    }) : () -> ()
    %dma_start3A_46 = arith.constant 1 : i32
    %dma_start3A_47 = arith.constant 0 : i32
    %dma_start3A_48 = tpu.memref_slice %arg8[%dma_start3A_46, %dma_start3A_47] : memref<4x32xi32, #tpu.memory_space<vmem>> -> memref<1x32xi32, #tpu.memory_space<vmem>>
    %dma_start3A_49 = tpu.memref_squeeze %dma_start3A_48 : memref<1x32xi32, #tpu.memory_space<vmem>> -> memref<32xi32, #tpu.memory_space<vmem>>
    %dma_start3A_50 = arith.constant 0 : i32
    %dma_start3A_51 = arith.constant 0 : i32
    %dma_start3A_52 = tpu.memref_slice %arg2[%dma_start3A_50, %dma_start3A_51] : memref<12288x1024xf32, #tpu.memory_space<hbm>> -> memref<12288x1024xf32, #tpu.memory_space<hbm>>
    tpu.enqueue_indirect_dma source(%dma_start3A_52 : memref<12288x1024xf32, #tpu.memory_space<hbm>>) target(%arg10 : memref<32x1024xf32, #tpu.memory_space<vmem>>) offsets(%dma_start3A_49 : memref<32xi32, #tpu.memory_space<vmem>>) semaphore(%arg12 : memref<!tpu.dma_semaphore, #tpu.memory_space<semaphore_mem>>)
    %dma_wait3A_53 = arith.constant 1 : i32
    %dma_wait3A_54 = arith.constant 0 : i32
    %dma_wait3A_55 = tpu.memref_slice %arg7[%dma_wait3A_53, %dma_wait3A_54] : memref<4x32xi32, #tpu.memory_space<vmem>> -> memref<1x32xi32, #tpu.memory_space<vmem>>
    %dma_wait3A_56 = tpu.memref_squeeze %dma_wait3A_55 : memref<1x32xi32, #tpu.memory_space<vmem>> -> memref<32xi32, #tpu.memory_space<vmem>>
    %dma_wait3A_57 = arith.constant 0 : i32
    %dma_wait3A_58 = arith.constant 0 : i32
    %dma_wait3A_59 = tpu.memref_slice %arg2[%dma_wait3A_57, %dma_wait3A_58] : memref<12288x1024xf32, #tpu.memory_space<hbm>> -> memref<12288x1024xf32, #tpu.memory_space<hbm>>
    tpu.wait_indirect_dma semaphore(%arg11 : memref<!tpu.dma_semaphore, #tpu.memory_space<semaphore_mem>>) src(%dma_wait3A_59 : memref<12288x1024xf32, #tpu.memory_space<hbm>>) dst(%arg9 : memref<32x1024xf32, #tpu.memory_space<vmem>>)
    %mul3A_60 = arith.constant 128 : i32
    %mul3A_61 = arith.muli %add3A, %mul3A_60 : i32
    %add3A_62 = arith.constant 32 : i32
    %add3A_63 = arith.addi %mul3A_61, %add3A_62 : i32
    "tpu.region"() ({
      %run_scoped3A = tpu.sem_alloc : memref<!tpu.dma_semaphore, #tpu.memory_space<semaphore_mem>>
      %dma_start3A_147 = arith.constant 0 : i32
      %dma_start3A_148 = tpu.memref_slice %arg5[%add3A_63, %dma_start3A_147] : memref<4096x1024xf32, #tpu.memory_space<hbm>> -> memref<32x1024xf32, #tpu.memory_space<hbm>>
      %dma_start3A_149 = arith.constant 0 : i32
      %dma_start3A_150 = tpu.memref_slice %arg5[%add3A_63, %dma_start3A_149] : memref<4096x1024xf32, #tpu.memory_space<hbm>> -> memref<32x1024xf32, #tpu.memory_space<hbm>>
      tpu.enqueue_dma source(%arg9 : memref<32x1024xf32, #tpu.memory_space<vmem>>) target(%dma_start3A_150 : memref<32x1024xf32, #tpu.memory_space<hbm>>) target_semaphore(%run_scoped3A : memref<!tpu.dma_semaphore, #tpu.memory_space<semaphore_mem>>)
      %dma_wait3A_151 = arith.constant 0 : i32
      %dma_wait3A_152 = tpu.memref_slice %arg5[%add3A_63, %dma_wait3A_151] : memref<4096x1024xf32, #tpu.memory_space<hbm>> -> memref<32x1024xf32, #tpu.memory_space<hbm>>
      %dma_wait3A_153 = arith.constant 0 : i32
      %dma_wait3A_154 = tpu.memref_slice %arg5[%add3A_63, %dma_wait3A_153] : memref<4096x1024xf32, #tpu.memory_space<hbm>> -> memref<32x1024xf32, #tpu.memory_space<hbm>>
      tpu.wait_dma2 semaphore(%run_scoped3A : memref<!tpu.dma_semaphore, #tpu.memory_space<semaphore_mem>>) src(%arg9 : memref<32x1024xf32, #tpu.memory_space<vmem>>) dst(%dma_wait3A_154 : memref<32x1024xf32, #tpu.memory_space<hbm>>)
      tpu.yield
    }) : () -> ()
    %dma_start3A_64 = arith.constant 2 : i32
    %dma_start3A_65 = arith.constant 0 : i32
    %dma_start3A_66 = tpu.memref_slice %arg7[%dma_start3A_64, %dma_start3A_65] : memref<4x32xi32, #tpu.memory_space<vmem>> -> memref<1x32xi32, #tpu.memory_space<vmem>>
    %dma_start3A_67 = tpu.memref_squeeze %dma_start3A_66 : memref<1x32xi32, #tpu.memory_space<vmem>> -> memref<32xi32, #tpu.memory_space<vmem>>
    %dma_start3A_68 = arith.constant 0 : i32
    %dma_start3A_69 = arith.constant 0 : i32
    %dma_start3A_70 = tpu.memref_slice %arg2[%dma_start3A_68, %dma_start3A_69] : memref<12288x1024xf32, #tpu.memory_space<hbm>> -> memref<12288x1024xf32, #tpu.memory_space<hbm>>
    tpu.enqueue_indirect_dma source(%dma_start3A_70 : memref<12288x1024xf32, #tpu.memory_space<hbm>>) target(%arg9 : memref<32x1024xf32, #tpu.memory_space<vmem>>) offsets(%dma_start3A_67 : memref<32xi32, #tpu.memory_space<vmem>>) semaphore(%arg11 : memref<!tpu.dma_semaphore, #tpu.memory_space<semaphore_mem>>)
    %dma_wait3A_71 = arith.constant 1 : i32
    %dma_wait3A_72 = arith.constant 0 : i32
    %dma_wait3A_73 = tpu.memref_slice %arg8[%dma_wait3A_71, %dma_wait3A_72] : memref<4x32xi32, #tpu.memory_space<vmem>> -> memref<1x32xi32, #tpu.memory_space<vmem>>
    %dma_wait3A_74 = tpu.memref_squeeze %dma_wait3A_73 : memref<1x32xi32, #tpu.memory_space<vmem>> -> memref<32xi32, #tpu.memory_space<vmem>>
    %dma_wait3A_75 = arith.constant 0 : i32
    %dma_wait3A_76 = arith.constant 0 : i32
    %dma_wait3A_77 = tpu.memref_slice %arg2[%dma_wait3A_75, %dma_wait3A_76] : memref<12288x1024xf32, #tpu.memory_space<hbm>> -> memref<12288x1024xf32, #tpu.memory_space<hbm>>
    tpu.wait_indirect_dma semaphore(%arg12 : memref<!tpu.dma_semaphore, #tpu.memory_space<semaphore_mem>>) src(%dma_wait3A_77 : memref<12288x1024xf32, #tpu.memory_space<hbm>>) dst(%arg10 : memref<32x1024xf32, #tpu.memory_space<vmem>>)
    %mul3A_78 = arith.constant 128 : i32
    %mul3A_79 = arith.muli %add3A, %mul3A_78 : i32
    %add3A_80 = arith.constant 32 : i32
    %add3A_81 = arith.addi %mul3A_79, %add3A_80 : i32
    "tpu.region"() ({
      %run_scoped3A = tpu.sem_alloc : memref<!tpu.dma_semaphore, #tpu.memory_space<semaphore_mem>>
      %dma_start3A_147 = arith.constant 0 : i32
      %dma_start3A_148 = tpu.memref_slice %arg6[%add3A_81, %dma_start3A_147] : memref<4096x1024xf32, #tpu.memory_space<hbm>> -> memref<32x1024xf32, #tpu.memory_space<hbm>>
      %dma_start3A_149 = arith.constant 0 : i32
      %dma_start3A_150 = tpu.memref_slice %arg6[%add3A_81, %dma_start3A_149] : memref<4096x1024xf32, #tpu.memory_space<hbm>> -> memref<32x1024xf32, #tpu.memory_space<hbm>>
      tpu.enqueue_dma source(%arg10 : memref<32x1024xf32, #tpu.memory_space<vmem>>) target(%dma_start3A_150 : memref<32x1024xf32, #tpu.memory_space<hbm>>) target_semaphore(%run_scoped3A : memref<!tpu.dma_semaphore, #tpu.memory_space<semaphore_mem>>)
      %dma_wait3A_151 = arith.constant 0 : i32
      %dma_wait3A_152 = tpu.memref_slice %arg6[%add3A_81, %dma_wait3A_151] : memref<4096x1024xf32, #tpu.memory_space<hbm>> -> memref<32x1024xf32, #tpu.memory_space<hbm>>
      %dma_wait3A_153 = arith.constant 0 : i32
      %dma_wait3A_154 = tpu.memref_slice %arg6[%add3A_81, %dma_wait3A_153] : memref<4096x1024xf32, #tpu.memory_space<hbm>> -> memref<32x1024xf32, #tpu.memory_space<hbm>>
      tpu.wait_dma2 semaphore(%run_scoped3A : memref<!tpu.dma_semaphore, #tpu.memory_space<semaphore_mem>>) src(%arg10 : memref<32x1024xf32, #tpu.memory_space<vmem>>) dst(%dma_wait3A_154 : memref<32x1024xf32, #tpu.memory_space<hbm>>)
      tpu.yield
    }) : () -> ()
    %dma_start3A_82 = arith.constant 2 : i32
    %dma_start3A_83 = arith.constant 0 : i32
    %dma_start3A_84 = tpu.memref_slice %arg8[%dma_start3A_82, %dma_start3A_83] : memref<4x32xi32, #tpu.memory_space<vmem>> -> memref<1x32xi32, #tpu.memory_space<vmem>>
    %dma_start3A_85 = tpu.memref_squeeze %dma_start3A_84 : memref<1x32xi32, #tpu.memory_space<vmem>> -> memref<32xi32, #tpu.memory_space<vmem>>
    %dma_start3A_86 = arith.constant 0 : i32
    %dma_start3A_87 = arith.constant 0 : i32
    %dma_start3A_88 = tpu.memref_slice %arg2[%dma_start3A_86, %dma_start3A_87] : memref<12288x1024xf32, #tpu.memory_space<hbm>> -> memref<12288x1024xf32, #tpu.memory_space<hbm>>
    tpu.enqueue_indirect_dma source(%dma_start3A_88 : memref<12288x1024xf32, #tpu.memory_space<hbm>>) target(%arg10 : memref<32x1024xf32, #tpu.memory_space<vmem>>) offsets(%dma_start3A_85 : memref<32xi32, #tpu.memory_space<vmem>>) semaphore(%arg12 : memref<!tpu.dma_semaphore, #tpu.memory_space<semaphore_mem>>)
    %dma_wait3A_89 = arith.constant 2 : i32
    %dma_wait3A_90 = arith.constant 0 : i32
    %dma_wait3A_91 = tpu.memref_slice %arg7[%dma_wait3A_89, %dma_wait3A_90] : memref<4x32xi32, #tpu.memory_space<vmem>> -> memref<1x32xi32, #tpu.memory_space<vmem>>
    %dma_wait3A_92 = tpu.memref_squeeze %dma_wait3A_91 : memref<1x32xi32, #tpu.memory_space<vmem>> -> memref<32xi32, #tpu.memory_space<vmem>>
    %dma_wait3A_93 = arith.constant 0 : i32
    %dma_wait3A_94 = arith.constant 0 : i32
    %dma_wait3A_95 = tpu.memref_slice %arg2[%dma_wait3A_93, %dma_wait3A_94] : memref<12288x1024xf32, #tpu.memory_space<hbm>> -> memref<12288x1024xf32, #tpu.memory_space<hbm>>
    tpu.wait_indirect_dma semaphore(%arg11 : memref<!tpu.dma_semaphore, #tpu.memory_space<semaphore_mem>>) src(%dma_wait3A_95 : memref<12288x1024xf32, #tpu.memory_space<hbm>>) dst(%arg9 : memref<32x1024xf32, #tpu.memory_space<vmem>>)
    %mul3A_96 = arith.constant 128 : i32
    %mul3A_97 = arith.muli %add3A, %mul3A_96 : i32
    %add3A_98 = arith.constant 64 : i32
    %add3A_99 = arith.addi %mul3A_97, %add3A_98 : i32
    "tpu.region"() ({
      %run_scoped3A = tpu.sem_alloc : memref<!tpu.dma_semaphore, #tpu.memory_space<semaphore_mem>>
      %dma_start3A_147 = arith.constant 0 : i32
      %dma_start3A_148 = tpu.memref_slice %arg5[%add3A_99, %dma_start3A_147] : memref<4096x1024xf32, #tpu.memory_space<hbm>> -> memref<32x1024xf32, #tpu.memory_space<hbm>>
      %dma_start3A_149 = arith.constant 0 : i32
      %dma_start3A_150 = tpu.memref_slice %arg5[%add3A_99, %dma_start3A_149] : memref<4096x1024xf32, #tpu.memory_space<hbm>> -> memref<32x1024xf32, #tpu.memory_space<hbm>>
      tpu.enqueue_dma source(%arg9 : memref<32x1024xf32, #tpu.memory_space<vmem>>) target(%dma_start3A_150 : memref<32x1024xf32, #tpu.memory_space<hbm>>) target_semaphore(%run_scoped3A : memref<!tpu.dma_semaphore, #tpu.memory_space<semaphore_mem>>)
      %dma_wait3A_151 = arith.constant 0 : i32
      %dma_wait3A_152 = tpu.memref_slice %arg5[%add3A_99, %dma_wait3A_151] : memref<4096x1024xf32, #tpu.memory_space<hbm>> -> memref<32x1024xf32, #tpu.memory_space<hbm>>
      %dma_wait3A_153 = arith.constant 0 : i32
      %dma_wait3A_154 = tpu.memref_slice %arg5[%add3A_99, %dma_wait3A_153] : memref<4096x1024xf32, #tpu.memory_space<hbm>> -> memref<32x1024xf32, #tpu.memory_space<hbm>>
      tpu.wait_dma2 semaphore(%run_scoped3A : memref<!tpu.dma_semaphore, #tpu.memory_space<semaphore_mem>>) src(%arg9 : memref<32x1024xf32, #tpu.memory_space<vmem>>) dst(%dma_wait3A_154 : memref<32x1024xf32, #tpu.memory_space<hbm>>)
      tpu.yield
    }) : () -> ()
    %dma_start3A_100 = arith.constant 3 : i32
    %dma_start3A_101 = arith.constant 0 : i32
    %dma_start3A_102 = tpu.memref_slice %arg7[%dma_start3A_100, %dma_start3A_101] : memref<4x32xi32, #tpu.memory_space<vmem>> -> memref<1x32xi32, #tpu.memory_space<vmem>>
    %dma_start3A_103 = tpu.memref_squeeze %dma_start3A_102 : memref<1x32xi32, #tpu.memory_space<vmem>> -> memref<32xi32, #tpu.memory_space<vmem>>
    %dma_start3A_104 = arith.constant 0 : i32
    %dma_start3A_105 = arith.constant 0 : i32
    %dma_start3A_106 = tpu.memref_slice %arg2[%dma_start3A_104, %dma_start3A_105] : memref<12288x1024xf32, #tpu.memory_space<hbm>> -> memref<12288x1024xf32, #tpu.memory_space<hbm>>
    tpu.enqueue_indirect_dma source(%dma_start3A_106 : memref<12288x1024xf32, #tpu.memory_space<hbm>>) target(%arg9 : memref<32x1024xf32, #tpu.memory_space<vmem>>) offsets(%dma_start3A_103 : memref<32xi32, #tpu.memory_space<vmem>>) semaphore(%arg11 : memref<!tpu.dma_semaphore, #tpu.memory_space<semaphore_mem>>)
    %dma_wait3A_107 = arith.constant 2 : i32
    %dma_wait3A_108 = arith.constant 0 : i32
    %dma_wait3A_109 = tpu.memref_slice %arg8[%dma_wait3A_107, %dma_wait3A_108] : memref<4x32xi32, #tpu.memory_space<vmem>> -> memref<1x32xi32, #tpu.memory_space<vmem>>
    %dma_wait3A_110 = tpu.memref_squeeze %dma_wait3A_109 : memref<1x32xi32, #tpu.memory_space<vmem>> -> memref<32xi32, #tpu.memory_space<vmem>>
    %dma_wait3A_111 = arith.constant 0 : i32
    %dma_wait3A_112 = arith.constant 0 : i32
    %dma_wait3A_113 = tpu.memref_slice %arg2[%dma_wait3A_111, %dma_wait3A_112] : memref<12288x1024xf32, #tpu.memory_space<hbm>> -> memref<12288x1024xf32, #tpu.memory_space<hbm>>
    tpu.wait_indirect_dma semaphore(%arg12 : memref<!tpu.dma_semaphore, #tpu.memory_space<semaphore_mem>>) src(%dma_wait3A_113 : memref<12288x1024xf32, #tpu.memory_space<hbm>>) dst(%arg10 : memref<32x1024xf32, #tpu.memory_space<vmem>>)
    %mul3A_114 = arith.constant 128 : i32
    %mul3A_115 = arith.muli %add3A, %mul3A_114 : i32
    %add3A_116 = arith.constant 64 : i32
    %add3A_117 = arith.addi %mul3A_115, %add3A_116 : i32
    "tpu.region"() ({
      %run_scoped3A = tpu.sem_alloc : memref<!tpu.dma_semaphore, #tpu.memory_space<semaphore_mem>>
      %dma_start3A_147 = arith.constant 0 : i32
      %dma_start3A_148 = tpu.memref_slice %arg6[%add3A_117, %dma_start3A_147] : memref<4096x1024xf32, #tpu.memory_space<hbm>> -> memref<32x1024xf32, #tpu.memory_space<hbm>>
      %dma_start3A_149 = arith.constant 0 : i32
      %dma_start3A_150 = tpu.memref_slice %arg6[%add3A_117, %dma_start3A_149] : memref<4096x1024xf32, #tpu.memory_space<hbm>> -> memref<32x1024xf32, #tpu.memory_space<hbm>>
      tpu.enqueue_dma source(%arg10 : memref<32x1024xf32, #tpu.memory_space<vmem>>) target(%dma_start3A_150 : memref<32x1024xf32, #tpu.memory_space<hbm>>) target_semaphore(%run_scoped3A : memref<!tpu.dma_semaphore, #tpu.memory_space<semaphore_mem>>)
      %dma_wait3A_151 = arith.constant 0 : i32
      %dma_wait3A_152 = tpu.memref_slice %arg6[%add3A_117, %dma_wait3A_151] : memref<4096x1024xf32, #tpu.memory_space<hbm>> -> memref<32x1024xf32, #tpu.memory_space<hbm>>
      %dma_wait3A_153 = arith.constant 0 : i32
      %dma_wait3A_154 = tpu.memref_slice %arg6[%add3A_117, %dma_wait3A_153] : memref<4096x1024xf32, #tpu.memory_space<hbm>> -> memref<32x1024xf32, #tpu.memory_space<hbm>>
      tpu.wait_dma2 semaphore(%run_scoped3A : memref<!tpu.dma_semaphore, #tpu.memory_space<semaphore_mem>>) src(%arg10 : memref<32x1024xf32, #tpu.memory_space<vmem>>) dst(%dma_wait3A_154 : memref<32x1024xf32, #tpu.memory_space<hbm>>)
      tpu.yield
    }) : () -> ()
    %dma_start3A_118 = arith.constant 3 : i32
    %dma_start3A_119 = arith.constant 0 : i32
    %dma_start3A_120 = tpu.memref_slice %arg8[%dma_start3A_118, %dma_start3A_119] : memref<4x32xi32, #tpu.memory_space<vmem>> -> memref<1x32xi32, #tpu.memory_space<vmem>>
    %dma_start3A_121 = tpu.memref_squeeze %dma_start3A_120 : memref<1x32xi32, #tpu.memory_space<vmem>> -> memref<32xi32, #tpu.memory_space<vmem>>
    %dma_start3A_122 = arith.constant 0 : i32
    %dma_start3A_123 = arith.constant 0 : i32
    %dma_start3A_124 = tpu.memref_slice %arg2[%dma_start3A_122, %dma_start3A_123] : memref<12288x1024xf32, #tpu.memory_space<hbm>> -> memref<12288x1024xf32, #tpu.memory_space<hbm>>
    tpu.enqueue_indirect_dma source(%dma_start3A_124 : memref<12288x1024xf32, #tpu.memory_space<hbm>>) target(%arg10 : memref<32x1024xf32, #tpu.memory_space<vmem>>) offsets(%dma_start3A_121 : memref<32xi32, #tpu.memory_space<vmem>>) semaphore(%arg12 : memref<!tpu.dma_semaphore, #tpu.memory_space<semaphore_mem>>)
    %dma_wait3A_125 = arith.constant 3 : i32
    %dma_wait3A_126 = arith.constant 0 : i32
    %dma_wait3A_127 = tpu.memref_slice %arg7[%dma_wait3A_125, %dma_wait3A_126] : memref<4x32xi32, #tpu.memory_space<vmem>> -> memref<1x32xi32, #tpu.memory_space<vmem>>
    %dma_wait3A_128 = tpu.memref_squeeze %dma_wait3A_127 : memref<1x32xi32, #tpu.memory_space<vmem>> -> memref<32xi32, #tpu.memory_space<vmem>>
    %dma_wait3A_129 = arith.constant 0 : i32
    %dma_wait3A_130 = arith.constant 0 : i32
    %dma_wait3A_131 = tpu.memref_slice %arg2[%dma_wait3A_129, %dma_wait3A_130] : memref<12288x1024xf32, #tpu.memory_space<hbm>> -> memref<12288x1024xf32, #tpu.memory_space<hbm>>
    tpu.wait_indirect_dma semaphore(%arg11 : memref<!tpu.dma_semaphore, #tpu.memory_space<semaphore_mem>>) src(%dma_wait3A_131 : memref<12288x1024xf32, #tpu.memory_space<hbm>>) dst(%arg9 : memref<32x1024xf32, #tpu.memory_space<vmem>>)
    %mul3A_132 = arith.constant 128 : i32
    %mul3A_133 = arith.muli %add3A, %mul3A_132 : i32
    %add3A_134 = arith.constant 96 : i32
    %add3A_135 = arith.addi %mul3A_133, %add3A_134 : i32
    "tpu.region"() ({
      %run_scoped3A = tpu.sem_alloc : memref<!tpu.dma_semaphore, #tpu.memory_space<semaphore_mem>>
      %dma_start3A_147 = arith.constant 0 : i32
      %dma_start3A_148 = tpu.memref_slice %arg5[%add3A_135, %dma_start3A_147] : memref<4096x1024xf32, #tpu.memory_space<hbm>> -> memref<32x1024xf32, #tpu.memory_space<hbm>>
      %dma_start3A_149 = arith.constant 0 : i32
      %dma_start3A_150 = tpu.memref_slice %arg5[%add3A_135, %dma_start3A_149] : memref<4096x1024xf32, #tpu.memory_space<hbm>> -> memref<32x1024xf32, #tpu.memory_space<hbm>>
      tpu.enqueue_dma source(%arg9 : memref<32x1024xf32, #tpu.memory_space<vmem>>) target(%dma_start3A_150 : memref<32x1024xf32, #tpu.memory_space<hbm>>) target_semaphore(%run_scoped3A : memref<!tpu.dma_semaphore, #tpu.memory_space<semaphore_mem>>)
      %dma_wait3A_151 = arith.constant 0 : i32
      %dma_wait3A_152 = tpu.memref_slice %arg5[%add3A_135, %dma_wait3A_151] : memref<4096x1024xf32, #tpu.memory_space<hbm>> -> memref<32x1024xf32, #tpu.memory_space<hbm>>
      %dma_wait3A_153 = arith.constant 0 : i32
      %dma_wait3A_154 = tpu.memref_slice %arg5[%add3A_135, %dma_wait3A_153] : memref<4096x1024xf32, #tpu.memory_space<hbm>> -> memref<32x1024xf32, #tpu.memory_space<hbm>>
      tpu.wait_dma2 semaphore(%run_scoped3A : memref<!tpu.dma_semaphore, #tpu.memory_space<semaphore_mem>>) src(%arg9 : memref<32x1024xf32, #tpu.memory_space<vmem>>) dst(%dma_wait3A_154 : memref<32x1024xf32, #tpu.memory_space<hbm>>)
      tpu.yield
    }) : () -> ()
    %dma_wait3A_136 = arith.constant 3 : i32
    %dma_wait3A_137 = arith.constant 0 : i32
    %dma_wait3A_138 = tpu.memref_slice %arg8[%dma_wait3A_136, %dma_wait3A_137] : memref<4x32xi32, #tpu.memory_space<vmem>> -> memref<1x32xi32, #tpu.memory_space<vmem>>
    %dma_wait3A_139 = tpu.memref_squeeze %dma_wait3A_138 : memref<1x32xi32, #tpu.memory_space<vmem>> -> memref<32xi32, #tpu.memory_space<vmem>>
    %dma_wait3A_140 = arith.constant 0 : i32
    %dma_wait3A_141 = arith.constant 0 : i32
    %dma_wait3A_142 = tpu.memref_slice %arg2[%dma_wait3A_140, %dma_wait3A_141] : memref<12288x1024xf32, #tpu.memory_space<hbm>> -> memref<12288x1024xf32, #tpu.memory_space<hbm>>
    tpu.wait_indirect_dma semaphore(%arg12 : memref<!tpu.dma_semaphore, #tpu.memory_space<semaphore_mem>>) src(%dma_wait3A_142 : memref<12288x1024xf32, #tpu.memory_space<hbm>>) dst(%arg10 : memref<32x1024xf32, #tpu.memory_space<vmem>>)
    %mul3A_143 = arith.constant 128 : i32
    %mul3A_144 = arith.muli %add3A, %mul3A_143 : i32
    %add3A_145 = arith.constant 96 : i32
    %add3A_146 = arith.addi %mul3A_144, %add3A_145 : i32
    "tpu.region"() ({
      %run_scoped3A = tpu.sem_alloc : memref<!tpu.dma_semaphore, #tpu.memory_space<semaphore_mem>>
      %dma_start3A_147 = arith.constant 0 : i32
      %dma_start3A_148 = tpu.memref_slice %arg6[%add3A_146, %dma_start3A_147] : memref<4096x1024xf32, #tpu.memory_space<hbm>> -> memref<32x1024xf32, #tpu.memory_space<hbm>>
      %dma_start3A_149 = arith.constant 0 : i32
      %dma_start3A_150 = tpu.memref_slice %arg6[%add3A_146, %dma_start3A_149] : memref<4096x1024xf32, #tpu.memory_space<hbm>> -> memref<32x1024xf32, #tpu.memory_space<hbm>>
      tpu.enqueue_dma source(%arg10 : memref<32x1024xf32, #tpu.memory_space<vmem>>) target(%dma_start3A_150 : memref<32x1024xf32, #tpu.memory_space<hbm>>) target_semaphore(%run_scoped3A : memref<!tpu.dma_semaphore, #tpu.memory_space<semaphore_mem>>)
      %dma_wait3A_151 = arith.constant 0 : i32
      %dma_wait3A_152 = tpu.memref_slice %arg6[%add3A_146, %dma_wait3A_151] : memref<4096x1024xf32, #tpu.memory_space<hbm>> -> memref<32x1024xf32, #tpu.memory_space<hbm>>
      %dma_wait3A_153 = arith.constant 0 : i32
      %dma_wait3A_154 = tpu.memref_slice %arg6[%add3A_146, %dma_wait3A_153] : memref<4096x1024xf32, #tpu.memory_space<hbm>> -> memref<32x1024xf32, #tpu.memory_space<hbm>>
      tpu.wait_dma2 semaphore(%run_scoped3A : memref<!tpu.dma_semaphore, #tpu.memory_space<semaphore_mem>>) src(%arg10 : memref<32x1024xf32, #tpu.memory_space<vmem>>) dst(%dma_wait3A_154 : memref<32x1024xf32, #tpu.memory_space<hbm>>)
      tpu.yield
    }) : () -> ()
    return
  }
}

module attributes {stable_mosaic.version = 14 : i64} {
  func.func @_router_body(%arg0: i32, %arg1: memref<1024x1024xf32, #tpu.memory_space<vmem>>, %arg2: memref<8x1024xf32, #tpu.memory_space<vmem>>, %arg3: memref<1024x8xf32, #tpu.memory_space<vmem>>, %arg4: memref<4096x1xi32, #tpu.memory_space<vmem>>, %arg5: memref<4096x1xi32, #tpu.memory_space<vmem>>, %arg6: memref<24x1xi32, #tpu.memory_space<vmem>>, %arg7: memref<1x8xf32, #tpu.memory_space<vmem>>, %arg8: memref<4x1024x8xf32, #tpu.memory_space<vmem>>, %arg9: memref<4x1024x8xf32, #tpu.memory_space<vmem>>, %arg10: memref<4x1024x8xf32, #tpu.memory_space<vmem>>, %arg11: memref<4x1024x8xf32, #tpu.memory_space<vmem>>) attributes {dimension_semantics = [#tpu.dimension_semantics<arbitrary>], iteration_bounds = array<i64: 4>, scalar_prefetch = 0 : i64, scratch_operands = 5 : i64, tpu.core_type = #tpu.core_type<tc>, window_params = [{transform_indices = @transform_0, window_bounds = array<i64: 1024, 1024>}, {pipeline_mode = #tpu.pipeline_mode<synchronous>, transform_indices = @transform_1, window_bounds = array<i64: 8, 1024>}, {transform_indices = @transform_2, window_bounds = array<i64: 1024, 8>}, {pipeline_mode = #tpu.pipeline_mode<synchronous>, transform_indices = @transform_3, window_bounds = array<i64: 4096, 1>}, {pipeline_mode = #tpu.pipeline_mode<synchronous>, transform_indices = @transform_4, window_bounds = array<i64: 4096, 1>}, {pipeline_mode = #tpu.pipeline_mode<synchronous>, transform_indices = @transform_5, window_bounds = array<i64: 24, 1>}]} {
    %eq3A = arith.constant 0 : i32
    %eq3A_0 = arith.cmpi eq, %arg0, %eq3A : i32
    %convert_element_type3A = arith.extui %eq3A_0 : i1 to i32
    %cond3A = arith.constant 0 : i32
    %cond3A_1 = arith.cmpi ne, %convert_element_type3A, %cond3A : i32
    scf.if %cond3A_1 {
      %broadcast_in_dim3A_106 = arith.constant 0.000000e+00 : f32
      %broadcast_in_dim3A_107 = vector.broadcast %broadcast_in_dim3A_106 : f32 to vector<1x8xf32>
      %swap3A_108 = arith.constant 0 : index
      %swap3A_109 = arith.constant 0 : index
      %swap3A_110 = vector.load %arg7[%swap3A_108, %swap3A_109] : memref<1x8xf32, #tpu.memory_space<vmem>>, vector<1x8xf32>
      tpu.vector_store %arg7[%swap3A_108, %swap3A_109], %broadcast_in_dim3A_107 {strides = array<i32>} : memref<1x8xf32, #tpu.memory_space<vmem>>, vector<1x8xf32>,
    } else {
    }
    %get3A = arith.constant 0 : index
    %get3A_2 = arith.constant 0 : index
    %get3A_3 = vector.load %arg1[%get3A, %get3A_2] : memref<1024x1024xf32, #tpu.memory_space<vmem>>, vector<1024x1024xf32>
    %get3A_4 = arith.constant 0 : index
    %get3A_5 = arith.constant 0 : index
    %get3A_6 = vector.load %arg2[%get3A_4, %get3A_5] : memref<8x1024xf32, #tpu.memory_space<vmem>>, vector<8x1024xf32>
    %dot_general3A = arith.constant dense<0.000000e+00> : vector<1024x8xf32>
    %dot_general3A_7 = tpu.matmul %get3A_3, %get3A_6, %dot_general3A {dimension_numbers = #tpu.dot_dimension_numbers<[1], [1], [0], [0], [0, 0, 1, 0], [], []>, transpose_lhs_hint = false} : vector<1024x1024xf32>, vector<8x1024xf32>, vector<1024x8xf32> -> vector<1024x8xf32>
    %reduce_max3A = arith.constant dense<0xFF800000> : vector<1024xf32>
    %reduce_max3A_8 = vector.multi_reduction <maximumf>, %dot_general3A_7, %reduce_max3A [1] : vector<1024x8xf32> to vector<1024xf32>
    %broadcast_in_dim3A = vector.shape_cast %reduce_max3A_8 : vector<1024xf32> to vector<1024x1xf32>
    %sub3A = vector.broadcast %broadcast_in_dim3A : vector<1024x1xf32> to vector<1024x8xf32>
    %sub3A_9 = arith.subf %dot_general3A_7, %sub3A : vector<1024x8xf32>
    %exp3A = math.exp %sub3A_9 : vector<1024x8xf32>
    %reduce_sum3A = arith.constant dense<0.000000e+00> : vector<1024xf32>
    %reduce_sum3A_10 = vector.multi_reduction <add>, %exp3A, %reduce_sum3A [1] : vector<1024x8xf32> to vector<1024xf32>
    %broadcast_in_dim3A_11 = vector.shape_cast %reduce_sum3A_10 : vector<1024xf32> to vector<1024x1xf32>
    %div3A = vector.broadcast %broadcast_in_dim3A_11 : vector<1024x1xf32> to vector<1024x8xf32>
    %div3A_12 = arith.divf %exp3A, %div3A : vector<1024x8xf32>
    %iota3A = tpu.iota {dimensions = array<i32: 1>} : vector<1024x8xi32>
    %argmax3A = tpu.reduce_index %div3A_12 {axis = 1 : i32, kind = #tpu.reduction_kind<arg_max>} : vector<1024x8xf32> -> vector<1024xi32>
    %broadcast_in_dim3A_13 = vector.shape_cast %argmax3A : vector<1024xi32> to vector<1024x1xi32>
    %eq3A_14 = vector.broadcast %broadcast_in_dim3A_13 : vector<1024x1xi32> to vector<1024x8xi32>
    %eq3A_15 = arith.cmpi eq, %iota3A, %eq3A_14 : vector<1024x8xi32>
    %jit3A = arith.constant -1.000000e+00 : f32
    %broadcast_in_dim3A_16 = vector.broadcast %jit3A : f32 to vector<1024x8xf32>
    %select_n3A = arith.select %eq3A_15, %broadcast_in_dim3A_16, %div3A_12 : vector<1024x8xi1>, vector<1024x8xf32>
    %argmax3A_17 = tpu.reduce_index %select_n3A {axis = 1 : i32, kind = #tpu.reduction_kind<arg_max>} : vector<1024x8xf32> -> vector<1024xi32>
    %broadcast_in_dim3A_18 = vector.shape_cast %argmax3A_17 : vector<1024xi32> to vector<1024x1xi32>
    %eq3A_19 = vector.broadcast %broadcast_in_dim3A_18 : vector<1024x1xi32> to vector<1024x8xi32>
    %eq3A_20 = arith.cmpi eq, %iota3A, %eq3A_19 : vector<1024x8xi32>
    %reduce_max3A_21 = arith.constant dense<0xFF800000> : vector<1024xf32>
    %reduce_max3A_22 = vector.multi_reduction <maximumf>, %div3A_12, %reduce_max3A_21 [1] : vector<1024x8xf32> to vector<1024xf32>
    %broadcast_in_dim3A_23 = vector.shape_cast %reduce_max3A_22 : vector<1024xf32> to vector<1024x1xf32>
    %reduce_max3A_24 = arith.constant dense<0xFF800000> : vector<1024xf32>
    %reduce_max3A_25 = vector.multi_reduction <maximumf>, %select_n3A, %reduce_max3A_24 [1] : vector<1024x8xf32> to vector<1024xf32>
    %broadcast_in_dim3A_26 = vector.shape_cast %reduce_max3A_25 : vector<1024xf32> to vector<1024x1xf32>
    %eq3A_27 = arith.constant 0 : i32
    %eq3A_28 = vector.broadcast %eq3A_27 : i32 to vector<1024x8xi32>
    %eq3A_29 = arith.cmpi eq, %iota3A, %eq3A_28 : vector<1024x8xi32>
    %eq3A_30 = arith.constant 1 : i32
    %eq3A_31 = vector.broadcast %eq3A_30 : i32 to vector<1024x8xi32>
    %eq3A_32 = arith.cmpi eq, %iota3A, %eq3A_31 : vector<1024x8xi32>
    %jit3A_33 = arith.constant 0.000000e+00 : f32
    %broadcast_in_dim3A_34 = vector.shape_cast %broadcast_in_dim3A_26 : vector<1024x1xf32> to vector<1024x1xf32>
    %broadcast_in_dim3A_35 = vector.broadcast %broadcast_in_dim3A_34 : vector<1024x1xf32> to vector<1024x8xf32>
    %broadcast_in_dim3A_36 = vector.broadcast %jit3A_33 : f32 to vector<1024x8xf32>
    %select_n3A_37 = arith.select %eq3A_32, %broadcast_in_dim3A_35, %broadcast_in_dim3A_36 : vector<1024x8xi1>, vector<1024x8xf32>
    %broadcast_in_dim3A_38 = vector.shape_cast %broadcast_in_dim3A_23 : vector<1024x1xf32> to vector<1024x1xf32>
    %broadcast_in_dim3A_39 = vector.broadcast %broadcast_in_dim3A_38 : vector<1024x1xf32> to vector<1024x8xf32>
    %select_n3A_40 = arith.select %eq3A_29, %broadcast_in_dim3A_39, %select_n3A_37 : vector<1024x8xi1>, vector<1024x8xf32>
    %swap3A = arith.constant 0 : index
    %swap3A_41 = arith.constant 0 : index
    %swap3A_42 = vector.load %arg3[%swap3A, %swap3A_41] : memref<1024x8xf32, #tpu.memory_space<vmem>>, vector<1024x8xf32>
    tpu.vector_store %arg3[%swap3A, %swap3A_41], %select_n3A_40 {strides = array<i32>} : memref<1024x8xf32, #tpu.memory_space<vmem>>, vector<1024x8xf32>,
    %convert_element_type3A_43 = arith.extui %eq3A_15 : vector<1024x8xi1> to vector<1024x8xi32>
    %convert_element_type3A_44 = arith.sitofp %convert_element_type3A_43 : vector<1024x8xi32> to vector<1024x8xf32>
    %convert_element_type3A_45 = arith.extui %eq3A_20 : vector<1024x8xi1> to vector<1024x8xi32>
    %convert_element_type3A_46 = arith.sitofp %convert_element_type3A_45 : vector<1024x8xi32> to vector<1024x8xf32>
    %iota3A_47 = tpu.iota {dimensions = array<i32: 1>} : vector<1024x1024xi32>
    %iota3A_48 = tpu.iota {dimensions = array<i32: 0>} : vector<1024x1024xi32>
    %lt3A = arith.cmpi slt, %iota3A_47, %iota3A_48 : vector<1024x1024xi32>
    %convert_element_type3A_49 = arith.extui %lt3A : vector<1024x1024xi1> to vector<1024x1024xi32>
    %convert_element_type3A_50 = arith.sitofp %convert_element_type3A_49 : vector<1024x1024xi32> to vector<1024x1024xf32>
    %convert_element_type3A_51 = arith.truncf %convert_element_type3A_50 : vector<1024x1024xf32> to vector<1024x1024xbf16>
    %convert_element_type3A_52 = arith.truncf %convert_element_type3A_44 : vector<1024x8xf32> to vector<1024x8xbf16>
    %dot_general3A_53 = arith.constant dense<0.000000e+00> : vector<1024x8xf32>
    %dot_general3A_54 = tpu.matmul %convert_element_type3A_51, %convert_element_type3A_52, %dot_general3A_53 {dimension_numbers = #tpu.dot_dimension_numbers<[1], [0], [0], [1], [0, 0, 1, 1], [], []>, transpose_lhs_hint = false} : vector<1024x1024xbf16>, vector<1024x8xbf16>, vector<1024x8xf32> -> vector<1024x8xf32>
    %convert_element_type3A_55 = arith.truncf %convert_element_type3A_46 : vector<1024x8xf32> to vector<1024x8xbf16>
    %dot_general3A_56 = arith.constant dense<0.000000e+00> : vector<1024x8xf32>
    %dot_general3A_57 = tpu.matmul %convert_element_type3A_51, %convert_element_type3A_55, %dot_general3A_56 {dimension_numbers = #tpu.dot_dimension_numbers<[1], [0], [0], [1], [0, 0, 1, 1], [], []>, transpose_lhs_hint = false} : vector<1024x1024xbf16>, vector<1024x8xbf16>, vector<1024x8xf32> -> vector<1024x8xf32>
    %reduce_sum3A_58 = arith.constant dense<0.000000e+00> : vector<8xf32>
    %reduce_sum3A_59 = vector.multi_reduction <add>, %convert_element_type3A_44, %reduce_sum3A_58 [0] : vector<1024x8xf32> to vector<8xf32>
    %broadcast_in_dim3A_60 = vector.shape_cast %reduce_sum3A_59 : vector<8xf32> to vector<1x8xf32>
    %reduce_sum3A_61 = arith.constant dense<0.000000e+00> : vector<8xf32>
    %reduce_sum3A_62 = vector.multi_reduction <add>, %convert_element_type3A_46, %reduce_sum3A_61 [0] : vector<1024x8xf32> to vector<8xf32>
    %broadcast_in_dim3A_63 = vector.shape_cast %reduce_sum3A_62 : vector<8xf32> to vector<1x8xf32>
    %get3A_64 = arith.constant 0 : index
    %get3A_65 = arith.constant 0 : index
    %get3A_66 = vector.load %arg7[%get3A_64, %get3A_65] : memref<1x8xf32, #tpu.memory_space<vmem>>, vector<1x8xf32>
    %add3A = vector.broadcast %get3A_66 : vector<1x8xf32> to vector<1024x8xf32>
    %add3A_67 = arith.addf %add3A, %dot_general3A_54 : vector<1024x8xf32>
    %add3A_68 = arith.addf %get3A_66, %broadcast_in_dim3A_60 : vector<1x8xf32>
    %add3A_69 = vector.broadcast %add3A_68 : vector<1x8xf32> to vector<1024x8xf32>
    %add3A_70 = arith.addf %add3A_69, %dot_general3A_57 : vector<1024x8xf32>
    %add3A_71 = arith.addf %get3A_66, %broadcast_in_dim3A_60 : vector<1x8xf32>
    %add3A_72 = arith.addf %add3A_71, %broadcast_in_dim3A_63 : vector<1x8xf32>
    %swap3A_73 = arith.constant 0 : index
    %swap3A_74 = arith.constant 0 : index
    %swap3A_75 = vector.load %arg7[%swap3A_73, %swap3A_74] : memref<1x8xf32, #tpu.memory_space<vmem>>, vector<1x8xf32>
    tpu.vector_store %arg7[%swap3A_73, %swap3A_74], %add3A_72 {strides = array<i32>} : memref<1x8xf32, #tpu.memory_space<vmem>>, vector<1x8xf32>,
    %swap3A_76 = arith.index_cast %arg0 : i32 to index
    %swap3A_77 = arith.constant 0 : index
    %swap3A_78 = arith.constant 0 : index
    %swap3A_79 = vector.load %arg8[%swap3A_76, %swap3A_77, %swap3A_78] : memref<4x1024x8xf32, #tpu.memory_space<vmem>>, vector<1x1024x8xf32>
    %swap3A_80 = vector.shape_cast %swap3A_79 : vector<1x1024x8xf32> to vector<1024x8xf32>
    %swap3A_81 = vector.shape_cast %convert_element_type3A_44 : vector<1024x8xf32> to vector<1x1024x8xf32>
    tpu.vector_store %arg8[%swap3A_76, %swap3A_77, %swap3A_78], %swap3A_81 {strides = array<i32>} : memref<4x1024x8xf32, #tpu.memory_space<vmem>>, vector<1x1024x8xf32>,
    %swap3A_82 = arith.index_cast %arg0 : i32 to index
    %swap3A_83 = arith.constant 0 : index
    %swap3A_84 = arith.constant 0 : index
    %swap3A_85 = vector.load %arg9[%swap3A_82, %swap3A_83, %swap3A_84] : memref<4x1024x8xf32, #tpu.memory_space<vmem>>, vector<1x1024x8xf32>
    %swap3A_86 = vector.shape_cast %swap3A_85 : vector<1x1024x8xf32> to vector<1024x8xf32>
    %swap3A_87 = vector.shape_cast %convert_element_type3A_46 : vector<1024x8xf32> to vector<1x1024x8xf32>
    tpu.vector_store %arg9[%swap3A_82, %swap3A_83, %swap3A_84], %swap3A_87 {strides = array<i32>} : memref<4x1024x8xf32, #tpu.memory_space<vmem>>, vector<1x1024x8xf32>,
    %mul3A = arith.mulf %convert_element_type3A_44, %add3A_67 : vector<1024x8xf32>
    %swap3A_88 = arith.index_cast %arg0 : i32 to index
    %swap3A_89 = arith.constant 0 : index
    %swap3A_90 = arith.constant 0 : index
    %swap3A_91 = vector.load %arg10[%swap3A_88, %swap3A_89, %swap3A_90] : memref<4x1024x8xf32, #tpu.memory_space<vmem>>, vector<1x1024x8xf32>
    %swap3A_92 = vector.shape_cast %swap3A_91 : vector<1x1024x8xf32> to vector<1024x8xf32>
    %swap3A_93 = vector.shape_cast %mul3A : vector<1024x8xf32> to vector<1x1024x8xf32>
    tpu.vector_store %arg10[%swap3A_88, %swap3A_89, %swap3A_90], %swap3A_93 {strides = array<i32>} : memref<4x1024x8xf32, #tpu.memory_space<vmem>>, vector<1x1024x8xf32>,
    %mul3A_94 = arith.mulf %convert_element_type3A_46, %add3A_70 : vector<1024x8xf32>
    %swap3A_95 = arith.index_cast %arg0 : i32 to index
    %swap3A_96 = arith.constant 0 : index
    %swap3A_97 = arith.constant 0 : index
    %swap3A_98 = vector.load %arg11[%swap3A_95, %swap3A_96, %swap3A_97] : memref<4x1024x8xf32, #tpu.memory_space<vmem>>, vector<1x1024x8xf32>
    %swap3A_99 = vector.shape_cast %swap3A_98 : vector<1x1024x8xf32> to vector<1024x8xf32>
    %swap3A_100 = vector.shape_cast %mul3A_94 : vector<1024x8xf32> to vector<1x1024x8xf32>
    tpu.vector_store %arg11[%swap3A_95, %swap3A_96, %swap3A_97], %swap3A_100 {strides = array<i32>} : memref<4x1024x8xf32, #tpu.memory_space<vmem>>, vector<1x1024x8xf32>,
    %eq3A_101 = arith.constant 3 : i32
    %eq3A_102 = arith.cmpi eq, %arg0, %eq3A_101 : i32
    %convert_element_type3A_103 = arith.extui %eq3A_102 : i1 to i32
    %cond3A_104 = arith.constant 0 : i32
    %cond3A_105 = arith.cmpi ne, %convert_element_type3A_103, %cond3A_104 : i32
    scf.if %cond3A_105 {
      %get3A_106 = arith.constant 0 : index
      %get3A_107 = arith.constant 0 : index
      %get3A_108 = vector.load %arg7[%get3A_106, %get3A_107] : memref<1x8xf32, #tpu.memory_space<vmem>>, vector<1x8xf32>
      %mul3A_109 = arith.constant 0.001953125 : f32
      %mul3A_110 = vector.broadcast %mul3A_109 : f32 to vector<1x8xf32>
      %mul3A_111 = arith.mulf %get3A_108, %mul3A_110 : vector<1x8xf32>
      %ceil3A = math.ceil %mul3A_111 : vector<1x8xf32>
      %iota3A_112 = tpu.iota {dimensions = array<i32: 0>} : vector<8x8xi32>
      %iota3A_113 = tpu.iota {dimensions = array<i32: 1>} : vector<8x8xi32>
      %lt3A_114 = arith.cmpi slt, %iota3A_112, %iota3A_113 : vector<8x8xi32>
      %convert_element_type3A_115 = arith.extui %lt3A_114 : vector<8x8xi1> to vector<8x8xi32>
      %convert_element_type3A_116 = arith.sitofp %convert_element_type3A_115 : vector<8x8xi32> to vector<8x8xf32>
      %dot_general3A_117 = arith.constant dense<0.000000e+00> : vector<1x8xf32>
      %dot_general3A_118 = tpu.matmul %ceil3A, %convert_element_type3A_116, %dot_general3A_117 {dimension_numbers = #tpu.dot_dimension_numbers<[1], [0], [0], [1], [0, 0, 1, 1], [], []>, transpose_lhs_hint = false} : vector<1x8xf32>, vector<8x8xf32>, vector<1x8xf32> -> vector<1x8xf32>
      %mul3A_119 = arith.constant 5.120000e+02 : f32
      %mul3A_120 = vector.broadcast %mul3A_119 : f32 to vector<1x8xf32>
      %mul3A_121 = arith.mulf %dot_general3A_118, %mul3A_120 : vector<1x8xf32>
      %get3A_122 = arith.constant 0 : index
      %get3A_123 = arith.constant 0 : index
      %get3A_124 = arith.constant 0 : index
      %get3A_125 = vector.load %arg8[%get3A_122, %get3A_123, %get3A_124] : memref<4x1024x8xf32, #tpu.memory_space<vmem>>, vector<4x1024x8xf32>
      %reshape3A = vector.shape_cast %get3A_125 : vector<4x1024x8xf32> to vector<4096x8xf32>
      %get3A_126 = arith.constant 0 : index
      %get3A_127 = arith.constant 0 : index
      %get3A_128 = arith.constant 0 : index
      %get3A_129 = vector.load %arg9[%get3A_126, %get3A_127, %get3A_128] : memref<4x1024x8xf32, #tpu.memory_space<vmem>>, vector<4x1024x8xf32>
      %reshape3A_130 = vector.shape_cast %get3A_129 : vector<4x1024x8xf32> to vector<4096x8xf32>
      %get3A_131 = arith.constant 0 : index
      %get3A_132 = arith.constant 0 : index
      %get3A_133 = arith.constant 0 : index
      %get3A_134 = vector.load %arg10[%get3A_131, %get3A_132, %get3A_133] : memref<4x1024x8xf32, #tpu.memory_space<vmem>>, vector<4x1024x8xf32>
      %reshape3A_135 = vector.shape_cast %get3A_134 : vector<4x1024x8xf32> to vector<4096x8xf32>
      %get3A_136 = arith.constant 0 : index
      %get3A_137 = arith.constant 0 : index
      %get3A_138 = arith.constant 0 : index
      %get3A_139 = vector.load %arg11[%get3A_136, %get3A_137, %get3A_138] : memref<4x1024x8xf32, #tpu.memory_space<vmem>>, vector<4x1024x8xf32>
      %reshape3A_140 = vector.shape_cast %get3A_139 : vector<4x1024x8xf32> to vector<4096x8xf32>
      %mul3A_141 = vector.broadcast %mul3A_121 : vector<1x8xf32> to vector<4096x8xf32>
      %mul3A_142 = arith.mulf %reshape3A, %mul3A_141 : vector<4096x8xf32>
      %add3A_143 = arith.addf %mul3A_142, %reshape3A_135 : vector<4096x8xf32>
      %reduce_sum3A_144 = arith.constant dense<0.000000e+00> : vector<4096xf32>
      %reduce_sum3A_145 = vector.multi_reduction <add>, %add3A_143, %reduce_sum3A_144 [1] : vector<4096x8xf32> to vector<4096xf32>
      %broadcast_in_dim3A_146 = vector.shape_cast %reduce_sum3A_145 : vector<4096xf32> to vector<4096x1xf32>
      %convert_element_type3A_147 = arith.fptosi %broadcast_in_dim3A_146 : vector<4096x1xf32> to vector<4096x1xi32>
      %swap3A_148 = arith.constant 0 : index
      %swap3A_149 = arith.constant 0 : index
      %swap3A_150 = vector.load %arg4[%swap3A_148, %swap3A_149] : memref<4096x1xi32, #tpu.memory_space<vmem>>, vector<4096x1xi32>
      tpu.vector_store %arg4[%swap3A_148, %swap3A_149], %convert_element_type3A_147 {strides = array<i32>} : memref<4096x1xi32, #tpu.memory_space<vmem>>, vector<4096x1xi32>,
      %mul3A_151 = vector.broadcast %mul3A_121 : vector<1x8xf32> to vector<4096x8xf32>
      %mul3A_152 = arith.mulf %reshape3A_130, %mul3A_151 : vector<4096x8xf32>
      %add3A_153 = arith.addf %mul3A_152, %reshape3A_140 : vector<4096x8xf32>
      %reduce_sum3A_154 = arith.constant dense<0.000000e+00> : vector<4096xf32>
      %reduce_sum3A_155 = vector.multi_reduction <add>, %add3A_153, %reduce_sum3A_154 [1] : vector<4096x8xf32> to vector<4096xf32>
      %broadcast_in_dim3A_156 = vector.shape_cast %reduce_sum3A_155 : vector<4096xf32> to vector<4096x1xf32>
      %convert_element_type3A_157 = arith.fptosi %broadcast_in_dim3A_156 : vector<4096x1xf32> to vector<4096x1xi32>
      %swap3A_158 = arith.constant 0 : index
      %swap3A_159 = arith.constant 0 : index
      %swap3A_160 = vector.load %arg5[%swap3A_158, %swap3A_159] : memref<4096x1xi32, #tpu.memory_space<vmem>>, vector<4096x1xi32>
      tpu.vector_store %arg5[%swap3A_158, %swap3A_159], %convert_element_type3A_157 {strides = array<i32>} : memref<4096x1xi32, #tpu.memory_space<vmem>>, vector<4096x1xi32>,
      %iota3A_161 = tpu.iota {dimensions = array<i32: 0>} : vector<24x8xi32>
      %convert_element_type3A_162 = arith.sitofp %iota3A_161 : vector<24x8xi32> to vector<24x8xf32>
      %iota3A_163 = tpu.iota {dimensions = array<i32: 1>} : vector<24x8xi32>
      %convert_element_type3A_164 = arith.sitofp %iota3A_163 : vector<24x8xi32> to vector<24x8xf32>
      %add3A_165 = arith.addf %dot_general3A_118, %ceil3A : vector<1x8xf32>
      %ge3A = vector.broadcast %dot_general3A_118 : vector<1x8xf32> to vector<24x8xf32>
      %ge3A_166 = arith.cmpf oge, %convert_element_type3A_162, %ge3A : vector<24x8xf32>
      %lt3A_167 = vector.broadcast %add3A_165 : vector<1x8xf32> to vector<24x8xf32>
      %lt3A_168 = arith.cmpf olt, %convert_element_type3A_162, %lt3A_167 : vector<24x8xf32>
      %and3A = arith.andi %ge3A_166, %lt3A_168 : vector<24x8xi1>
      %convert_element_type3A_169 = arith.extui %and3A : vector<24x8xi1> to vector<24x8xi32>
      %convert_element_type3A_170 = arith.sitofp %convert_element_type3A_169 : vector<24x8xi32> to vector<24x8xf32>
      %mul3A_171 = arith.mulf %convert_element_type3A_170, %convert_element_type3A_164 : vector<24x8xf32>
      %reduce_sum3A_172 = arith.constant dense<0.000000e+00> : vector<24xf32>
      %reduce_sum3A_173 = vector.multi_reduction <add>, %mul3A_171, %reduce_sum3A_172 [1] : vector<24x8xf32> to vector<24xf32>
      %broadcast_in_dim3A_174 = vector.shape_cast %reduce_sum3A_173 : vector<24xf32> to vector<24x1xf32>
      %reduce_sum3A_175 = arith.constant dense<0.000000e+00> : vector<24xf32>
      %reduce_sum3A_176 = vector.multi_reduction <add>, %convert_element_type3A_170, %reduce_sum3A_175 [1] : vector<24x8xf32> to vector<24xf32>
      %broadcast_in_dim3A_177 = vector.shape_cast %reduce_sum3A_176 : vector<24xf32> to vector<24x1xf32>
      %gt3A = arith.constant 0.000000e+00 : f32
      %gt3A_178 = vector.broadcast %gt3A : f32 to vector<24x1xf32>
      %gt3A_179 = arith.cmpf ogt, %broadcast_in_dim3A_177, %gt3A_178 : vector<24x1xf32>
      %jit3A_180 = arith.constant -1.000000e+00 : f32
      %broadcast_in_dim3A_181 = vector.broadcast %jit3A_180 : f32 to vector<24x1xf32>
      %select_n3A_182 = arith.select %gt3A_179, %broadcast_in_dim3A_174, %broadcast_in_dim3A_181 : vector<24x1xi1>, vector<24x1xf32>
      %convert_element_type3A_183 = arith.fptosi %select_n3A_182 : vector<24x1xf32> to vector<24x1xi32>
      %swap3A_184 = arith.constant 0 : index
      %swap3A_185 = arith.constant 0 : index
      %swap3A_186 = vector.load %arg6[%swap3A_184, %swap3A_185] : memref<24x1xi32, #tpu.memory_space<vmem>>, vector<24x1xi32>
      tpu.vector_store %arg6[%swap3A_184, %swap3A_185], %convert_element_type3A_183 {strides = array<i32>} : memref<24x1xi32, #tpu.memory_space<vmem>>, vector<24x1xi32>,
    } else {
    }
    return
  }
  func.func @transform_0(%arg0: i32) -> (i32, i32) {
    %c0_i32 = arith.constant 0 : i32
    %c0_i32_0 = arith.constant 0 : i32
    return %arg0, %c0_i32 : i32, i32
  }
  func.func @transform_1(%arg0: i32) -> (i32, i32) {
    %c0_i32 = arith.constant 0 : i32
    %c0_i32_0 = arith.constant 0 : i32
    %c0_i32_1 = arith.constant 0 : i32
    return %c0_i32, %c0_i32_0 : i32, i32
  }
  func.func @transform_2(%arg0: i32) -> (i32, i32) {
    %c0_i32 = arith.constant 0 : i32
    %c0_i32_0 = arith.constant 0 : i32
    return %arg0, %c0_i32 : i32, i32
  }
  func.func @transform_3(%arg0: i32) -> (i32, i32) {
    %c0_i32 = arith.constant 0 : i32
    %c0_i32_0 = arith.constant 0 : i32
    %c0_i32_1 = arith.constant 0 : i32
    return %c0_i32, %c0_i32_0 : i32, i32
  }
  func.func @transform_4(%arg0: i32) -> (i32, i32) {
    %c0_i32 = arith.constant 0 : i32
    %c0_i32_0 = arith.constant 0 : i32
    %c0_i32_1 = arith.constant 0 : i32
    return %c0_i32, %c0_i32_0 : i32, i32
  }
  func.func @transform_5(%arg0: i32) -> (i32, i32) {
    %c0_i32 = arith.constant 0 : i32
    %c0_i32_0 = arith.constant 0 : i32
    %c0_i32_1 = arith.constant 0 : i32
    return %c0_i32, %c0_i32_0 : i32, i32
  }
}

module attributes {stable_mosaic.version = 14 : i64} {
  func.func @_final_body(%arg0: i32, %arg1: memref<1024x1024xf32, #tpu.memory_space<vmem>>, %arg2: memref<1024x1024xf32, #tpu.memory_space<vmem>>, %arg3: memref<1024x8xf32, #tpu.memory_space<vmem>>, %arg4: memref<1024x1024xf32, #tpu.memory_space<vmem>>) attributes {dimension_semantics = [#tpu.dimension_semantics<arbitrary>], iteration_bounds = array<i64: 4>, scalar_prefetch = 0 : i64, scratch_operands = 0 : i64, tpu.core_type = #tpu.core_type<tc>, window_params = [{transform_indices = @transform_0, window_bounds = array<i64: 1024, 1024>}, {transform_indices = @transform_1, window_bounds = array<i64: 1024, 1024>}, {transform_indices = @transform_2, window_bounds = array<i64: 1024, 8>}, {transform_indices = @transform_3, window_bounds = array<i64: 1024, 1024>}]} {
    %get3A = arith.constant 0 : index
    %get3A_0 = arith.constant 0 : index
    %get3A_1 = vector.load %arg3[%get3A, %get3A_0] : memref<1024x8xf32, #tpu.memory_space<vmem>>, vector<1024x8xf32>
    %iota3A = tpu.iota {dimensions = array<i32: 1>} : vector<1024x8xi32>
    %eq3A = arith.constant 0 : i32
    %eq3A_2 = vector.broadcast %eq3A : i32 to vector<1024x8xi32>
    %eq3A_3 = arith.cmpi eq, %iota3A, %eq3A_2 : vector<1024x8xi32>
    %jit3A = arith.constant 0.000000e+00 : f32
    %broadcast_in_dim3A = vector.broadcast %jit3A : f32 to vector<1024x8xf32>
    %select_n3A = arith.select %eq3A_3, %get3A_1, %broadcast_in_dim3A : vector<1024x8xi1>, vector<1024x8xf32>
    %reduce_sum3A = arith.constant dense<0.000000e+00> : vector<1024xf32>
    %reduce_sum3A_4 = vector.multi_reduction <add>, %select_n3A, %reduce_sum3A [1] : vector<1024x8xf32> to vector<1024xf32>
    %broadcast_in_dim3A_5 = vector.shape_cast %reduce_sum3A_4 : vector<1024xf32> to vector<1024x1xf32>
    %eq3A_6 = arith.constant 1 : i32
    %eq3A_7 = vector.broadcast %eq3A_6 : i32 to vector<1024x8xi32>
    %eq3A_8 = arith.cmpi eq, %iota3A, %eq3A_7 : vector<1024x8xi32>
    %jit3A_9 = arith.constant 0.000000e+00 : f32
    %broadcast_in_dim3A_10 = vector.broadcast %jit3A_9 : f32 to vector<1024x8xf32>
    %select_n3A_11 = arith.select %eq3A_8, %get3A_1, %broadcast_in_dim3A_10 : vector<1024x8xi1>, vector<1024x8xf32>
    %reduce_sum3A_12 = arith.constant dense<0.000000e+00> : vector<1024xf32>
    %reduce_sum3A_13 = vector.multi_reduction <add>, %select_n3A_11, %reduce_sum3A_12 [1] : vector<1024x8xf32> to vector<1024xf32>
    %broadcast_in_dim3A_14 = vector.shape_cast %reduce_sum3A_13 : vector<1024xf32> to vector<1024x1xf32>
    %get3A_15 = arith.constant 0 : index
    %get3A_16 = arith.constant 0 : index
    %get3A_17 = vector.load %arg1[%get3A_15, %get3A_16] : memref<1024x1024xf32, #tpu.memory_space<vmem>>, vector<1024x1024xf32>
    %mul3A = vector.broadcast %broadcast_in_dim3A_5 : vector<1024x1xf32> to vector<1024x1024xf32>
    %mul3A_18 = arith.mulf %mul3A, %get3A_17 : vector<1024x1024xf32>
    %get3A_19 = arith.constant 0 : index
    %get3A_20 = arith.constant 0 : index
    %get3A_21 = vector.load %arg2[%get3A_19, %get3A_20] : memref<1024x1024xf32, #tpu.memory_space<vmem>>, vector<1024x1024xf32>
    %mul3A_22 = vector.broadcast %broadcast_in_dim3A_14 : vector<1024x1xf32> to vector<1024x1024xf32>
    %mul3A_23 = arith.mulf %mul3A_22, %get3A_21 : vector<1024x1024xf32>
    %add3A = arith.addf %mul3A_18, %mul3A_23 : vector<1024x1024xf32>
    %swap3A = arith.constant 0 : index
    %swap3A_24 = arith.constant 0 : index
    %swap3A_25 = vector.load %arg4[%swap3A, %swap3A_24] : memref<1024x1024xf32, #tpu.memory_space<vmem>>, vector<1024x1024xf32>
    tpu.vector_store %arg4[%swap3A, %swap3A_24], %add3A {strides = array<i32>} : memref<1024x1024xf32, #tpu.memory_space<vmem>>, vector<1024x1024xf32>,
    return
  }
  func.func @transform_0(%arg0: i32) -> (i32, i32) {
    %c0_i32 = arith.constant 0 : i32
    %c0_i32_0 = arith.constant 0 : i32
    return %arg0, %c0_i32 : i32, i32
  }
  func.func @transform_1(%arg0: i32) -> (i32, i32) {
    %c0_i32 = arith.constant 0 : i32
    %c0_i32_0 = arith.constant 0 : i32
    return %arg0, %c0_i32 : i32, i32
  }
  func.func @transform_2(%arg0: i32) -> (i32, i32) {
    %c0_i32 = arith.constant 0 : i32
    %c0_i32_0 = arith.constant 0 : i32
    return %arg0, %c0_i32 : i32, i32
  }
  func.func @transform_3(%arg0: i32) -> (i32, i32) {
    %c0_i32 = arith.constant 0 : i32
    %c0_i32_0 = arith.constant 0 : i32
    return %arg0, %c0_i32 : i32, i32
  }
}

module attributes {stable_mosaic.version = 14 : i64} {
  func.func @_gemm_body(%arg0: i32, %arg1: memref<24xi32, #tpu.memory_space<smem>>, %arg2: memref<512x1024xf32, #tpu.memory_space<vmem>>, %arg3: memref<1x1024x1024xf32, #tpu.memory_space<vmem>>, %arg4: memref<1x512x1024xf32, #tpu.memory_space<vmem>>, %arg5: memref<512x1024xf32, #tpu.memory_space<vmem>>, %arg6: memref<1024x1024xbf16, #tpu.memory_space<vmem>>, %arg7: memref<512x1024xbf16, #tpu.memory_space<vmem>>) attributes {dimension_semantics = [#tpu.dimension_semantics<arbitrary>], iteration_bounds = array<i64: 24>, scalar_prefetch = 1 : i64, scratch_operands = 2 : i64, tpu.core_type = #tpu.core_type<tc>, window_params = [{transform_indices = @transform_0, window_bounds = array<i64: 512, 1024>}, {transform_indices = @transform_1, window_bounds = array<i64: 1, 1024, 1024>}, {transform_indices = @transform_2, window_bounds = array<i64: 1, 512, 1024>}, {transform_indices = @transform_3, window_bounds = array<i64: 512, 1024>}]} {
    %get3A = arith.index_cast %arg0 : i32 to index
    %get3A_0 = memref.load %arg1[%get3A] : memref<24xi32, #tpu.memory_space<smem>>
    %eq3A = arith.constant 0 : i32
    %eq3A_1 = arith.cmpi eq, %arg0, %eq3A : i32
    %sub3A = arith.constant 1 : i32
    %sub3A_2 = arith.subi %arg0, %sub3A : i32
    %max3A = arith.constant 0 : i32
    %max3A_3 = arith.maxsi %sub3A_2, %max3A : i32
    %get3A_4 = arith.index_cast %max3A_3 : i32 to index
    %get3A_5 = memref.load %arg1[%get3A_4] : memref<24xi32, #tpu.memory_space<smem>>
    %ne3A = arith.cmpi ne, %get3A_0, %get3A_5 : i32
    %or3A = arith.ori %eq3A_1, %ne3A : i1
    %ge3A = arith.constant 0 : i32
    %ge3A_6 = arith.cmpi sge, %get3A_0, %ge3A : i32
    %and3A = arith.andi %ge3A_6, %or3A : i1
    %convert_element_type3A = arith.extui %and3A : i1 to i32
    %cond3A = arith.constant 0 : i32
    %cond3A_7 = arith.cmpi ne, %convert_element_type3A, %cond3A : i32
    scf.if %cond3A_7 {
      %get3A_13 = arith.constant 0 : index
      %get3A_14 = arith.constant 0 : index
      %get3A_15 = arith.constant 0 : index
      %get3A_16 = vector.load %arg3[%get3A_13, %get3A_14, %get3A_15] : memref<1x1024x1024xf32, #tpu.memory_space<vmem>>, vector<1x1024x1024xf32>
      %get3A_17 = vector.shape_cast %get3A_16 : vector<1x1024x1024xf32> to vector<1024x1024xf32>
      %convert_element_type3A_18 = arith.truncf %get3A_17 : vector<1024x1024xf32> to vector<1024x1024xbf16>
      %swap3A = arith.constant 0 : index
      %swap3A_19 = arith.constant 0 : index
      %swap3A_20 = vector.load %arg6[%swap3A, %swap3A_19] : memref<1024x1024xbf16, #tpu.memory_space<vmem>>, vector<1024x1024xbf16>
      tpu.vector_store %arg6[%swap3A, %swap3A_19], %convert_element_type3A_18 {strides = array<i32>} : memref<1024x1024xbf16, #tpu.memory_space<vmem>>, vector<1024x1024xbf16>,
      %get3A_21 = arith.constant 0 : index
      %get3A_22 = arith.constant 0 : index
      %get3A_23 = arith.constant 0 : index
      %get3A_24 = vector.load %arg4[%get3A_21, %get3A_22, %get3A_23] : memref<1x512x1024xf32, #tpu.memory_space<vmem>>, vector<1x512x1024xf32>
      %get3A_25 = vector.shape_cast %get3A_24 : vector<1x512x1024xf32> to vector<512x1024xf32>
      %convert_element_type3A_26 = arith.truncf %get3A_25 : vector<512x1024xf32> to vector<512x1024xbf16>
      %swap3A_27 = arith.constant 0 : index
      %swap3A_28 = arith.constant 0 : index
      %swap3A_29 = vector.load %arg7[%swap3A_27, %swap3A_28] : memref<512x1024xbf16, #tpu.memory_space<vmem>>, vector<512x1024xbf16>
      tpu.vector_store %arg7[%swap3A_27, %swap3A_28], %convert_element_type3A_26 {strides = array<i32>} : memref<512x1024xbf16, #tpu.memory_space<vmem>>, vector<512x1024xbf16>,
    } else {
    }
    %ge3A_8 = arith.constant 0 : i32
    %ge3A_9 = arith.cmpi sge, %get3A_0, %ge3A_8 : i32
    %convert_element_type3A_10 = arith.extui %ge3A_9 : i1 to i32
    %cond3A_11 = arith.constant 0 : i32
    %cond3A_12 = arith.cmpi ne, %convert_element_type3A_10, %cond3A_11 : i32
    scf.if %cond3A_12 {
      %get3A_13 = arith.constant 0 : index
      %get3A_14 = arith.constant 0 : index
      %get3A_15 = vector.load %arg2[%get3A_13, %get3A_14] : memref<512x1024xf32, #tpu.memory_space<vmem>>, vector<512x1024xf32>
      %convert_element_type3A_16 = arith.truncf %get3A_15 : vector<512x1024xf32> to vector<512x1024xbf16>
      %get3A_17 = arith.constant 0 : index
      %get3A_18 = arith.constant 0 : index
      %get3A_19 = vector.load %arg6[%get3A_17, %get3A_18] : memref<1024x1024xbf16, #tpu.memory_space<vmem>>, vector<1024x1024xbf16>
      %dot_general3A = arith.constant dense<0.000000e+00> : vector<512x1024xf32>
      %dot_general3A_20 = tpu.matmul %convert_element_type3A_16, %get3A_19, %dot_general3A {dimension_numbers = #tpu.dot_dimension_numbers<[1], [0], [0], [1], [0, 0, 1, 1], [], []>, transpose_lhs_hint = false} : vector<512x1024xbf16>, vector<1024x1024xbf16>, vector<512x1024xf32> -> vector<512x1024xf32>
      %slice3A = vector.extract_strided_slice %dot_general3A_20 {offsets = [0, 0], sizes = [512, 512], strides = [1, 1]} : vector<512x1024xf32> to vector<512x512xf32>
      %slice3A_21 = vector.extract_strided_slice %dot_general3A_20 {offsets = [0, 512], sizes = [512, 512], strides = [1, 1]} : vector<512x1024xf32> to vector<512x512xf32>
      %logistic3A = arith.negf %slice3A : vector<512x512xf32>
      %logistic3A_22 = math.exp %logistic3A : vector<512x512xf32>
      %logistic3A_23 = arith.constant 1.000000e+00 : f32
      %logistic3A_24 = vector.broadcast %logistic3A_23 : f32 to vector<512x512xf32>
      %logistic3A_25 = arith.addf %logistic3A_24, %logistic3A_22 : vector<512x512xf32>
      %logistic3A_26 = arith.divf %logistic3A_24, %logistic3A_25 : vector<512x512xf32>
      %mul3A = arith.mulf %slice3A, %logistic3A_26 : vector<512x512xf32>
      %mul3A_27 = arith.mulf %mul3A, %slice3A_21 : vector<512x512xf32>
      %convert_element_type3A_28 = arith.truncf %mul3A_27 : vector<512x512xf32> to vector<512x512xbf16>
      %get3A_29 = arith.constant 0 : index
      %get3A_30 = arith.constant 0 : index
      %get3A_31 = vector.load %arg7[%get3A_29, %get3A_30] : memref<512x1024xbf16, #tpu.memory_space<vmem>>, vector<512x1024xbf16>
      %dot_general3A_32 = arith.constant dense<0.000000e+00> : vector<512x1024xf32>
      %dot_general3A_33 = tpu.matmul %convert_element_type3A_28, %get3A_31, %dot_general3A_32 {dimension_numbers = #tpu.dot_dimension_numbers<[1], [0], [0], [1], [0, 0, 1, 1], [], []>, transpose_lhs_hint = false} : vector<512x512xbf16>, vector<512x1024xbf16>, vector<512x1024xf32> -> vector<512x1024xf32>
      %swap3A = arith.constant 0 : index
      %swap3A_34 = arith.constant 0 : index
      %swap3A_35 = vector.load %arg5[%swap3A, %swap3A_34] : memref<512x1024xf32, #tpu.memory_space<vmem>>, vector<512x1024xf32>
      tpu.vector_store %arg5[%swap3A, %swap3A_34], %dot_general3A_33 {strides = array<i32>} : memref<512x1024xf32, #tpu.memory_space<vmem>>, vector<512x1024xf32>,
    } else {
    }
    return
  }
  func.func @transform_0(%arg0: i32, %arg1: memref<24xi32, #tpu.memory_space<smem>>) -> (i32, i32) {
    %c0_i32 = arith.constant 0 : i32
    %c0_i32_0 = arith.constant 0 : i32
    return %arg0, %c0_i32 : i32, i32
  }
  func.func @transform_1(%arg0: i32, %arg1: memref<24xi32, #tpu.memory_space<smem>>) -> (i32, i32, i32) {
    %get3A = arith.index_cast %arg0 : i32 to index
    %get3A_0 = memref.load %arg1[%get3A] : memref<24xi32, #tpu.memory_space<smem>>
    %lt3A = arith.constant 0 : i32
    %lt3A_1 = arith.cmpi slt, %get3A_0, %lt3A : i32
    %get3A_2 = arith.index_cast %arg0 : i32 to index
    %get3A_3 = memref.load %arg1[%get3A_2] : memref<24xi32, #tpu.memory_space<smem>>
    %jit3A = arith.constant 7 : i32
    %select_n3A = arith.select %lt3A_1, %jit3A, %get3A_3 : i32
    %c0_i32 = arith.constant 0 : i32
    %c0_i32_4 = arith.constant 0 : i32
    %c0_i32_5 = arith.constant 0 : i32
    return %select_n3A, %c0_i32, %c0_i32_4 : i32, i32, i32
  }
  func.func @transform_2(%arg0: i32, %arg1: memref<24xi32, #tpu.memory_space<smem>>) -> (i32, i32, i32) {
    %get3A = arith.index_cast %arg0 : i32 to index
    %get3A_0 = memref.load %arg1[%get3A] : memref<24xi32, #tpu.memory_space<smem>>
    %lt3A = arith.constant 0 : i32
    %lt3A_1 = arith.cmpi slt, %get3A_0, %lt3A : i32
    %get3A_2 = arith.index_cast %arg0 : i32 to index
    %get3A_3 = memref.load %arg1[%get3A_2] : memref<24xi32, #tpu.memory_space<smem>>
    %jit3A = arith.constant 7 : i32
    %select_n3A = arith.select %lt3A_1, %jit3A, %get3A_3 : i32
    %c0_i32 = arith.constant 0 : i32
    %c0_i32_4 = arith.constant 0 : i32
    %c0_i32_5 = arith.constant 0 : i32
    return %select_n3A, %c0_i32, %c0_i32_4 : i32, i32, i32
  }
  func.func @transform_3(%arg0: i32, %arg1: memref<24xi32, #tpu.memory_space<smem>>) -> (i32, i32) {
    %c0_i32 = arith.constant 0 : i32
    %c0_i32_0 = arith.constant 0 : i32
    return %arg0, %c0_i32 : i32, i32
  }
}

</mosaic_0001>

<sc_bundles>
// kernel: kernel.10.cloned.1.call-start
scs
__scs_entry_jumppad:
0x0: {  	(pc) =	sbr.rel $0x88, $3  }
0x1: {  	(tag) =	ssettag $0x0;
	lr =	simm.s32 $0x1  }
0x2: {  	[smem:$0x3F9D] =	sst lr;
	_ =	strace $0xD0000000  }
0x3: {  	_ = 	snop  }
0x4: {  	_ = 	snop  }
0x5: {  	_ = 	snop  }
0x6: {  	_ = 	snop  }
0x7: {  	_ = 	snop  }
__scs_overlays_trampoline_lowered:
0x8: {  	[smem:$0x3FAC] =	sst s0  }
0x9: {  	[smem:$0x3FAD] =	sst s1  }
0xa: {  	[smem:$0x3FAE] =	sst s2  }
0xb: {  	[smem:$0x3FAF] =	sst s3  }
0xc: {  	[smem:$0x3FB0] =	sst s4  }
0xd: {  	[smem:$0x3FB1] =	sst s5  }
0xe: {  	[smem:$0x3FB2] =	sst s6  }
0xf: {  	[smem:$0x3FB3] =	sst s7  }
0x10: {  	[smem:$0x3FB4] =	sst s8  }
0x11: {  	[smem:$0x3FB5] =	sst s9;
	s0 =	simm.s32 @!p0 $0x0  }
0x12: {  	s1 =	sld [smem:$0x3F9B];
	s0 =	simm.s32 @p0 $0x1  }
0x13: {  	[smem:$0x3FB6] =	sst s0;
	s0 =	simm.s32 @!p1 $0x0  }
0x14: {  	s2 =	sld [smem:$0x3F9A];
	s0 =	simm.s32 @p1 $0x1  }
0x15: {  	[smem:$0x3FB7] =	sst s0;
	s0 =	simm.s32 @!p2 $0x0  }
0x16: {  	s3 =	sld [smem:$0x3FDB];
	s0 =	simm.s32 @p2 $0x1  }
0x17: {  	s4 =	simm.s32 $0x1BF5;
	[smem:$0x3FB9] =	sst s0  }
0x18: {  	s0 =	sld [smem:$0x3F9C];
	_ =	swait.ge [sflag:s4], $0x0  }
0x19: {  	s7 =	sld [smem:$0x3F9D]  }
0x1a: {  	s8 =	sadd.s32 $0xFFFFE003, lr  }
0x1b: {  	s9 =	sadd.s32 $0xFFFFFEF7, lr;
	s5 =	simm.s32 $0xFFFFFFFF;
	p2 =	slt.u32 s8, $0xFFFFF086  }
0x1c: {  	p1 =	slt.u32 s9, $0xF7A;
	s5 =	simm.s32 @!p2 $0x0  }
0x1d: {  	s5 =	simm.s32 @p1 $0x1;
	p0 =	seq.s32 s7, s2  }
0x1e: {  	s7 =	smul.u32 @!p0 $0xF7A, s2;
	p2 =	seq.s32 @!p0 s5, $0x0  }
0x1f: {  	s9 =	smul.u32 $0xF7A, s1;
	s8 =	simm.s32 @!p0 $0x1BF5;
	p2 =	por !p2, p0  }
0x20: {  	[sflag:s8] =	ssyncset.s32 @!p0 $0xFFFFF086;
	s6 =	sadd.s32 @!p0 s3, s7;
	s7 =	simm.s32 @!p0 $0x108  }
0x21: {  	s3 =	sadd.s32 s3, s9;
	s6 =	sadd.s32 @!p0 $0x88, s6;
	s7 =	simm.s32 @p2 $0x1082  }
0x22: {  	[simem:s7], [sflag:s8] =	dma.local @!p0 [hbm:s6], $0xF7A  }
0x23: {  	s9 =	sor.u32 $0xD0000000, s2;
	s6 =	simm.s32 $0x108;
	_ =	swait.ge @!p0 [sflag:s8], $0x0  }
0x24: {  	s3 =	sadd.s32 $0x88, s3;
	s6 =	simm.s32 @!p1 $0x1082;
	[sflag:s4] =	ssyncset.s32 $0xFFFFF086  }
0x25: {  	[simem:s6], [sflag:s4] =	dma.local [hbm:s3], $0xF7A  }
0x26: {  	[smem:$0x3F9D] =	sst s1;
	(tag) =	ssettag s2;
	_ =	strace s9  }
0x27: {  	s1 =	sld [smem:$0x3FAD]  }
0x28: {  	s2 =	sld [smem:$0x3FAE]  }
0x29: {  	s4 =	sld [smem:$0x3FB0]  }
0x2a: {  	p0 =	seq.s32 s5, $0x0;
	s5 =	sld [smem:$0x3FB1]  }
0x2b: {  	s6 =	sld [smem:$0x3FB2]  }
0x2c: {  	s7 =	sld [smem:$0x3FB3]  }
0x2d: {  	s3 =	simm.s32 $0x108;
	s8 =	sld [smem:$0x3FB4]  }
0x2e: {  	s3 =	simm.s32 @!p0 $0x1082;
	s9 =	sld [smem:$0x3FB5]  }
0x2f: {  	lr =	sadd.s32 s0, s3;
	s0 =	sld [smem:$0x3FAC]  }
0x30: {  	s3 =	sld [smem:$0x3FAF]  }
0x31: {  	[smem:$0x3FB8] =	sst s10  }
0x32: {  	s10 =	sld [smem:$0x3FB6];
	_ =	sdelay $0x3  }
0x33: {  	p0 =	seq.s32 s10, $0x1;
	s10 =	sld [smem:$0x3FB8];
	_ =	sdelay $0x3  }
0x34: {  	[smem:$0x3FB8] =	sst s10  }
0x35: {  	s10 =	sld [smem:$0x3FB7];
	_ =	sdelay $0x3  }
0x36: {  	p1 =	seq.s32 s10, $0x1;
	s10 =	sld [smem:$0x3FB8];
	_ =	sdelay $0x3  }
0x37: {  	[smem:$0x3FB8] =	sst s10  }
0x38: {  	s10 =	sld [smem:$0x3FB9]  }
0x39: {  	_ = 	snop;
	(pc) =	sbr.ind lr, $3  }
0x3a: {  	_ = 	snop  }
0x3b: {  	_ = 	snop  }
0x3c: {  	p2 =	seq.s32 s10, $0x1;
	s10 =	sld [smem:$0x3FB8]  }
0x3d: {  	_ =	shalt  }
0x3e: {  	_ =	shalt  }
0x3f: {  	_ =	shalt  }
0x40: {  	_ =	shalt  }
0x41: {  	_ =	shalt  }
0x42: {  	_ =	shalt  }
0x43: {  	_ =	shalt  }
0x44: {  	_ =	shalt  }
0x45: {  	_ =	shalt  }
0x46: {  	_ =	shalt  }
0x47: {  	_ =	shalt  }
0x48: {  	_ =	shalt  }
0x49: {  	_ =	shalt  }
0x4a: {  	_ =	shalt  }
0x4b: {  	_ =	shalt  }
0x4c: {  	_ =	shalt  }
0x4d: {  	_ =	shalt  }
0x4e: {  	_ =	shalt  }
0x4f: {  	_ =	shalt  }
0x50: {  	_ =	shalt  }
0x51: {  	_ =	shalt  }
0x52: {  	_ =	shalt  }
0x53: {  	_ =	shalt  }
0x54: {  	_ =	shalt  }
0x55: {  	_ =	shalt  }
0x56: {  	_ =	shalt  }
0x57: {  	_ =	shalt  }
0x58: {  	_ =	shalt  }
0x59: {  	_ =	shalt  }
0x5a: {  	_ =	shalt  }
0x5b: {  	_ =	shalt  }
0x5c: {  	_ =	shalt  }
0x5d: {  	_ =	shalt  }
0x5e: {  	_ =	shalt  }
0x5f: {  	_ =	shalt  }
0x60: {  	_ =	shalt  }
0x61: {  	_ =	shalt  }
0x62: {  	_ =	shalt  }
0x63: {  	_ =	shalt  }
0x64: {  	_ =	shalt  }
0x65: {  	_ =	shalt  }
0x66: {  	_ =	shalt  }
0x67: {  	_ =	shalt  }
0x68: {  	_ =	shalt  }
0x69: {  	_ =	shalt  }
0x6a: {  	_ =	shalt  }
0x6b: {  	_ =	shalt  }
0x6c: {  	_ =	shalt  }
0x6d: {  	_ =	shalt  }
0x6e: {  	_ =	shalt  }
0x6f: {  	_ =	shalt  }
0x70: {  	_ =	shalt  }
0x71: {  	_ =	shalt  }
0x72: {  	_ =	shalt  }
0x73: {  	_ =	shalt  }
0x74: {  	_ =	shalt  }
0x75: {  	_ =	shalt  }
0x76: {  	_ =	shalt  }
0x77: {  	_ =	shalt  }
0x78: {  	_ =	shalt  }
0x79: {  	_ =	shalt  }
0x7a: {  	_ =	shalt  }
0x7b: {  	_ =	shalt  }
0x7c: {  	_ =	shalt  }
0x7d: {  	_ =	shalt  }
0x7e: {  	_ =	shalt  }
0x7f: {  	_ =	shalt  }
0x80: {  	_ =	shalt  }
0x81: {  	_ =	shalt  }
0x82: {  	_ =	shalt  }
0x83: {  	_ =	shalt  }
0x84: {  	_ =	shalt  }
0x85: {  	_ =	shalt  }
0x86: {  	_ =	shalt  }
0x87: {  	_ =	shalt  }
.Lfunc_end0:
.L_simem_size_0:
called_computation.1_lowered:
.L_overlay_start_0:
0x88: {  	s2 =	sld [smem:$0x3FD9]  }
0x89: {  	s3 =	sld [smem:$0x3FFE];
	_ =	sdelay $0x1  }
0x8a: {  	s1 =	srdreg.scid  }
0x8b: {  	s0 =	sand.u32 $0x1, s1  }
0x8c: {  	s17 =	sshll.u32 s0, $0xA;
	s2 =	sadd.s32 s3, s2  }
0x8d: {  	s2 =	sadd.s32 s2, s17  }
0x8e: {  	[smem:$0x3FC4] =	sst s2  }
0x8f: {  	_ = 	snop  }
0x90: {  	s2 =	sld [smem:$0x3FD0];
	(tm) =	ssettm $0x1  }
0x91: {  	s18 =	sld [smem:$0x3FFB];
	_ =	sdelay $0x3  }
0x92: {  	_ =	strace s18  }
0x93: {  	s3 =	sld [smem:$0x3FFC];
	_ =	sdelay $0x3  }
0x94: {  	_ =	strace s3  }
0x95: {  	s3 =	sld [smem:$0x3FFD];
	_ =	sdelay $0x3  }
0x96: {  	_ =	strace s3  }
0x97: {  	_ =	strace $0x8FFFFFFF  }
0x98: {  	s19 =	sld [smem:$0x3FDB];
	_ =	sdelay $0x1  }
0x99: {  	s4 =	simm.s32 $_scs_section_size  }
0x9a: {  	s5 =	simm.s32 $_size__tile_overlayer_lowered;
	s6 =	simm.s32 $_tile_overlayer_lowered  }
0x9b: {  	s22 =	simm.s32 $0x1BFF;
	s21 =	sshll.u32 s6, $0x1;
	s3 =	sadd.s32 s4, s19  }
0x9c: {  	s7 =	simm.s32 $0x0;
	s20 =	sshll.u32 s5, $0x1;
	s5 =	sadd.s32 s21, s3  }
0x9d: {  	[timem:s7], [sflag:s22] =	dma.local [hbm:s5], s20  }
0x9e: {  	_ =	swait.ge [sflag:s22], s20  }
0x9f: {  	s4 =	ssub.s32 $0x0, s20;
	[sflag:s22] =	ssyncset.done $0x0  }
0xa0: {  	[sflag:s22] =	ssyncadd.s32 s4;
	_ =	sdelay $0x1  }
0xa1: {  	s23 =	simm.s32 $0x1B8B  }
0xa2: {  	_ =	swait.ge [sflag:s23], $0x1  }
0xa3: {  	[sflag:s23] =	ssyncset.done $0x0  }
0xa4: {  	s25 =	simm.s32 $0x1B8E;
	s24 =	sld [smem:$0x3FFE];
	[sflag:s23] =	ssyncadd.s32 $0xFFFFFFFF  }
0xa5: {  	s26 =	simm.s32 $execute0_lowered;
	[smem:$0x3FD2] =	sst s25  }
0xa6: {  	s5 =	sshll.u32 s26, $0x1;
	_ =	strace $0x80000049;
	[dreg:$0x1] =	wrdreg $0xFFFFFFFF  }
0xa7: {  	s28 =	simm.s32 $_size_execute0_lowered;
	s3 =	sadd.s32 s3, s5;
	[dreg:$0x0] =	wrdreg $0x0  }
0xa8: {  	s5 =	sshll.u32 s28, $0x1;
	[dreg:$0x2] =	wrdreg s3  }
0xa9: {  	[dreg:$0x3] =	wrdreg s5  }
0xaa: {  	[dreg:$0x4] =	wrdreg $0xC0  }
0xab: {  	_ =	task [dreg:s7], $0x5FFFF  }
0xac: {  	[dreg:$0x1] =	wrdreg $0xFFFFFFFF  }
0xad: {  	[dreg:$0x0] =	wrdreg $0x60  }
0xae: {  	[dreg:$0x2] =	wrdreg s24  }
0xaf: {  	[dreg:$0x3] =	wrdreg s2  }
0xb0: {  	[dreg:$0x4] =	wrdreg $0x9  }
0xb1: {  	_ =	task.clear_ibuf [dreg:s7], $0x5FFFF;
	_ =	strace $0x90000049  }
0xb2: {  	s29 =	simm.s32 $0x9;
	_ =	strace $0x8000004B  }
0xb3: {  	_ =	swait.ge [sflag:s29], $0x1  }
0xb4: {  	[sflag:s29] =	ssyncadd.s32 $0xFFFFFFFF  }
0xb5: {  	_ =	strace $0x9000004B  }
0xb6: {  	_ =	sfence  }
0xb7: {  	s30 =	sld [smem:$0x0];
	_ =	sdelay $0x2  }
0xb8: {  	s31 =	sshll.u32 s1, $0xD;
	s1 =	sshrl.u32 s1, $0x2  }
0xb9: {  	s3 =	sand.u32 $0x4000, s31;
	s1 =	sadd.s32 s1, s30  }
0xba: {  	s0 =	sor.u32 s3, s0;
	s1 =	sshll.u32 s1, $0x11  }
0xbb: {  	s0 =	sor.u32 s1, s0  }
0xbc: {  	s0 =	sadd.s32 $0x8F2B, s0  }
0xbd: {  	[sflag:s0] =	ssyncadd.remote.s32 $0x1  }
0xbe: {  	_ =	sfence.sel $0xFFFF  }
0xbf: {  	[dreg:$0x0] =	wrdreg $0xFFFFFFFF;
	(pc) =	sbr.abs _section_cstart, $3  }
0xc0: {  	[dreg:$0x1] =	wrdreg $0xFFFFFFFF  }
0xc1: {  	_ =	task.clear_ibuf [dreg:s7], $0x2FFFF;
	_ =	strace $0x9FFFFFFF  }
0xc2: {  	(tm) =	ssettm $0x7FFFFFFF  }
0xc3: {  	_ =	shalt  }
tec
execute0_lowered:
.L_overlay_start_1:
0x0: {  	(tag) =	ssettag $0x1  }
0x1: {  	s0 =	rddreg [dreg:$0x0]  }
0x2: {  	s1 =	rddreg [dreg:$0x1];
	s3 =	srdreg.scid;
	s2 =	simm.s32 $0x0  }
0x3: {  	s9 =	stileid.u32;
	s26 =	simm.s32 $0x200;
	s28 =	simm.s32 $0x3400  }
0x4: {  	s29 =	simm.s32 $0x3C00;
	s30 =	simm.s32 $0x4400;
	s31 =	simm.s32 $0x4C00  }
0x5: {  	s15 =	simm.s32 $0x5400;
	s11 =	simm.s32 $0x6C00;
	s12 =	simm.s32 $0x7400  }
0x6: {  	s13 =	simm.s32 $0x7C00;
	s4 =	sand.u32 $0x1, s3;
	[smem:$0x7FF] =	sst s2  }
0x7: {  	s5 =	sshll.u32 s9, $0x7;
	s3 =	sadd.s32 $0x192600, s0;
	s7 =	sadd.s32 $0x12600, s0  }
0x8: {  	s9 =	sshll.u32 s9, $0xF;
	s6 =	sshll.u32 s4, $0x6;
	_ =	strace $0x8000004A  }
0x9: {  	s16 =	ssub.s32 $0x2, s4;
	s4 =	sshll.u32 s4, $0xE;
	[dreg:$0xd] =	wrdreg s26  }
0xa: {  	s26 =	simm.s32 $0x2C00;
	s5 =	sor.u32 s6, s5;
	s17 =	sor.u32 s4, s9  }
0xb: {  	s18 =	sshrl.u32 s16, $0x1;
	s4 =	sadd.s32 $0x192700, s0;
	s5 =	sadd.s32 s5, s0  }
0xc: {  	s19 =	sadd.s32 s1, s17;
	s20 =	sadd.s32 s7, s17;
	s9 =	sor.u32 $0x1000, s17  }
0xd: {  	s10 =	ssub.s32 s16, s18;
	s23 =	sor.u32 $0x2000, s17;
	[dreg:$0x5] =	wrdreg s19  }
0xe: {  	s18 =	simm.s32 $0x1;
	s8 =	sadd.s32 $0x11E00, s5;
	[dreg:$0x6] =	wrdreg s20  }
0xf: {  	s16 =	simm.s32 $0x5C00;
	s5 =	sadd.s32 $0x11600, s5;
	[dreg:$0x3] =	wrdreg s8  }
0x10: {  	s21 =	sadd.s32 s1, s9;
	s22 =	sadd.s32 s7, s9;
	[dreg:$0x4] =	wrdreg s5  }
0x11: {  	s24 =	sadd.s32 s1, s23;
	s6 =	sadd.s32 s7, s23;
	[dreg:$0x7] =	wrdreg s21  }
0x12: {  	s9 =	simm.s32 $0x400;
	s19 =	simm.s32 $0x2;
	[dreg:$0x8] =	wrdreg s22  }
0x13: {  	s23 =	simm.s32 $0x1C00;
	[dreg:$0x9] =	wrdreg s24;
	s8 =	sor.u32 $0x3000, s17  }
0x14: {  	s5 =	sadd.s32 $0x192800, s0;
	[dreg:$0xa] =	wrdreg s6;
	s6 =	sadd.s32 $0x192900, s0  }
0x15: {  	v2 =	vlaneseq.u32;
	s22 =	simm.s32 $0x1400;
	s24 =	simm.s32 $0x2400;
	s1 =	sadd.s32 s1, s8  }
0x16: {  	vm0 =	vmmov $0xffff;
	v1 =	vshrl.u32 v2, $0x3;
	s25 =	sadd.s32 s7, s8;
	s7 =	smax.u32 s10, $0x1;
	[dreg:$0xb] =	wrdreg s1  }
0x17: {  	v0 =	vand.u32 $0x7, v2;
	v2 =	vor.u32 $0x8, v2;
	v1 =	vmul.u32 $0x8, v1;
	s8 =	simm.s32 $0x3;
	[dreg:$0xc] =	wrdreg s25;
	s25 =	simm.s32 $0x8400  }
.LBB2_1:
0x18: {  	s20 =	rddreg [dreg:$0x3]  }
0x19: {  	[tilespmem:s2], [sflag:$0x3] =	stream.linear.gather [hbm4b:s20+s2], $0x200, $0x38;
	[tilespmem:$0x10400] =	vst v63  }
0x1a: {  	_ =	swait.ge [sflag:s8], $0x200  }
0x1b: {  	s14 =	rddreg [dreg:$0x4];
	[sflag:s8] =	ssyncset.done $0x0  }
0x1c: {  	s21 =	rddreg [dreg:$0xd];
	[sflag:s8] =	ssyncadd.s32 $0xFFFFFE00  }
0x1d: {  	[tilespmem:s21], [sflag:$0x3] =	stream.linear.gather [hbm4b:s14+s2], $0x200, $0x38;
	[tilespmem:$0x10400] =	vst v63  }
0x1e: {  	_ =	swait.ge [sflag:s8], $0x200  }
0x1f: {  	[sflag:s8] =	ssyncset.done $0x0  }
0x20: {  	[sflag:s8] =	ssyncadd.s32 $0xFFFFFE00  }
0x21: {  	v3 =	vld [tilespmem:$0x0];
	_ =	sdelay $0x4  }
0x22: {  	v4 =	vshll.u32 v3, $0x3  }
0x23: {  	v3 =	vand.u32 $0x7, v3;
	v4 =	vand.u32 $0xFFFFFFC0, v4  }
0x24: {  	v3 =	vor.u32 v3, v4  }
0x25: {  	v4 =	vperm.xlane v3, v0;
	_ =	sdelay $0x1  }
0x26: {  	v4 =	vadd.s32 v1, v4;
	_ =	sdelay $0x4  }
0x27: {  	[tilespmem:s9], [sflag:$0x1] =	stream.indirect_vreg.gather [hbm4b:s3+s2], $0x80, v4, vm0, $0xb8;
	[tilespmem:$0x10400] =	vst v63  }
0x28: {  	s21 =	simm.s32 $0xC00;
	v3 =	vperm.xlane v3, v2  }
0x29: {  	[tilespmem:s21], [sflag:$0x1] =	stream.indirect_vreg.gather [hbm4b:s4+s2], $0x80, v4, vm0, $0xb8;
	[tilespmem:$0x10400] =	vst v63  }
0x2a: {  	v3 =	vadd.s32 v1, v3  }
0x2b: {  	[tilespmem:s22], [sflag:$0x1] =	stream.indirect_vreg.gather [hbm4b:s5+s2], $0x80, v4, vm0, $0xb8;
	[tilespmem:$0x10400] =	vst v63  }
0x2c: {  	_ = 	snop  }
0x2d: {  	[tilespmem:s23], [sflag:$0x1] =	stream.indirect_vreg.gather [hbm4b:s6+s2], $0x80, v4, vm0, $0xb8;
	[tilespmem:$0x10400] =	vst v63  }
0x2e: {  	_ = 	snop  }
0x2f: {  	[tilespmem:s24], [sflag:$0x1] =	stream.indirect_vreg.gather [hbm4b:s3+s2], $0x80, v3, vm0, $0xb8;
	[tilespmem:$0x10400] =	vst v63  }
0x30: {  	_ = 	snop  }
0x31: {  	[tilespmem:s26], [sflag:$0x1] =	stream.indirect_vreg.gather [hbm4b:s4+s2], $0x80, v3, vm0, $0xb8;
	[tilespmem:$0x10400] =	vst v63  }
0x32: {  	_ = 	snop  }
0x33: {  	[tilespmem:s28], [sflag:$0x1] =	stream.indirect_vreg.gather [hbm4b:s5+s2], $0x80, v3, vm0, $0xb8;
	[tilespmem:$0x10400] =	vst v63  }
0x34: {  	_ = 	snop  }
0x35: {  	[tilespmem:s29], [sflag:$0x1] =	stream.indirect_vreg.gather [hbm4b:s6+s2], $0x80, v3, vm0, $0xb8;
	[tilespmem:$0x10400] =	vst v63  }
0x36: {  	v3 =	vld [tilespmem:$0x10];
	_ =	sdelay $0x4  }
0x37: {  	v49 =	vshll.u32 v3, $0x3  }
0x38: {  	v3 =	vand.u32 $0x7, v3;
	v4 =	vand.u32 $0xFFFFFFC0, v49  }
0x39: {  	v3 =	vor.u32 v3, v4  }
0x3a: {  	v4 =	vperm.xlane v3, v0;
	_ =	sdelay $0x1  }
0x3b: {  	v4 =	vadd.s32 v1, v4;
	_ =	sdelay $0x4  }
0x3c: {  	[tilespmem:s30], [sflag:$0x1] =	stream.indirect_vreg.gather [hbm4b:s3+s2], $0x80, v4, vm0, $0xb8;
	[tilespmem:$0x10400] =	vst v63  }
0x3d: {  	v3 =	vperm.xlane v3, v2  }
0x3e: {  	[tilespmem:s31], [sflag:$0x1] =	stream.indirect_vreg.gather [hbm4b:s4+s2], $0x80, v4, vm0, $0xb8;
	[tilespmem:$0x10400] =	vst v63  }
0x3f: {  	v3 =	vadd.s32 v1, v3  }
0x40: {  	[tilespmem:s15], [sflag:$0x1] =	stream.indirect_vreg.gather [hbm4b:s5+s2], $0x80, v4, vm0, $0xb8;
	[tilespmem:$0x10400] =	vst v63  }
0x41: {  	_ = 	snop  }
0x42: {  	[tilespmem:s16], [sflag:$0x1] =	stream.indirect_vreg.gather [hbm4b:s6+s2], $0x80, v4, vm0, $0xb8;
	[tilespmem:$0x10400] =	vst v63  }
0x43: {  	s10 =	simm.s32 $0x6400  }
0x44: {  	[tilespmem:s10], [sflag:$0x1] =	stream.indirect_vreg.gather [hbm4b:s3+s2], $0x80, v3, vm0, $0xb8;
	[tilespmem:$0x10400] =	vst v63  }
0x45: {  	_ = 	snop  }
0x46: {  	[tilespmem:s11], [sflag:$0x1] =	stream.indirect_vreg.gather [hbm4b:s4+s2], $0x80, v3, vm0, $0xb8;
	[tilespmem:$0x10400] =	vst v63  }
0x47: {  	_ = 	snop  }
0x48: {  	[tilespmem:s12], [sflag:$0x1] =	stream.indirect_vreg.gather [hbm4b:s5+s2], $0x80, v3, vm0, $0xb8;
	[tilespmem:$0x10400] =	vst v63  }
0x49: {  	_ = 	snop  }
0x4a: {  	[tilespmem:s13], [sflag:$0x1] =	stream.indirect_vreg.gather [hbm4b:s6+s2], $0x80, v3, vm0, $0xb8;
	[tilespmem:$0x10400] =	vst v63  }
0x4b: {  	v3 =	vld [tilespmem:$0x200];
	_ =	sdelay $0x4  }
0x4c: {  	v50 =	vshll.u32 v3, $0x3  }
0x4d: {  	v3 =	vand.u32 $0x7, v3;
	v4 =	vand.u32 $0xFFFFFFC0, v50  }
0x4e: {  	v3 =	vor.u32 v3, v4  }
0x4f: {  	v4 =	vperm.xlane v3, v0;
	_ =	sdelay $0x1  }
0x50: {  	v4 =	vadd.s32 v1, v4;
	_ =	sdelay $0x4  }
0x51: {  	[tilespmem:s25], [sflag:$0x2] =	stream.indirect_vreg.gather [hbm4b:s3+s2], $0x80, v4, vm0, $0xb8;
	[tilespmem:$0x10400] =	vst v63  }
0x52: {  	s14 =	simm.s32 $0x8C00;
	v3 =	vperm.xlane v3, v2  }
0x53: {  	[tilespmem:s14], [sflag:$0x2] =	stream.indirect_vreg.gather [hbm4b:s4+s2], $0x80, v4, vm0, $0xb8;
	[tilespmem:$0x10400] =	vst v63  }
0x54: {  	s17 =	simm.s32 $0x9400;
	v3 =	vadd.s32 v1, v3  }
0x55: {  	[tilespmem:s17], [sflag:$0x2] =	stream.indirect_vreg.gather [hbm4b:s5+s2], $0x80, v4, vm0, $0xb8;
	[tilespmem:$0x10400] =	vst v63  }
0x56: {  	s20 =	simm.s32 $0x9C00  }
0x57: {  	[tilespmem:s20], [sflag:$0x2] =	stream.indirect_vreg.gather [hbm4b:s6+s2], $0x80, v4, vm0, $0xb8;
	[tilespmem:$0x10400] =	vst v63  }
0x58: {  	s1 =	simm.s32 $0xA400  }
0x59: {  	[tilespmem:s1], [sflag:$0x2] =	stream.indirect_vreg.gather [hbm4b:s3+s2], $0x80, v3, vm0, $0xb8;
	[tilespmem:$0x10400] =	vst v63  }
0x5a: {  	s17 =	simm.s32 $0xAC00  }
0x5b: {  	[tilespmem:s17], [sflag:$0x2] =	stream.indirect_vreg.gather [hbm4b:s4+s2], $0x80, v3, vm0, $0xb8;
	[tilespmem:$0x10400] =	vst v63  }
0x5c: {  	s1 =	simm.s32 $0xB400  }
0x5d: {  	[tilespmem:s1], [sflag:$0x2] =	stream.indirect_vreg.gather [hbm4b:s5+s2], $0x80, v3, vm0, $0xb8;
	[tilespmem:$0x10400] =	vst v63  }
0x5e: {  	s14 =	simm.s32 $0xBC00  }
0x5f: {  	[tilespmem:s14], [sflag:$0x2] =	stream.indirect_vreg.gather [hbm4b:s6+s2], $0x80, v3, vm0, $0xb8;
	[tilespmem:$0x10400] =	vst v63  }
0x60: {  	v3 =	vld [tilespmem:$0x210];
	_ =	sdelay $0x4  }
0x61: {  	v51 =	vshll.u32 v3, $0x3  }
0x62: {  	v3 =	vand.u32 $0x7, v3;
	v4 =	vand.u32 $0xFFFFFFC0, v51  }
0x63: {  	v3 =	vor.u32 v3, v4  }
0x64: {  	v4 =	vperm.xlane v3, v0;
	_ =	sdelay $0x1  }
0x65: {  	v4 =	vadd.s32 v1, v4;
	_ =	sdelay $0x3  }
0x66: {  	s17 =	simm.s32 $0xC400  }
0x67: {  	[tilespmem:s17], [sflag:$0x2] =	stream.indirect_vreg.gather [hbm4b:s3+s2], $0x80, v4, vm0, $0xb8;
	[tilespmem:$0x10400] =	vst v63  }
0x68: {  	s1 =	simm.s32 $0xCC00;
	v3 =	vperm.xlane v3, v2  }
0x69: {  	[tilespmem:s1], [sflag:$0x2] =	stream.indirect_vreg.gather [hbm4b:s4+s2], $0x80, v4, vm0, $0xb8;
	[tilespmem:$0x10400] =	vst v63  }
0x6a: {  	v3 =	vadd.s32 v1, v3;
	s1 =	simm.s32 $0xD400  }
0x6b: {  	[tilespmem:s1], [sflag:$0x2] =	stream.indirect_vreg.gather [hbm4b:s5+s2], $0x80, v4, vm0, $0xb8;
	[tilespmem:$0x10400] =	vst v63  }
0x6c: {  	s1 =	simm.s32 $0xDC00  }
0x6d: {  	[tilespmem:s1], [sflag:$0x2] =	stream.indirect_vreg.gather [hbm4b:s6+s2], $0x80, v4, vm0, $0xb8;
	[tilespmem:$0x10400] =	vst v63  }
0x6e: {  	s1 =	simm.s32 $0xE400  }
0x6f: {  	[tilespmem:s1], [sflag:$0x2] =	stream.indirect_vreg.gather [hbm4b:s3+s2], $0x80, v3, vm0, $0xb8;
	[tilespmem:$0x10400] =	vst v63  }
0x70: {  	s1 =	simm.s32 $0xEC00  }
0x71: {  	[tilespmem:s1], [sflag:$0x2] =	stream.indirect_vreg.gather [hbm4b:s4+s2], $0x80, v3, vm0, $0xb8;
	[tilespmem:$0x10400] =	vst v63  }
0x72: {  	s1 =	simm.s32 $0xF400  }
0x73: {  	[tilespmem:s1], [sflag:$0x2] =	stream.indirect_vreg.gather [hbm4b:s5+s2], $0x80, v3, vm0, $0xb8;
	[tilespmem:$0x10400] =	vst v63  }
0x74: {  	s1 =	simm.s32 $0xFC00  }
0x75: {  	[tilespmem:s1], [sflag:$0x2] =	stream.indirect_vreg.gather [hbm4b:s6+s2], $0x80, v3, vm0, $0xb8;
	[tilespmem:$0x10400] =	vst v63  }
0x76: {  	_ =	swait.ge [sflag:s18], $0x8000  }
0x77: {  	[sflag:s18] =	ssyncset.done $0x0  }
0x78: {  	s1 =	rddreg [dreg:$0x5];
	[sflag:s18] =	ssyncadd.s32 $0xFFFF8000  }
0x79: {  	[hbm4b:s1+s2] =	stream.linear.scatter [tilespmem:s9], [sflag:$0x3], $0x8000, $0x38;
	[tilespmem:$0x10400] =	vst v63  }
0x7a: {  	_ =	swait.ge [sflag:s8], $0x8000  }
0x7b: {  	[sflag:s8] =	ssyncset.done $0x0  }
0x7c: {  	[sflag:s8] =	ssyncadd.s32 $0xFFFF8000  }
0x7d: {  	v3 =	vld [tilespmem:$0x80];
	_ =	sdelay $0x4  }
0x7e: {  	v52 =	vshll.u32 v3, $0x3  }
0x7f: {  	v3 =	vand.u32 $0x7, v3;
	v4 =	vand.u32 $0xFFFFFFC0, v52  }
0x80: {  	v3 =	vor.u32 v3, v4  }
0x81: {  	v4 =	vperm.xlane v3, v0;
	_ =	sdelay $0x1  }
0x82: {  	v4 =	vadd.s32 v1, v4;
	_ =	sdelay $0x4  }
0x83: {  	[tilespmem:s9], [sflag:$0x1] =	stream.indirect_vreg.gather [hbm4b:s3+s2], $0x80, v4, vm0, $0xb8;
	[tilespmem:$0x10400] =	vst v63  }
0x84: {  	v3 =	vperm.xlane v3, v2  }
0x85: {  	[tilespmem:s21], [sflag:$0x1] =	stream.indirect_vreg.gather [hbm4b:s4+s2], $0x80, v4, vm0, $0xb8;
	[tilespmem:$0x10400] =	vst v63  }
0x86: {  	v3 =	vadd.s32 v1, v3  }
0x87: {  	[tilespmem:s22], [sflag:$0x1] =	stream.indirect_vreg.gather [hbm4b:s5+s2], $0x80, v4, vm0, $0xb8;
	[tilespmem:$0x10400] =	vst v63  }
0x88: {  	_ = 	snop  }
0x89: {  	[tilespmem:s23], [sflag:$0x1] =	stream.indirect_vreg.gather [hbm4b:s6+s2], $0x80, v4, vm0, $0xb8;
	[tilespmem:$0x10400] =	vst v63  }
0x8a: {  	_ = 	snop  }
0x8b: {  	[tilespmem:s24], [sflag:$0x1] =	stream.indirect_vreg.gather [hbm4b:s3+s2], $0x80, v3, vm0, $0xb8;
	[tilespmem:$0x10400] =	vst v63  }
0x8c: {  	_ = 	snop  }
0x8d: {  	[tilespmem:s26], [sflag:$0x1] =	stream.indirect_vreg.gather [hbm4b:s4+s2], $0x80, v3, vm0, $0xb8;
	[tilespmem:$0x10400] =	vst v63  }
0x8e: {  	_ = 	snop  }
0x8f: {  	[tilespmem:s28], [sflag:$0x1] =	stream.indirect_vreg.gather [hbm4b:s5+s2], $0x80, v3, vm0, $0xb8;
	[tilespmem:$0x10400] =	vst v63  }
0x90: {  	_ = 	snop  }
0x91: {  	[tilespmem:s29], [sflag:$0x1] =	stream.indirect_vreg.gather [hbm4b:s6+s2], $0x80, v3, vm0, $0xb8;
	[tilespmem:$0x10400] =	vst v63  }
0x92: {  	v3 =	vld [tilespmem:$0x90];
	_ =	sdelay $0x4  }
0x93: {  	v53 =	vshll.u32 v3, $0x3  }
0x94: {  	v3 =	vand.u32 $0x7, v3;
	v4 =	vand.u32 $0xFFFFFFC0, v53  }
0x95: {  	v3 =	vor.u32 v3, v4  }
0x96: {  	v4 =	vperm.xlane v3, v0;
	_ =	sdelay $0x1  }
0x97: {  	v4 =	vadd.s32 v1, v4;
	_ =	sdelay $0x4  }
0x98: {  	[tilespmem:s30], [sflag:$0x1] =	stream.indirect_vreg.gather [hbm4b:s3+s2], $0x80, v4, vm0, $0xb8;
	[tilespmem:$0x10400] =	vst v63  }
0x99: {  	v3 =	vperm.xlane v3, v2  }
0x9a: {  	[tilespmem:s31], [sflag:$0x1] =	stream.indirect_vreg.gather [hbm4b:s4+s2], $0x80, v4, vm0, $0xb8;
	[tilespmem:$0x10400] =	vst v63  }
0x9b: {  	v3 =	vadd.s32 v1, v3  }
0x9c: {  	[tilespmem:s15], [sflag:$0x1] =	stream.indirect_vreg.gather [hbm4b:s5+s2], $0x80, v4, vm0, $0xb8;
	[tilespmem:$0x10400] =	vst v63  }
0x9d: {  	_ = 	snop  }
0x9e: {  	[tilespmem:s16], [sflag:$0x1] =	stream.indirect_vreg.gather [hbm4b:s6+s2], $0x80, v4, vm0, $0xb8;
	[tilespmem:$0x10400] =	vst v63  }
0x9f: {  	_ = 	snop  }
0xa0: {  	[tilespmem:s10], [sflag:$0x1] =	stream.indirect_vreg.gather [hbm4b:s3+s2], $0x80, v3, vm0, $0xb8;
	[tilespmem:$0x10400] =	vst v63  }
0xa1: {  	_ = 	snop  }
0xa2: {  	[tilespmem:s11], [sflag:$0x1] =	stream.indirect_vreg.gather [hbm4b:s4+s2], $0x80, v3, vm0, $0xb8;
	[tilespmem:$0x10400] =	vst v63  }
0xa3: {  	_ = 	snop  }
0xa4: {  	[tilespmem:s12], [sflag:$0x1] =	stream.indirect_vreg.gather [hbm4b:s5+s2], $0x80, v3, vm0, $0xb8;
	[tilespmem:$0x10400] =	vst v63  }
0xa5: {  	_ = 	snop  }
0xa6: {  	[tilespmem:s13], [sflag:$0x1] =	stream.indirect_vreg.gather [hbm4b:s6+s2], $0x80, v3, vm0, $0xb8;
	[tilespmem:$0x10400] =	vst v63  }
0xa7: {  	_ =	swait.ge [sflag:s19], $0x8000  }
0xa8: {  	[sflag:s19] =	ssyncset.done $0x0  }
0xa9: {  	s1 =	rddreg [dreg:$0x6];
	[sflag:s19] =	ssyncadd.s32 $0xFFFF8000  }
0xaa: {  	[hbm4b:s1+s2] =	stream.linear.scatter [tilespmem:s25], [sflag:$0x3], $0x8000, $0x38;
	[tilespmem:$0x10400] =	vst v63  }
0xab: {  	_ =	swait.ge [sflag:s8], $0x8000  }
0xac: {  	[sflag:s8] =	ssyncset.done $0x0  }
0xad: {  	[sflag:s8] =	ssyncadd.s32 $0xFFFF8000  }
0xae: {  	v3 =	vld [tilespmem:$0x280];
	_ =	sdelay $0x4  }
0xaf: {  	v54 =	vshll.u32 v3, $0x3  }
0xb0: {  	v3 =	vand.u32 $0x7, v3;
	v4 =	vand.u32 $0xFFFFFFC0, v54  }
0xb1: {  	v3 =	vor.u32 v3, v4  }
0xb2: {  	v4 =	vperm.xlane v3, v0;
	_ =	sdelay $0x1  }
0xb3: {  	v4 =	vadd.s32 v1, v4;
	_ =	sdelay $0x4  }
0xb4: {  	[tilespmem:s25], [sflag:$0x2] =	stream.indirect_vreg.gather [hbm4b:s3+s2], $0x80, v4, vm0, $0xb8;
	[tilespmem:$0x10400] =	vst v63  }
0xb5: {  	s0 =	simm.s32 $0x8C00;
	v3 =	vperm.xlane v3, v2  }
0xb6: {  	[tilespmem:s0], [sflag:$0x2] =	stream.indirect_vreg.gather [hbm4b:s4+s2], $0x80, v4, vm0, $0xb8;
	[tilespmem:$0x10400] =	vst v63  }
0xb7: {  	v3 =	vadd.s32 v1, v3;
	s0 =	simm.s32 $0x9400  }
0xb8: {  	[tilespmem:s0], [sflag:$0x2] =	stream.indirect_vreg.gather [hbm4b:s5+s2], $0x80, v4, vm0, $0xb8;
	[tilespmem:$0x10400] =	vst v63  }
0xb9: {  	s1 =	simm.s32 $0x9C00  }
0xba: {  	[tilespmem:s1], [sflag:$0x2] =	stream.indirect_vreg.gather [hbm4b:s6+s2], $0x80, v4, vm0, $0xb8;
	[tilespmem:$0x10400] =	vst v63  }
0xbb: {  	s20 =	simm.s32 $0xA400  }
0xbc: {  	[tilespmem:s20], [sflag:$0x2] =	stream.indirect_vreg.gather [hbm4b:s3+s2], $0x80, v3, vm0, $0xb8;
	[tilespmem:$0x10400] =	vst v63  }
0xbd: {  	s20 =	simm.s32 $0xAC00  }
0xbe: {  	[tilespmem:s20], [sflag:$0x2] =	stream.indirect_vreg.gather [hbm4b:s4+s2], $0x80, v3, vm0, $0xb8;
	[tilespmem:$0x10400] =	vst v63  }
0xbf: {  	s20 =	simm.s32 $0xB400  }
0xc0: {  	[tilespmem:s20], [sflag:$0x2] =	stream.indirect_vreg.gather [hbm4b:s5+s2], $0x80, v3, vm0, $0xb8;
	[tilespmem:$0x10400] =	vst v63  }
0xc1: {  	s14 =	simm.s32 $0xBC00  }
0xc2: {  	[tilespmem:s14], [sflag:$0x2] =	stream.indirect_vreg.gather [hbm4b:s6+s2], $0x80, v3, vm0, $0xb8;
	[tilespmem:$0x10400] =	vst v63  }
0xc3: {  	v3 =	vld [tilespmem:$0x290];
	_ =	sdelay $0x4  }
0xc4: {  	v55 =	vshll.u32 v3, $0x3  }
0xc5: {  	v3 =	vand.u32 $0x7, v3;
	v4 =	vand.u32 $0xFFFFFFC0, v55  }
0xc6: {  	v3 =	vor.u32 v3, v4  }
0xc7: {  	v4 =	vperm.xlane v3, v0;
	_ =	sdelay $0x1  }
0xc8: {  	v4 =	vadd.s32 v1, v4;
	_ =	sdelay $0x3  }
0xc9: {  	s17 =	simm.s32 $0xC400  }
0xca: {  	[tilespmem:s17], [sflag:$0x2] =	stream.indirect_vreg.gather [hbm4b:s3+s2], $0x80, v4, vm0, $0xb8;
	[tilespmem:$0x10400] =	vst v63  }
0xcb: {  	s20 =	simm.s32 $0xCC00;
	v3 =	vperm.xlane v3, v2  }
0xcc: {  	[tilespmem:s20], [sflag:$0x2] =	stream.indirect_vreg.gather [hbm4b:s4+s2], $0x80, v4, vm0, $0xb8;
	[tilespmem:$0x10400] =	vst v63  }
0xcd: {  	v3 =	vadd.s32 v1, v3;
	s17 =	simm.s32 $0xD400  }
0xce: {  	[tilespmem:s17], [sflag:$0x2] =	stream.indirect_vreg.gather [hbm4b:s5+s2], $0x80, v4, vm0, $0xb8;
	[tilespmem:$0x10400] =	vst v63  }
0xcf: {  	s20 =	simm.s32 $0xDC00  }
0xd0: {  	[tilespmem:s20], [sflag:$0x2] =	stream.indirect_vreg.gather [hbm4b:s6+s2], $0x80, v4, vm0, $0xb8;
	[tilespmem:$0x10400] =	vst v63  }
0xd1: {  	s17 =	simm.s32 $0xE400  }
0xd2: {  	[tilespmem:s17], [sflag:$0x2] =	stream.indirect_vreg.gather [hbm4b:s3+s2], $0x80, v3, vm0, $0xb8;
	[tilespmem:$0x10400] =	vst v63  }
0xd3: {  	s20 =	simm.s32 $0xEC00  }
0xd4: {  	[tilespmem:s20], [sflag:$0x2] =	stream.indirect_vreg.gather [hbm4b:s4+s2], $0x80, v3, vm0, $0xb8;
	[tilespmem:$0x10400] =	vst v63  }
0xd5: {  	s17 =	simm.s32 $0xF400  }
0xd6: {  	[tilespmem:s17], [sflag:$0x2] =	stream.indirect_vreg.gather [hbm4b:s5+s2], $0x80, v3, vm0, $0xb8;
	[tilespmem:$0x10400] =	vst v63  }
0xd7: {  	s20 =	simm.s32 $0xFC00  }
0xd8: {  	[tilespmem:s20], [sflag:$0x2] =	stream.indirect_vreg.gather [hbm4b:s6+s2], $0x80, v3, vm0, $0xb8;
	[tilespmem:$0x10400] =	vst v63  }
0xd9: {  	_ =	swait.ge [sflag:s18], $0x8000  }
0xda: {  	[sflag:s18] =	ssyncset.done $0x0  }
0xdb: {  	s17 =	rddreg [dreg:$0x7];
	[sflag:s18] =	ssyncadd.s32 $0xFFFF8000  }
0xdc: {  	[hbm4b:s17+s2] =	stream.linear.scatter [tilespmem:s9], [sflag:$0x3], $0x8000, $0x38;
	[tilespmem:$0x10400] =	vst v63  }
0xdd: {  	_ =	swait.ge [sflag:s8], $0x8000  }
0xde: {  	[sflag:s8] =	ssyncset.done $0x0  }
0xdf: {  	[sflag:s8] =	ssyncadd.s32 $0xFFFF8000  }
0xe0: {  	v3 =	vld [tilespmem:$0x100];
	_ =	sdelay $0x4  }
0xe1: {  	v56 =	vshll.u32 v3, $0x3  }
0xe2: {  	v3 =	vand.u32 $0x7, v3;
	v4 =	vand.u32 $0xFFFFFFC0, v56  }
0xe3: {  	v3 =	vor.u32 v3, v4  }
0xe4: {  	v4 =	vperm.xlane v3, v0;
	_ =	sdelay $0x1  }
0xe5: {  	v4 =	vadd.s32 v1, v4;
	_ =	sdelay $0x4  }
0xe6: {  	[tilespmem:s9], [sflag:$0x1] =	stream.indirect_vreg.gather [hbm4b:s3+s2], $0x80, v4, vm0, $0xb8;
	[tilespmem:$0x10400] =	vst v63  }
0xe7: {  	v3 =	vperm.xlane v3, v2  }
0xe8: {  	[tilespmem:s21], [sflag:$0x1] =	stream.indirect_vreg.gather [hbm4b:s4+s2], $0x80, v4, vm0, $0xb8;
	[tilespmem:$0x10400] =	vst v63  }
0xe9: {  	v3 =	vadd.s32 v1, v3  }
0xea: {  	[tilespmem:s22], [sflag:$0x1] =	stream.indirect_vreg.gather [hbm4b:s5+s2], $0x80, v4, vm0, $0xb8;
	[tilespmem:$0x10400] =	vst v63  }
0xeb: {  	_ = 	snop  }
0xec: {  	[tilespmem:s23], [sflag:$0x1] =	stream.indirect_vreg.gather [hbm4b:s6+s2], $0x80, v4, vm0, $0xb8;
	[tilespmem:$0x10400] =	vst v63  }
0xed: {  	_ = 	snop  }
0xee: {  	[tilespmem:s24], [sflag:$0x1] =	stream.indirect_vreg.gather [hbm4b:s3+s2], $0x80, v3, vm0, $0xb8;
	[tilespmem:$0x10400] =	vst v63  }
0xef: {  	_ = 	snop  }
0xf0: {  	[tilespmem:s26], [sflag:$0x1] =	stream.indirect_vreg.gather [hbm4b:s4+s2], $0x80, v3, vm0, $0xb8;
	[tilespmem:$0x10400] =	vst v63  }
0xf1: {  	_ = 	snop  }
0xf2: {  	[tilespmem:s28], [sflag:$0x1] =	stream.indirect_vreg.gather [hbm4b:s5+s2], $0x80, v3, vm0, $0xb8;
	[tilespmem:$0x10400] =	vst v63  }
0xf3: {  	_ = 	snop  }
0xf4: {  	[tilespmem:s29], [sflag:$0x1] =	stream.indirect_vreg.gather [hbm4b:s6+s2], $0x80, v3, vm0, $0xb8;
	[tilespmem:$0x10400] =	vst v63  }
0xf5: {  	v3 =	vld [tilespmem:$0x110];
	_ =	sdelay $0x4  }
0xf6: {  	v57 =	vshll.u32 v3, $0x3  }
0xf7: {  	v3 =	vand.u32 $0x7, v3;
	v4 =	vand.u32 $0xFFFFFFC0, v57  }
0xf8: {  	v3 =	vor.u32 v3, v4  }
0xf9: {  	v4 =	vperm.xlane v3, v0;
	_ =	sdelay $0x1  }
0xfa: {  	v4 =	vadd.s32 v1, v4;
	_ =	sdelay $0x4  }
0xfb: {  	[tilespmem:s30], [sflag:$0x1] =	stream.indirect_vreg.gather [hbm4b:s3+s2], $0x80, v4, vm0, $0xb8;
	[tilespmem:$0x10400] =	vst v63  }
0xfc: {  	v3 =	vperm.xlane v3, v2  }
0xfd: {  	[tilespmem:s31], [sflag:$0x1] =	stream.indirect_vreg.gather [hbm4b:s4+s2], $0x80, v4, vm0, $0xb8;
	[tilespmem:$0x10400] =	vst v63  }
0xfe: {  	v3 =	vadd.s32 v1, v3  }
0xff: {  	[tilespmem:s15], [sflag:$0x1] =	stream.indirect_vreg.gather [hbm4b:s5+s2], $0x80, v4, vm0, $0xb8;
	[tilespmem:$0x10400] =	vst v63  }
0x100: {  	_ = 	snop  }
0x101: {  	[tilespmem:s16], [sflag:$0x1] =	stream.indirect_vreg.gather [hbm4b:s6+s2], $0x80, v4, vm0, $0xb8;
	[tilespmem:$0x10400] =	vst v63  }
0x102: {  	_ = 	snop  }
0x103: {  	[tilespmem:s10], [sflag:$0x1] =	stream.indirect_vreg.gather [hbm4b:s3+s2], $0x80, v3, vm0, $0xb8;
	[tilespmem:$0x10400] =	vst v63  }
0x104: {  	_ = 	snop  }
0x105: {  	[tilespmem:s11], [sflag:$0x1] =	stream.indirect_vreg.gather [hbm4b:s4+s2], $0x80, v3, vm0, $0xb8;
	[tilespmem:$0x10400] =	vst v63  }
0x106: {  	_ = 	snop  }
0x107: {  	[tilespmem:s12], [sflag:$0x1] =	stream.indirect_vreg.gather [hbm4b:s5+s2], $0x80, v3, vm0, $0xb8;
	[tilespmem:$0x10400] =	vst v63  }
0x108: {  	_ = 	snop  }
0x109: {  	[tilespmem:s13], [sflag:$0x1] =	stream.indirect_vreg.gather [hbm4b:s6+s2], $0x80, v3, vm0, $0xb8;
	[tilespmem:$0x10400] =	vst v63  }
0x10a: {  	_ =	swait.ge [sflag:s19], $0x8000  }
0x10b: {  	[sflag:s19] =	ssyncset.done $0x0  }
0x10c: {  	s14 =	rddreg [dreg:$0x8];
	[sflag:s19] =	ssyncadd.s32 $0xFFFF8000  }
0x10d: {  	[hbm4b:s14+s2] =	stream.linear.scatter [tilespmem:s25], [sflag:$0x3], $0x8000, $0x38;
	[tilespmem:$0x10400] =	vst v63  }
0x10e: {  	_ =	swait.ge [sflag:s8], $0x8000  }
0x10f: {  	[sflag:s8] =	ssyncset.done $0x0  }
0x110: {  	[sflag:s8] =	ssyncadd.s32 $0xFFFF8000  }
0x111: {  	v3 =	vld [tilespmem:$0x300];
	_ =	sdelay $0x4  }
0x112: {  	v58 =	vshll.u32 v3, $0x3  }
0x113: {  	v3 =	vand.u32 $0x7, v3;
	v4 =	vand.u32 $0xFFFFFFC0, v58  }
0x114: {  	v3 =	vor.u32 v3, v4  }
0x115: {  	v4 =	vperm.xlane v3, v0;
	_ =	sdelay $0x1  }
0x116: {  	v4 =	vadd.s32 v1, v4;
	_ =	sdelay $0x4  }
0x117: {  	[tilespmem:s25], [sflag:$0x2] =	stream.indirect_vreg.gather [hbm4b:s3+s2], $0x80, v4, vm0, $0xb8;
	[tilespmem:$0x10400] =	vst v63  }
0x118: {  	s17 =	simm.s32 $0x8C00;
	v3 =	vperm.xlane v3, v2  }
0x119: {  	[tilespmem:s17], [sflag:$0x2] =	stream.indirect_vreg.gather [hbm4b:s4+s2], $0x80, v4, vm0, $0xb8;
	[tilespmem:$0x10400] =	vst v63  }
0x11a: {  	v3 =	vadd.s32 v1, v3  }
0x11b: {  	[tilespmem:s0], [sflag:$0x2] =	stream.indirect_vreg.gather [hbm4b:s5+s2], $0x80, v4, vm0, $0xb8;
	[tilespmem:$0x10400] =	vst v63  }
0x11c: {  	_ = 	snop  }
0x11d: {  	[tilespmem:s1], [sflag:$0x2] =	stream.indirect_vreg.gather [hbm4b:s6+s2], $0x80, v4, vm0, $0xb8;
	[tilespmem:$0x10400] =	vst v63  }
0x11e: {  	s20 =	simm.s32 $0xA400  }
0x11f: {  	[tilespmem:s20], [sflag:$0x2] =	stream.indirect_vreg.gather [hbm4b:s3+s2], $0x80, v3, vm0, $0xb8;
	[tilespmem:$0x10400] =	vst v63  }
0x120: {  	s17 =	simm.s32 $0xAC00  }
0x121: {  	[tilespmem:s17], [sflag:$0x2] =	stream.indirect_vreg.gather [hbm4b:s4+s2], $0x80, v3, vm0, $0xb8;
	[tilespmem:$0x10400] =	vst v63  }
0x122: {  	s20 =	simm.s32 $0xB400  }
0x123: {  	[tilespmem:s20], [sflag:$0x2] =	stream.indirect_vreg.gather [hbm4b:s5+s2], $0x80, v3, vm0, $0xb8;
	[tilespmem:$0x10400] =	vst v63  }
0x124: {  	s20 =	simm.s32 $0xBC00  }
0x125: {  	[tilespmem:s20], [sflag:$0x2] =	stream.indirect_vreg.gather [hbm4b:s6+s2], $0x80, v3, vm0, $0xb8;
	[tilespmem:$0x10400] =	vst v63  }
0x126: {  	v3 =	vld [tilespmem:$0x310];
	_ =	sdelay $0x4  }
0x127: {  	v59 =	vshll.u32 v3, $0x3  }
0x128: {  	v3 =	vand.u32 $0x7, v3;
	v4 =	vand.u32 $0xFFFFFFC0, v59  }
0x129: {  	v3 =	vor.u32 v3, v4  }
0x12a: {  	v4 =	vperm.xlane v3, v0;
	_ =	sdelay $0x1  }
0x12b: {  	v4 =	vadd.s32 v1, v4;
	_ =	sdelay $0x3  }
0x12c: {  	s20 =	simm.s32 $0xC400  }
0x12d: {  	[tilespmem:s20], [sflag:$0x2] =	stream.indirect_vreg.gather [hbm4b:s3+s2], $0x80, v4, vm0, $0xb8;
	[tilespmem:$0x10400] =	vst v63  }
0x12e: {  	v3 =	vperm.xlane v3, v2;
	s20 =	simm.s32 $0xCC00  }
0x12f: {  	[tilespmem:s20], [sflag:$0x2] =	stream.indirect_vreg.gather [hbm4b:s4+s2], $0x80, v4, vm0, $0xb8;
	[tilespmem:$0x10400] =	vst v63  }
0x130: {  	v3 =	vadd.s32 v1, v3;
	s20 =	simm.s32 $0xD400  }
0x131: {  	[tilespmem:s20], [sflag:$0x2] =	stream.indirect_vreg.gather [hbm4b:s5+s2], $0x80, v4, vm0, $0xb8;
	[tilespmem:$0x10400] =	vst v63  }
0x132: {  	s20 =	simm.s32 $0xDC00  }
0x133: {  	[tilespmem:s20], [sflag:$0x2] =	stream.indirect_vreg.gather [hbm4b:s6+s2], $0x80, v4, vm0, $0xb8;
	[tilespmem:$0x10400] =	vst v63  }
0x134: {  	s20 =	simm.s32 $0xE400  }
0x135: {  	[tilespmem:s20], [sflag:$0x2] =	stream.indirect_vreg.gather [hbm4b:s3+s2], $0x80, v3, vm0, $0xb8;
	[tilespmem:$0x10400] =	vst v63  }
0x136: {  	s20 =	simm.s32 $0xEC00  }
0x137: {  	[tilespmem:s20], [sflag:$0x2] =	stream.indirect_vreg.gather [hbm4b:s4+s2], $0x80, v3, vm0, $0xb8;
	[tilespmem:$0x10400] =	vst v63  }
0x138: {  	s20 =	simm.s32 $0xF400  }
0x139: {  	[tilespmem:s20], [sflag:$0x2] =	stream.indirect_vreg.gather [hbm4b:s5+s2], $0x80, v3, vm0, $0xb8;
	[tilespmem:$0x10400] =	vst v63  }
0x13a: {  	s20 =	simm.s32 $0xFC00  }
0x13b: {  	[tilespmem:s20], [sflag:$0x2] =	stream.indirect_vreg.gather [hbm4b:s6+s2], $0x80, v3, vm0, $0xb8;
	[tilespmem:$0x10400] =	vst v63  }
0x13c: {  	_ =	swait.ge [sflag:s18], $0x8000  }
0x13d: {  	[sflag:s18] =	ssyncset.done $0x0  }
0x13e: {  	s20 =	rddreg [dreg:$0x9];
	[sflag:s18] =	ssyncadd.s32 $0xFFFF8000  }
0x13f: {  	[hbm4b:s20+s2] =	stream.linear.scatter [tilespmem:s9], [sflag:$0x3], $0x8000, $0x38;
	[tilespmem:$0x10400] =	vst v63  }
0x140: {  	_ =	swait.ge [sflag:s8], $0x8000  }
0x141: {  	[sflag:s8] =	ssyncset.done $0x0  }
0x142: {  	[sflag:s8] =	ssyncadd.s32 $0xFFFF8000  }
0x143: {  	v3 =	vld [tilespmem:$0x180];
	_ =	sdelay $0x4  }
0x144: {  	v60 =	vshll.u32 v3, $0x3  }
0x145: {  	v3 =	vand.u32 $0x7, v3;
	v4 =	vand.u32 $0xFFFFFFC0, v60  }
0x146: {  	v3 =	vor.u32 v3, v4  }
0x147: {  	v4 =	vperm.xlane v3, v0;
	_ =	sdelay $0x1  }
0x148: {  	v4 =	vadd.s32 v1, v4;
	_ =	sdelay $0x4  }
0x149: {  	[tilespmem:s9], [sflag:$0x1] =	stream.indirect_vreg.gather [hbm4b:s3+s2], $0x80, v4, vm0, $0xb8;
	[tilespmem:$0x10400] =	vst v63  }
0x14a: {  	v3 =	vperm.xlane v3, v2  }
0x14b: {  	[tilespmem:s21], [sflag:$0x1] =	stream.indirect_vreg.gather [hbm4b:s4+s2], $0x80, v4, vm0, $0xb8;
	[tilespmem:$0x10400] =	vst v63  }
0x14c: {  	v3 =	vadd.s32 v1, v3  }
0x14d: {  	[tilespmem:s22], [sflag:$0x1] =	stream.indirect_vreg.gather [hbm4b:s5+s2], $0x80, v4, vm0, $0xb8;
	[tilespmem:$0x10400] =	vst v63  }
0x14e: {  	_ = 	snop  }
0x14f: {  	[tilespmem:s23], [sflag:$0x1] =	stream.indirect_vreg.gather [hbm4b:s6+s2], $0x80, v4, vm0, $0xb8;
	[tilespmem:$0x10400] =	vst v63  }
0x150: {  	_ = 	snop  }
0x151: {  	[tilespmem:s24], [sflag:$0x1] =	stream.indirect_vreg.gather [hbm4b:s3+s2], $0x80, v3, vm0, $0xb8;
	[tilespmem:$0x10400] =	vst v63  }
0x152: {  	_ = 	snop  }
0x153: {  	[tilespmem:s26], [sflag:$0x1] =	stream.indirect_vreg.gather [hbm4b:s4+s2], $0x80, v3, vm0, $0xb8;
	[tilespmem:$0x10400] =	vst v63  }
0x154: {  	_ = 	snop  }
0x155: {  	[tilespmem:s28], [sflag:$0x1] =	stream.indirect_vreg.gather [hbm4b:s5+s2], $0x80, v3, vm0, $0xb8;
	[tilespmem:$0x10400] =	vst v63  }
0x156: {  	_ = 	snop  }
0x157: {  	[tilespmem:s29], [sflag:$0x1] =	stream.indirect_vreg.gather [hbm4b:s6+s2], $0x80, v3, vm0, $0xb8;
	[tilespmem:$0x10400] =	vst v63  }
0x158: {  	v3 =	vld [tilespmem:$0x190];
	_ =	sdelay $0x4  }
0x159: {  	v61 =	vshll.u32 v3, $0x3  }
0x15a: {  	v3 =	vand.u32 $0x7, v3;
	v4 =	vand.u32 $0xFFFFFFC0, v61  }
0x15b: {  	v3 =	vor.u32 v3, v4  }
0x15c: {  	v4 =	vperm.xlane v3, v0;
	_ =	sdelay $0x1  }
0x15d: {  	v4 =	vadd.s32 v1, v4;
	_ =	sdelay $0x4  }
0x15e: {  	[tilespmem:s30], [sflag:$0x1] =	stream.indirect_vreg.gather [hbm4b:s3+s2], $0x80, v4, vm0, $0xb8;
	[tilespmem:$0x10400] =	vst v63  }
0x15f: {  	v3 =	vperm.xlane v3, v2  }
0x160: {  	[tilespmem:s31], [sflag:$0x1] =	stream.indirect_vreg.gather [hbm4b:s4+s2], $0x80, v4, vm0, $0xb8;
	[tilespmem:$0x10400] =	vst v63  }
0x161: {  	v3 =	vadd.s32 v1, v3  }
0x162: {  	[tilespmem:s15], [sflag:$0x1] =	stream.indirect_vreg.gather [hbm4b:s5+s2], $0x80, v4, vm0, $0xb8;
	[tilespmem:$0x10400] =	vst v63  }
0x163: {  	_ = 	snop  }
0x164: {  	[tilespmem:s16], [sflag:$0x1] =	stream.indirect_vreg.gather [hbm4b:s6+s2], $0x80, v4, vm0, $0xb8;
	[tilespmem:$0x10400] =	vst v63  }
0x165: {  	_ = 	snop  }
0x166: {  	[tilespmem:s10], [sflag:$0x1] =	stream.indirect_vreg.gather [hbm4b:s3+s2], $0x80, v3, vm0, $0xb8;
	[tilespmem:$0x10400] =	vst v63  }
0x167: {  	_ = 	snop  }
0x168: {  	[tilespmem:s11], [sflag:$0x1] =	stream.indirect_vreg.gather [hbm4b:s4+s2], $0x80, v3, vm0, $0xb8;
	[tilespmem:$0x10400] =	vst v63  }
0x169: {  	_ = 	snop  }
0x16a: {  	[tilespmem:s12], [sflag:$0x1] =	stream.indirect_vreg.gather [hbm4b:s5+s2], $0x80, v3, vm0, $0xb8;
	[tilespmem:$0x10400] =	vst v63  }
0x16b: {  	_ = 	snop  }
0x16c: {  	[tilespmem:s13], [sflag:$0x1] =	stream.indirect_vreg.gather [hbm4b:s6+s2], $0x80, v3, vm0, $0xb8;
	[tilespmem:$0x10400] =	vst v63  }
0x16d: {  	_ =	swait.ge [sflag:s19], $0x8000  }
0x16e: {  	[sflag:s19] =	ssyncset.done $0x0  }
0x16f: {  	s10 =	rddreg [dreg:$0xa];
	[sflag:s19] =	ssyncadd.s32 $0xFFFF8000  }
0x170: {  	[hbm4b:s10+s2] =	stream.linear.scatter [tilespmem:s25], [sflag:$0x3], $0x8000, $0x38;
	[tilespmem:$0x10400] =	vst v63  }
0x171: {  	_ =	swait.ge [sflag:s8], $0x8000  }
0x172: {  	[sflag:s8] =	ssyncset.done $0x0  }
0x173: {  	[sflag:s8] =	ssyncadd.s32 $0xFFFF8000  }
0x174: {  	v3 =	vld [tilespmem:$0x380];
	_ =	sdelay $0x4  }
0x175: {  	v62 =	vshll.u32 v3, $0x3  }
0x176: {  	v3 =	vand.u32 $0x7, v3;
	v4 =	vand.u32 $0xFFFFFFC0, v62  }
0x177: {  	v3 =	vor.u32 v3, v4  }
0x178: {  	v4 =	vperm.xlane v3, v0;
	_ =	sdelay $0x1  }
0x179: {  	v4 =	vadd.s32 v1, v4;
	_ =	sdelay $0x4  }
0x17a: {  	[tilespmem:s25], [sflag:$0x2] =	stream.indirect_vreg.gather [hbm4b:s3+s2], $0x80, v4, vm0, $0xb8;
	[tilespmem:$0x10400] =	vst v63  }
0x17b: {  	s20 =	simm.s32 $0x8C00;
	v3 =	vperm.xlane v3, v2  }
0x17c: {  	[tilespmem:s20], [sflag:$0x2] =	stream.indirect_vreg.gather [hbm4b:s4+s2], $0x80, v4, vm0, $0xb8;
	[tilespmem:$0x10400] =	vst v63  }
0x17d: {  	s0 =	simm.s32 $0x9400;
	v3 =	vadd.s32 v1, v3  }
0x17e: {  	[tilespmem:s0], [sflag:$0x2] =	stream.indirect_vreg.gather [hbm4b:s5+s2], $0x80, v4, vm0, $0xb8;
	[tilespmem:$0x10400] =	vst v63  }
0x17f: {  	s1 =	simm.s32 $0x9C00  }
0x180: {  	[tilespmem:s1], [sflag:$0x2] =	stream.indirect_vreg.gather [hbm4b:s6+s2], $0x80, v4, vm0, $0xb8;
	[tilespmem:$0x10400] =	vst v63  }
0x181: {  	s21 =	simm.s32 $0xA400  }
0x182: {  	[tilespmem:s21], [sflag:$0x2] =	stream.indirect_vreg.gather [hbm4b:s3+s2], $0x80, v3, vm0, $0xb8;
	[tilespmem:$0x10400] =	vst v63  }
0x183: {  	s14 =	simm.s32 $0xAC00  }
0x184: {  	[tilespmem:s14], [sflag:$0x2] =	stream.indirect_vreg.gather [hbm4b:s4+s2], $0x80, v3, vm0, $0xb8;
	[tilespmem:$0x10400] =	vst v63  }
0x185: {  	s17 =	simm.s32 $0xB400  }
0x186: {  	[tilespmem:s17], [sflag:$0x2] =	stream.indirect_vreg.gather [hbm4b:s5+s2], $0x80, v3, vm0, $0xb8;
	[tilespmem:$0x10400] =	vst v63  }
0x187: {  	s1 =	simm.s32 $0xBC00  }
0x188: {  	[tilespmem:s1], [sflag:$0x2] =	stream.indirect_vreg.gather [hbm4b:s6+s2], $0x80, v3, vm0, $0xb8;
	[tilespmem:$0x10400] =	vst v63  }
0x189: {  	v3 =	vld [tilespmem:$0x390];
	_ =	sdelay $0x4  }
0x18a: {  	v63 =	vshll.u32 v3, $0x3  }
0x18b: {  	v3 =	vand.u32 $0x7, v3;
	v4 =	vand.u32 $0xFFFFFFC0, v63  }
0x18c: {  	v3 =	vor.u32 v3, v4  }
0x18d: {  	v4 =	vperm.xlane v3, v0;
	_ =	sdelay $0x1  }
0x18e: {  	v4 =	vadd.s32 v1, v4;
	_ =	sdelay $0x3  }
0x18f: {  	s10 =	simm.s32 $0xC400  }
0x190: {  	[tilespmem:s10], [sflag:$0x2] =	stream.indirect_vreg.gather [hbm4b:s3+s2], $0x80, v4, vm0, $0xb8;
	[tilespmem:$0x10400] =	vst v63  }
0x191: {  	s14 =	simm.s32 $0xCC00;
	v3 =	vperm.xlane v3, v2  }
0x192: {  	[tilespmem:s14], [sflag:$0x2] =	stream.indirect_vreg.gather [hbm4b:s4+s2], $0x80, v4, vm0, $0xb8;
	[tilespmem:$0x10400] =	vst v63  }
0x193: {  	s17 =	simm.s32 $0xD400;
	v3 =	vadd.s32 v1, v3  }
0x194: {  	[tilespmem:s17], [sflag:$0x2] =	stream.indirect_vreg.gather [hbm4b:s5+s2], $0x80, v4, vm0, $0xb8;
	[tilespmem:$0x10400] =	vst v63  }
0x195: {  	s20 =	simm.s32 $0xDC00  }
0x196: {  	[tilespmem:s20], [sflag:$0x2] =	stream.indirect_vreg.gather [hbm4b:s6+s2], $0x80, v4, vm0, $0xb8;
	[tilespmem:$0x10400] =	vst v63  }
0x197: {  	s21 =	simm.s32 $0xE400  }
0x198: {  	[tilespmem:s21], [sflag:$0x2] =	stream.indirect_vreg.gather [hbm4b:s3+s2], $0x80, v3, vm0, $0xb8;
	[tilespmem:$0x10400] =	vst v63  }
0x199: {  	s1 =	simm.s32 $0xEC00  }
0x19a: {  	[tilespmem:s1], [sflag:$0x2] =	stream.indirect_vreg.gather [hbm4b:s4+s2], $0x80, v3, vm0, $0xb8;
	[tilespmem:$0x10400] =	vst v63  }
0x19b: {  	s10 =	simm.s32 $0xF400  }
0x19c: {  	[tilespmem:s10], [sflag:$0x2] =	stream.indirect_vreg.gather [hbm4b:s5+s2], $0x80, v3, vm0, $0xb8;
	[tilespmem:$0x10400] =	vst v63  }
0x19d: {  	s14 =	simm.s32 $0xFC00  }
0x19e: {  	[tilespmem:s14], [sflag:$0x2] =	stream.indirect_vreg.gather [hbm4b:s6+s2], $0x80, v3, vm0, $0xb8;
	[tilespmem:$0x10400] =	vst v63  }
0x19f: {  	_ =	swait.ge [sflag:s18], $0x8000  }
0x1a0: {  	[sflag:s18] =	ssyncset.done $0x0  }
0x1a1: {  	s17 =	rddreg [dreg:$0xb];
	[sflag:s18] =	ssyncadd.s32 $0xFFFF8000  }
0x1a2: {  	[hbm4b:s17+s2] =	stream.linear.scatter [tilespmem:s9], [sflag:$0x3], $0x8000, $0x38;
	[tilespmem:$0x10400] =	vst v63  }
0x1a3: {  	_ =	swait.ge [sflag:s8], $0x8000  }
0x1a4: {  	[sflag:s8] =	ssyncset.done $0x0  }
0x1a5: {  	[sflag:s8] =	ssyncadd.s32 $0xFFFF8000  }
0x1a6: {  	_ =	swait.ge [sflag:s19], $0x8000  }
0x1a7: {  	p0 =	sne.s32 s7, $0x1;
	[sflag:s19] =	ssyncset.done $0x0  }
.Ltmp0:
0x1a8: {  	s21 =	rddreg [dreg:$0xc];
	[sflag:s19] =	ssyncadd.s32 $0xFFFF8000;
	(pc) =	sbr.rel @p0 .LBB2_1-.Ltmp0, $4  }
0x1a9: {  	[hbm4b:s21+s2] =	stream.linear.scatter [tilespmem:s25], [sflag:$0x3], $0x8000, $0x38;
	[tilespmem:$0x10400] =	vst v63  }
0x1aa: {  	_ =	swait.ge [sflag:s8], $0x8000  }
0x1ab: {  	[sflag:s8] =	ssyncset.done $0x0  }
0x1ac: {  	s7 =	sadd.s32 $0xFFFFFFFF, s7;
	[sflag:s8] =	ssyncadd.s32 $0xFFFF8000  }
0x1ad: {  	_ =	sfence.sel $0x180000  }
0x1ae: {  	[bflag:$0x0] =	sbarrier.arrive $0xFFFF  }
0x1af: {  	_ =	strace $0x9000004A  }
0x1b0: {  	s0 =	stileid.u32;
	[bflag:$0x2] =	sbarrier.arrive $0xFFFF  }
0x1b1: {  	p0 =	sne.s32 s0, $0x0;
	s0 =	rddreg [dreg:$0x2]  }
0x1b2: {  	s0 =	sadd.s32 @!p0 $0x100000, s0  }
0x1b3: {  	[sflag:s0] =	ssyncadd.tile.s32 @!p0 $0x1;
	_ =	shalt  }
.Lfunc_end2:
_tile_overlayer_lowered:
.L_overlay_start_2:
0x1b4: {  	(tag) =	ssettag $0x2  }
0x1b5: {  	s0 =	rddreg [dreg:$0x0];
	s2 =	stileid.u32  }
0x1b6: {  	s1 =	rddreg [dreg:$0x1];
	p0 =	sne.s32 s2, $0x0  }
0x1b7: {  	s3 =	rddreg [dreg:$0x2];
	[bflag:$0x3] =	sbarrier.arrive $0xFFFF;
	s2 =	simm.s32 @!p0 $0x1C03  }
0x1b8: {  	[timem:s3], [sflag:s2] =	dma.local @!p0 [hbm:s0], s1  }
0x1b9: {  	s0 =	simm.s32 @!p0 $0x3  }
0x1ba: {  	_ =	swait.ge @!p0 [sflag:s0], s1  }
0x1bb: {  	s1 =	ssub.s32 @!p0 $0x0, s1;
	[sflag:s0] =	ssyncset.done @!p0 $0x0  }
0x1bc: {  	[sflag:s0] =	ssyncadd.s32 @!p0 s1  }
0x1bd: {  	[bflag:$0x3] =	sbarrier.arrive $0xFFFF  }
0x1be: {  	_ =	shalt  }

// kernel: kernel.7.cloned.1.call-start
scs
__scs_entry_jumppad:
0x0: {  	(pc) =	sbr.rel $0x88, $3  }
0x1: {  	(tag) =	ssettag $0x0;
	lr =	simm.s32 $0x1  }
0x2: {  	[smem:$0x3F9D] =	sst lr;
	_ =	strace $0xD0000000  }
0x3: {  	_ = 	snop  }
0x4: {  	_ = 	snop  }
0x5: {  	_ = 	snop  }
0x6: {  	_ = 	snop  }
0x7: {  	_ = 	snop  }
__scs_overlays_trampoline_lowered:
0x8: {  	[smem:$0x3FAC] =	sst s0  }
0x9: {  	[smem:$0x3FAD] =	sst s1  }
0xa: {  	[smem:$0x3FAE] =	sst s2  }
0xb: {  	[smem:$0x3FAF] =	sst s3  }
0xc: {  	[smem:$0x3FB0] =	sst s4  }
0xd: {  	[smem:$0x3FB1] =	sst s5  }
0xe: {  	[smem:$0x3FB2] =	sst s6  }
0xf: {  	[smem:$0x3FB3] =	sst s7  }
0x10: {  	[smem:$0x3FB4] =	sst s8  }
0x11: {  	[smem:$0x3FB5] =	sst s9;
	s0 =	simm.s32 @!p0 $0x0  }
0x12: {  	s1 =	sld [smem:$0x3F9B];
	s0 =	simm.s32 @p0 $0x1  }
0x13: {  	[smem:$0x3FB6] =	sst s0;
	s0 =	simm.s32 @!p1 $0x0  }
0x14: {  	s2 =	sld [smem:$0x3F9A];
	s0 =	simm.s32 @p1 $0x1  }
0x15: {  	[smem:$0x3FB7] =	sst s0;
	s0 =	simm.s32 @!p2 $0x0  }
0x16: {  	s3 =	sld [smem:$0x3FDB];
	s0 =	simm.s32 @p2 $0x1  }
0x17: {  	s4 =	simm.s32 $0x1BF5;
	[smem:$0x3FB9] =	sst s0  }
0x18: {  	s0 =	sld [smem:$0x3F9C];
	_ =	swait.ge [sflag:s4], $0x0  }
0x19: {  	s7 =	sld [smem:$0x3F9D]  }
0x1a: {  	s8 =	sadd.s32 $0xFFFFE003, lr  }
0x1b: {  	s9 =	sadd.s32 $0xFFFFFEF7, lr;
	s5 =	simm.s32 $0xFFFFFFFF;
	p2 =	slt.u32 s8, $0xFFFFF086  }
0x1c: {  	p1 =	slt.u32 s9, $0xF7A;
	s5 =	simm.s32 @!p2 $0x0  }
0x1d: {  	s5 =	simm.s32 @p1 $0x1;
	p0 =	seq.s32 s7, s2  }
0x1e: {  	s7 =	smul.u32 @!p0 $0xF7A, s2;
	p2 =	seq.s32 @!p0 s5, $0x0  }
0x1f: {  	s9 =	smul.u32 $0xF7A, s1;
	s8 =	simm.s32 @!p0 $0x1BF5;
	p2 =	por !p2, p0  }
0x20: {  	[sflag:s8] =	ssyncset.s32 @!p0 $0xFFFFF086;
	s6 =	sadd.s32 @!p0 s3, s7;
	s7 =	simm.s32 @!p0 $0x108  }
0x21: {  	s3 =	sadd.s32 s3, s9;
	s6 =	sadd.s32 @!p0 $0x88, s6;
	s7 =	simm.s32 @p2 $0x1082  }
0x22: {  	[simem:s7], [sflag:s8] =	dma.local @!p0 [hbm:s6], $0xF7A  }
0x23: {  	s9 =	sor.u32 $0xD0000000, s2;
	s6 =	simm.s32 $0x108;
	_ =	swait.ge @!p0 [sflag:s8], $0x0  }
0x24: {  	s3 =	sadd.s32 $0x88, s3;
	s6 =	simm.s32 @!p1 $0x1082;
	[sflag:s4] =	ssyncset.s32 $0xFFFFF086  }
0x25: {  	[simem:s6], [sflag:s4] =	dma.local [hbm:s3], $0xF7A  }
0x26: {  	[smem:$0x3F9D] =	sst s1;
	(tag) =	ssettag s2;
	_ =	strace s9  }
0x27: {  	s1 =	sld [smem:$0x3FAD]  }
0x28: {  	s2 =	sld [smem:$0x3FAE]  }
0x29: {  	s4 =	sld [smem:$0x3FB0]  }
0x2a: {  	p0 =	seq.s32 s5, $0x0;
	s5 =	sld [smem:$0x3FB1]  }
0x2b: {  	s6 =	sld [smem:$0x3FB2]  }
0x2c: {  	s7 =	sld [smem:$0x3FB3]  }
0x2d: {  	s3 =	simm.s32 $0x108;
	s8 =	sld [smem:$0x3FB4]  }
0x2e: {  	s3 =	simm.s32 @!p0 $0x1082;
	s9 =	sld [smem:$0x3FB5]  }
0x2f: {  	lr =	sadd.s32 s0, s3;
	s0 =	sld [smem:$0x3FAC]  }
0x30: {  	s3 =	sld [smem:$0x3FAF]  }
0x31: {  	[smem:$0x3FB8] =	sst s10  }
0x32: {  	s10 =	sld [smem:$0x3FB6];
	_ =	sdelay $0x3  }
0x33: {  	p0 =	seq.s32 s10, $0x1;
	s10 =	sld [smem:$0x3FB8];
	_ =	sdelay $0x3  }
0x34: {  	[smem:$0x3FB8] =	sst s10  }
0x35: {  	s10 =	sld [smem:$0x3FB7];
	_ =	sdelay $0x3  }
0x36: {  	p1 =	seq.s32 s10, $0x1;
	s10 =	sld [smem:$0x3FB8];
	_ =	sdelay $0x3  }
0x37: {  	[smem:$0x3FB8] =	sst s10  }
0x38: {  	s10 =	sld [smem:$0x3FB9]  }
0x39: {  	_ = 	snop;
	(pc) =	sbr.ind lr, $3  }
0x3a: {  	_ = 	snop  }
0x3b: {  	_ = 	snop  }
0x3c: {  	p2 =	seq.s32 s10, $0x1;
	s10 =	sld [smem:$0x3FB8]  }
0x3d: {  	_ =	shalt  }
0x3e: {  	_ =	shalt  }
0x3f: {  	_ =	shalt  }
0x40: {  	_ =	shalt  }
0x41: {  	_ =	shalt  }
0x42: {  	_ =	shalt  }
0x43: {  	_ =	shalt  }
0x44: {  	_ =	shalt  }
0x45: {  	_ =	shalt  }
0x46: {  	_ =	shalt  }
0x47: {  	_ =	shalt  }
0x48: {  	_ =	shalt  }
0x49: {  	_ =	shalt  }
0x4a: {  	_ =	shalt  }
0x4b: {  	_ =	shalt  }
0x4c: {  	_ =	shalt  }
0x4d: {  	_ =	shalt  }
0x4e: {  	_ =	shalt  }
0x4f: {  	_ =	shalt  }
0x50: {  	_ =	shalt  }
0x51: {  	_ =	shalt  }
0x52: {  	_ =	shalt  }
0x53: {  	_ =	shalt  }
0x54: {  	_ =	shalt  }
0x55: {  	_ =	shalt  }
0x56: {  	_ =	shalt  }
0x57: {  	_ =	shalt  }
0x58: {  	_ =	shalt  }
0x59: {  	_ =	shalt  }
0x5a: {  	_ =	shalt  }
0x5b: {  	_ =	shalt  }
0x5c: {  	_ =	shalt  }
0x5d: {  	_ =	shalt  }
0x5e: {  	_ =	shalt  }
0x5f: {  	_ =	shalt  }
0x60: {  	_ =	shalt  }
0x61: {  	_ =	shalt  }
0x62: {  	_ =	shalt  }
0x63: {  	_ =	shalt  }
0x64: {  	_ =	shalt  }
0x65: {  	_ =	shalt  }
0x66: {  	_ =	shalt  }
0x67: {  	_ =	shalt  }
0x68: {  	_ =	shalt  }
0x69: {  	_ =	shalt  }
0x6a: {  	_ =	shalt  }
0x6b: {  	_ =	shalt  }
0x6c: {  	_ =	shalt  }
0x6d: {  	_ =	shalt  }
0x6e: {  	_ =	shalt  }
0x6f: {  	_ =	shalt  }
0x70: {  	_ =	shalt  }
0x71: {  	_ =	shalt  }
0x72: {  	_ =	shalt  }
0x73: {  	_ =	shalt  }
0x74: {  	_ =	shalt  }
0x75: {  	_ =	shalt  }
0x76: {  	_ =	shalt  }
0x77: {  	_ =	shalt  }
0x78: {  	_ =	shalt  }
0x79: {  	_ =	shalt  }
0x7a: {  	_ =	shalt  }
0x7b: {  	_ =	shalt  }
0x7c: {  	_ =	shalt  }
0x7d: {  	_ =	shalt  }
0x7e: {  	_ =	shalt  }
0x7f: {  	_ =	shalt  }
0x80: {  	_ =	shalt  }
0x81: {  	_ =	shalt  }
0x82: {  	_ =	shalt  }
0x83: {  	_ =	shalt  }
0x84: {  	_ =	shalt  }
0x85: {  	_ =	shalt  }
0x86: {  	_ =	shalt  }
0x87: {  	_ =	shalt  }
.Lfunc_end0:
.L_simem_size_0:
called_computation_lowered:
.L_overlay_start_0:
0x88: {  	s2 =	sld [smem:$0x3FD9]  }
0x89: {  	s3 =	sld [smem:$0x3FFE];
	_ =	sdelay $0x1  }
0x8a: {  	s1 =	srdreg.scid  }
0x8b: {  	s0 =	sand.u32 $0x1, s1  }
0x8c: {  	s17 =	sshll.u32 s0, $0xA;
	s2 =	sadd.s32 s3, s2  }
0x8d: {  	s2 =	sadd.s32 s2, s17  }
0x8e: {  	[smem:$0x3FC4] =	sst s2  }
0x8f: {  	_ = 	snop  }
0x90: {  	s2 =	sld [smem:$0x3FC9];
	(tm) =	ssettm $0x1  }
0x91: {  	s18 =	sld [smem:$0x3FFB];
	_ =	sdelay $0x3  }
0x92: {  	_ =	strace s18  }
0x93: {  	s3 =	sld [smem:$0x3FFC];
	_ =	sdelay $0x3  }
0x94: {  	_ =	strace s3  }
0x95: {  	s3 =	sld [smem:$0x3FFD];
	_ =	sdelay $0x3  }
0x96: {  	_ =	strace s3  }
0x97: {  	_ =	strace $0x8FFFFFFF  }
0x98: {  	s19 =	sld [smem:$0x3FDB];
	_ =	sdelay $0x1  }
0x99: {  	s4 =	simm.s32 $_scs_section_size  }
0x9a: {  	s5 =	simm.s32 $_size__tile_overlayer_lowered;
	s6 =	simm.s32 $_tile_overlayer_lowered  }
0x9b: {  	s22 =	simm.s32 $0x1BFF;
	s21 =	sshll.u32 s6, $0x1;
	s3 =	sadd.s32 s4, s19  }
0x9c: {  	s7 =	simm.s32 $0x0;
	s20 =	sshll.u32 s5, $0x1;
	s5 =	sadd.s32 s21, s3  }
0x9d: {  	[timem:s7], [sflag:s22] =	dma.local [hbm:s5], s20  }
0x9e: {  	_ =	swait.ge [sflag:s22], s20  }
0x9f: {  	s4 =	ssub.s32 $0x0, s20;
	[sflag:s22] =	ssyncset.done $0x0  }
0xa0: {  	[sflag:s22] =	ssyncadd.s32 s4;
	_ =	sdelay $0x1  }
0xa1: {  	s23 =	simm.s32 $0x1B8B  }
0xa2: {  	_ =	swait.ge [sflag:s23], $0x1  }
0xa3: {  	[sflag:s23] =	ssyncset.done $0x0  }
0xa4: {  	s25 =	simm.s32 $0x1B8E;
	s24 =	sld [smem:$0x3FFE];
	[sflag:s23] =	ssyncadd.s32 $0xFFFFFFFF  }
0xa5: {  	s26 =	simm.s32 $execute0_lowered;
	[smem:$0x3FD2] =	sst s25  }
0xa6: {  	s5 =	sshll.u32 s26, $0x1;
	_ =	strace $0x80000046;
	[dreg:$0x1] =	wrdreg $0xFFFFFFFF  }
0xa7: {  	s28 =	simm.s32 $_size_execute0_lowered;
	s3 =	sadd.s32 s3, s5;
	[dreg:$0x0] =	wrdreg $0x0  }
0xa8: {  	s5 =	sshll.u32 s28, $0x1;
	[dreg:$0x2] =	wrdreg s3  }
0xa9: {  	[dreg:$0x3] =	wrdreg s5  }
0xaa: {  	[dreg:$0x4] =	wrdreg $0xC0  }
0xab: {  	_ =	task [dreg:s7], $0x5FFFF  }
0xac: {  	[dreg:$0x1] =	wrdreg $0xFFFFFFFF  }
0xad: {  	[dreg:$0x0] =	wrdreg $0x60  }
0xae: {  	[dreg:$0x2] =	wrdreg s2  }
0xaf: {  	[dreg:$0x3] =	wrdreg s24  }
0xb0: {  	[dreg:$0x4] =	wrdreg $0x9  }
0xb1: {  	_ =	task.clear_ibuf [dreg:s7], $0x5FFFF;
	_ =	strace $0x90000046  }
0xb2: {  	s29 =	simm.s32 $0x9;
	_ =	strace $0x80000048  }
0xb3: {  	_ =	swait.ge [sflag:s29], $0x1  }
0xb4: {  	[sflag:s29] =	ssyncadd.s32 $0xFFFFFFFF  }
0xb5: {  	_ =	strace $0x90000048  }
0xb6: {  	_ =	sfence  }
0xb7: {  	s30 =	sld [smem:$0x0];
	_ =	sdelay $0x2  }
0xb8: {  	s31 =	sshll.u32 s1, $0xD;
	s1 =	sshrl.u32 s1, $0x2  }
0xb9: {  	s3 =	sand.u32 $0x4000, s31;
	s1 =	sadd.s32 s1, s30  }
0xba: {  	s0 =	sor.u32 s3, s0;
	s1 =	sshll.u32 s1, $0x11  }
0xbb: {  	s0 =	sor.u32 s1, s0  }
0xbc: {  	s0 =	sadd.s32 $0x8F2B, s0  }
0xbd: {  	[sflag:s0] =	ssyncadd.remote.s32 $0x1  }
0xbe: {  	_ =	sfence.sel $0xFFFF  }
0xbf: {  	[dreg:$0x0] =	wrdreg $0xFFFFFFFF;
	(pc) =	sbr.abs _section_cstart, $3  }
0xc0: {  	[dreg:$0x1] =	wrdreg $0xFFFFFFFF  }
0xc1: {  	_ =	task.clear_ibuf [dreg:s7], $0x2FFFF;
	_ =	strace $0x9FFFFFFF  }
0xc2: {  	(tm) =	ssettm $0x7FFFFFFF  }
0xc3: {  	_ =	shalt  }
tec
execute0_lowered:
.L_overlay_start_1:
0x0: {  	(tag) =	ssettag $0x1  }
0x1: {  	s7 =	stileid.u32  }
0x2: {  	s0 =	rddreg [dreg:$0x0];
	s1 =	srdreg.scid  }
0x3: {  	s3 =	rddreg [dreg:$0x1];
	s11 =	simm.s32 $0x8400;
	s12 =	simm.s32 $0x1  }
0x4: {  	s29 =	simm.s32 $0x3;
	s30 =	simm.s32 $0x2;
	s2 =	sshll.u32 s7, $0x1  }
0x5: {  	s1 =	sand.u32 $0x1, s1;
	p0 =	slt.u32 s7, $0x8;
	s4 =	sand.u32 $0xE, s2  }
0x6: {  	s7 =	sadd.s32 $0x12900, s3;
	s2 =	simm.s32 $0x0;
	s5 =	sor.u32 s1, s4  }
0x7: {  	[smem:$0x7FF] =	sst s2;
	s1 =	ssub.s32 $0x2, s1;
	s4 =	sshll.u32 s5, $0xF  }
0x8: {  	_ =	strace $0x80000047;
	s6 =	sshrl.u32 s1, $0x1;
	s8 =	sadd.s32 s0, s4  }
0x9: {  	s21 =	sshll.u32 s5, $0x7;
	s19 =	sadd.s32 $0x1000, s8;
	[dreg:$0xb] =	wrdreg s8  }
0xa: {  	s5 =	sadd.s32 $0x12700, s3;
	s20 =	sadd.s32 $0x2000, s8;
	[dreg:$0x3] =	wrdreg s19  }
0xb: {  	s4 =	sadd.s32 $0x12600, s3;
	s22 =	sadd.s32 $0x3000, s8;
	[dreg:$0x4] =	wrdreg s20  }
0xc: {  	s18 =	ssub.s32 s1, s6;
	s23 =	sadd.s32 $0x4000, s8;
	[dreg:$0x5] =	wrdreg s22  }
0xd: {  	s6 =	simm.s32 $0x11E00;
	s24 =	sadd.s32 $0x5000, s8;
	[dreg:$0x6] =	wrdreg s23  }
0xe: {  	s25 =	sadd.s32 $0x6000, s8;
	s6 =	simm.s32 @!p0 $0x11600;
	[dreg:$0x7] =	wrdreg s24  }
0xf: {  	v2 =	vlaneseq.u32;
	s26 =	sadd.s32 $0x7000, s8;
	[dreg:$0x8] =	wrdreg s25;
	s28 =	sadd.s32 s6, s3  }
0x10: {  	vm0 =	vmmov $0xffff;
	v1 =	vshrl.u32 v2, $0x3;
	s8 =	smax.u32 s18, $0x1;
	[dreg:$0x9] =	wrdreg s26;
	s31 =	sadd.s32 s28, s21  }
0x11: {  	v0 =	vand.u32 $0x7, v2;
	v2 =	vor.u32 $0x8, v2;
	v1 =	vmul.u32 $0x8, v1;
	s6 =	sadd.s32 $0x12800, s3;
	s22 =	simm.s32 $0x400;
	[dreg:$0xa] =	wrdreg s31  }
.LBB2_1:
0x12: {  	s23 =	rddreg [dreg:$0xa];
	s20 =	simm.s32 $0x4  }
0x13: {  	[tilespmem:s2], [sflag:$0x4] =	stream.linear.gather [hbm4b:s23+s2], $0x400, $0x38;
	[tilespmem:$0x10400] =	vst v63  }
0x14: {  	_ =	swait.ge [sflag:s20], $0x400  }
0x15: {  	[sflag:s20] =	ssyncset.done $0x0  }
0x16: {  	s24 =	rddreg [dreg:$0xb];
	[sflag:s20] =	ssyncadd.s32 $0xFFFFFC00  }
0x17: {  	[tilespmem:s22], [sflag:$0x1] =	stream.linear.gather [hbm4b:s24+s2], $0x8000, $0x38;
	[tilespmem:$0x10400] =	vst v63  }
0x18: {  	s21 =	rddreg [dreg:$0x3]  }
0x19: {  	[tilespmem:s11], [sflag:$0x2] =	stream.linear.gather [hbm4b:s21+s2], $0x8000, $0x38;
	[tilespmem:$0x10400] =	vst v63  }
0x1a: {  	_ =	swait.ge [sflag:s12], $0x8000  }
0x1b: {  	[sflag:s12] =	ssyncset.done $0x0  }
0x1c: {  	[sflag:s12] =	ssyncadd.s32 $0xFFFF8000  }
0x1d: {  	v3 =	vld [tilespmem:$0x0];
	_ =	sdelay $0x4  }
0x1e: {  	v4 =	vshll.u32 v3, $0x3  }
0x1f: {  	v3 =	vand.u32 $0x7, v3;
	v4 =	vand.u32 $0xFFFFFFC0, v4  }
0x20: {  	v3 =	vor.u32 v3, v4  }
0x21: {  	v4 =	vperm.xlane v3, v0;
	_ =	sdelay $0x1  }
0x22: {  	v4 =	vadd.s32 v1, v4;
	_ =	sdelay $0x4  }
0x23: {  	[hbm4b:s4+s2] =	stream.indirect_vreg.scatter [tilespmem:s22], [sflag:$0x3], $0x80, v4, vm0, $0xb8;
	[tilespmem:$0x10400] =	vst v63  }
0x24: {  	s0 =	simm.s32 $0xC00;
	v3 =	vperm.xlane v3, v2  }
0x25: {  	[hbm4b:s5+s2] =	stream.indirect_vreg.scatter [tilespmem:s0], [sflag:$0x3], $0x80, v4, vm0, $0xb8;
	[tilespmem:$0x10400] =	vst v63  }
0x26: {  	s24 =	simm.s32 $0x1400;
	v3 =	vadd.s32 v1, v3  }
0x27: {  	[hbm4b:s6+s2] =	stream.indirect_vreg.scatter [tilespmem:s24], [sflag:$0x3], $0x80, v4, vm0, $0xb8;
	[tilespmem:$0x10400] =	vst v63  }
0x28: {  	s25 =	simm.s32 $0x1C00  }
0x29: {  	[hbm4b:s7+s2] =	stream.indirect_vreg.scatter [tilespmem:s25], [sflag:$0x3], $0x80, v4, vm0, $0xb8;
	[tilespmem:$0x10400] =	vst v63  }
0x2a: {  	s26 =	simm.s32 $0x2400  }
0x2b: {  	[hbm4b:s4+s2] =	stream.indirect_vreg.scatter [tilespmem:s26], [sflag:$0x3], $0x80, v3, vm0, $0xb8;
	[tilespmem:$0x10400] =	vst v63  }
0x2c: {  	s28 =	simm.s32 $0x2C00  }
0x2d: {  	[hbm4b:s5+s2] =	stream.indirect_vreg.scatter [tilespmem:s28], [sflag:$0x3], $0x80, v3, vm0, $0xb8;
	[tilespmem:$0x10400] =	vst v63  }
0x2e: {  	s31 =	simm.s32 $0x3400  }
0x2f: {  	[hbm4b:s6+s2] =	stream.indirect_vreg.scatter [tilespmem:s31], [sflag:$0x3], $0x80, v3, vm0, $0xb8;
	[tilespmem:$0x10400] =	vst v63  }
0x30: {  	s14 =	simm.s32 $0x3C00  }
0x31: {  	[hbm4b:s7+s2] =	stream.indirect_vreg.scatter [tilespmem:s14], [sflag:$0x3], $0x80, v3, vm0, $0xb8;
	[tilespmem:$0x10400] =	vst v63  }
0x32: {  	v3 =	vld [tilespmem:$0x10];
	_ =	sdelay $0x4  }
0x33: {  	v49 =	vshll.u32 v3, $0x3  }
0x34: {  	v3 =	vand.u32 $0x7, v3;
	v4 =	vand.u32 $0xFFFFFFC0, v49  }
0x35: {  	v3 =	vor.u32 v3, v4  }
0x36: {  	v4 =	vperm.xlane v3, v0;
	_ =	sdelay $0x1  }
0x37: {  	v4 =	vadd.s32 v1, v4;
	_ =	sdelay $0x3  }
0x38: {  	s15 =	simm.s32 $0x4400  }
0x39: {  	[hbm4b:s4+s2] =	stream.indirect_vreg.scatter [tilespmem:s15], [sflag:$0x3], $0x80, v4, vm0, $0xb8;
	[tilespmem:$0x10400] =	vst v63  }
0x3a: {  	s16 =	simm.s32 $0x4C00;
	v3 =	vperm.xlane v3, v2  }
0x3b: {  	[hbm4b:s5+s2] =	stream.indirect_vreg.scatter [tilespmem:s16], [sflag:$0x3], $0x80, v4, vm0, $0xb8;
	[tilespmem:$0x10400] =	vst v63  }
0x3c: {  	s17 =	simm.s32 $0x5400;
	v3 =	vadd.s32 v1, v3  }
0x3d: {  	[hbm4b:s6+s2] =	stream.indirect_vreg.scatter [tilespmem:s17], [sflag:$0x3], $0x80, v4, vm0, $0xb8;
	[tilespmem:$0x10400] =	vst v63  }
0x3e: {  	s18 =	simm.s32 $0x5C00  }
0x3f: {  	[hbm4b:s7+s2] =	stream.indirect_vreg.scatter [tilespmem:s18], [sflag:$0x3], $0x80, v4, vm0, $0xb8;
	[tilespmem:$0x10400] =	vst v63  }
0x40: {  	s19 =	simm.s32 $0x6400  }
0x41: {  	[hbm4b:s4+s2] =	stream.indirect_vreg.scatter [tilespmem:s19], [sflag:$0x3], $0x80, v3, vm0, $0xb8;
	[tilespmem:$0x10400] =	vst v63  }
0x42: {  	s20 =	simm.s32 $0x6C00  }
0x43: {  	[hbm4b:s5+s2] =	stream.indirect_vreg.scatter [tilespmem:s20], [sflag:$0x3], $0x80, v3, vm0, $0xb8;
	[tilespmem:$0x10400] =	vst v63  }
0x44: {  	s21 =	simm.s32 $0x7400  }
0x45: {  	[hbm4b:s6+s2] =	stream.indirect_vreg.scatter [tilespmem:s21], [sflag:$0x3], $0x80, v3, vm0, $0xb8;
	[tilespmem:$0x10400] =	vst v63  }
0x46: {  	s23 =	simm.s32 $0x7C00  }
0x47: {  	[hbm4b:s7+s2] =	stream.indirect_vreg.scatter [tilespmem:s23], [sflag:$0x3], $0x80, v3, vm0, $0xb8;
	[tilespmem:$0x10400] =	vst v63  }
0x48: {  	_ =	swait.ge [sflag:s29], $0x8000  }
0x49: {  	[sflag:s29] =	ssyncset.done $0x0  }
0x4a: {  	s24 =	rddreg [dreg:$0x4];
	[sflag:s29] =	ssyncadd.s32 $0xFFFF8000  }
0x4b: {  	[tilespmem:s22], [sflag:$0x1] =	stream.linear.gather [hbm4b:s24+s2], $0x8000, $0x38;
	[tilespmem:$0x10400] =	vst v63  }
0x4c: {  	_ =	swait.ge [sflag:s30], $0x8000  }
0x4d: {  	[sflag:s30] =	ssyncset.done $0x0  }
0x4e: {  	[sflag:s30] =	ssyncadd.s32 $0xFFFF8000  }
0x4f: {  	v3 =	vld [tilespmem:$0x80];
	_ =	sdelay $0x4  }
0x50: {  	v50 =	vshll.u32 v3, $0x3  }
0x51: {  	v3 =	vand.u32 $0x7, v3;
	v4 =	vand.u32 $0xFFFFFFC0, v50  }
0x52: {  	v3 =	vor.u32 v3, v4  }
0x53: {  	v4 =	vperm.xlane v3, v0;
	_ =	sdelay $0x1  }
0x54: {  	v4 =	vadd.s32 v1, v4;
	_ =	sdelay $0x4  }
0x55: {  	[hbm4b:s4+s2] =	stream.indirect_vreg.scatter [tilespmem:s11], [sflag:$0x3], $0x80, v4, vm0, $0xb8;
	[tilespmem:$0x10400] =	vst v63  }
0x56: {  	s25 =	simm.s32 $0x8C00;
	v3 =	vperm.xlane v3, v2  }
0x57: {  	[hbm4b:s5+s2] =	stream.indirect_vreg.scatter [tilespmem:s25], [sflag:$0x3], $0x80, v4, vm0, $0xb8;
	[tilespmem:$0x10400] =	vst v63  }
0x58: {  	s26 =	simm.s32 $0x9400;
	v3 =	vadd.s32 v1, v3  }
0x59: {  	[hbm4b:s6+s2] =	stream.indirect_vreg.scatter [tilespmem:s26], [sflag:$0x3], $0x80, v4, vm0, $0xb8;
	[tilespmem:$0x10400] =	vst v63  }
0x5a: {  	s28 =	simm.s32 $0x9C00  }
0x5b: {  	[hbm4b:s7+s2] =	stream.indirect_vreg.scatter [tilespmem:s28], [sflag:$0x3], $0x80, v4, vm0, $0xb8;
	[tilespmem:$0x10400] =	vst v63  }
0x5c: {  	s31 =	simm.s32 $0xA400  }
0x5d: {  	[hbm4b:s4+s2] =	stream.indirect_vreg.scatter [tilespmem:s31], [sflag:$0x3], $0x80, v3, vm0, $0xb8;
	[tilespmem:$0x10400] =	vst v63  }
0x5e: {  	s14 =	simm.s32 $0xAC00  }
0x5f: {  	[hbm4b:s5+s2] =	stream.indirect_vreg.scatter [tilespmem:s14], [sflag:$0x3], $0x80, v3, vm0, $0xb8;
	[tilespmem:$0x10400] =	vst v63  }
0x60: {  	s15 =	simm.s32 $0xB400  }
0x61: {  	[hbm4b:s6+s2] =	stream.indirect_vreg.scatter [tilespmem:s15], [sflag:$0x3], $0x80, v3, vm0, $0xb8;
	[tilespmem:$0x10400] =	vst v63  }
0x62: {  	s16 =	simm.s32 $0xBC00  }
0x63: {  	[hbm4b:s7+s2] =	stream.indirect_vreg.scatter [tilespmem:s16], [sflag:$0x3], $0x80, v3, vm0, $0xb8;
	[tilespmem:$0x10400] =	vst v63  }
0x64: {  	v3 =	vld [tilespmem:$0x90];
	_ =	sdelay $0x4  }
0x65: {  	v51 =	vshll.u32 v3, $0x3  }
0x66: {  	v3 =	vand.u32 $0x7, v3;
	v4 =	vand.u32 $0xFFFFFFC0, v51  }
0x67: {  	v3 =	vor.u32 v3, v4  }
0x68: {  	v4 =	vperm.xlane v3, v0;
	_ =	sdelay $0x1  }
0x69: {  	v4 =	vadd.s32 v1, v4;
	_ =	sdelay $0x3  }
0x6a: {  	s23 =	simm.s32 $0xC400  }
0x6b: {  	[hbm4b:s4+s2] =	stream.indirect_vreg.scatter [tilespmem:s23], [sflag:$0x3], $0x80, v4, vm0, $0xb8;
	[tilespmem:$0x10400] =	vst v63  }
0x6c: {  	s24 =	simm.s32 $0xCC00;
	v3 =	vperm.xlane v3, v2  }
0x6d: {  	[hbm4b:s5+s2] =	stream.indirect_vreg.scatter [tilespmem:s24], [sflag:$0x3], $0x80, v4, vm0, $0xb8;
	[tilespmem:$0x10400] =	vst v63  }
0x6e: {  	s25 =	simm.s32 $0xD400;
	v3 =	vadd.s32 v1, v3  }
0x6f: {  	[hbm4b:s6+s2] =	stream.indirect_vreg.scatter [tilespmem:s25], [sflag:$0x3], $0x80, v4, vm0, $0xb8;
	[tilespmem:$0x10400] =	vst v63  }
0x70: {  	s26 =	simm.s32 $0xDC00  }
0x71: {  	[hbm4b:s7+s2] =	stream.indirect_vreg.scatter [tilespmem:s26], [sflag:$0x3], $0x80, v4, vm0, $0xb8;
	[tilespmem:$0x10400] =	vst v63  }
0x72: {  	s28 =	simm.s32 $0xE400  }
0x73: {  	[hbm4b:s4+s2] =	stream.indirect_vreg.scatter [tilespmem:s28], [sflag:$0x3], $0x80, v3, vm0, $0xb8;
	[tilespmem:$0x10400] =	vst v63  }
0x74: {  	s31 =	simm.s32 $0xEC00  }
0x75: {  	[hbm4b:s5+s2] =	stream.indirect_vreg.scatter [tilespmem:s31], [sflag:$0x3], $0x80, v3, vm0, $0xb8;
	[tilespmem:$0x10400] =	vst v63  }
0x76: {  	s14 =	simm.s32 $0xF400  }
0x77: {  	[hbm4b:s6+s2] =	stream.indirect_vreg.scatter [tilespmem:s14], [sflag:$0x3], $0x80, v3, vm0, $0xb8;
	[tilespmem:$0x10400] =	vst v63  }
0x78: {  	s15 =	simm.s32 $0xFC00  }
0x79: {  	[hbm4b:s7+s2] =	stream.indirect_vreg.scatter [tilespmem:s15], [sflag:$0x3], $0x80, v3, vm0, $0xb8;
	[tilespmem:$0x10400] =	vst v63  }
0x7a: {  	_ =	swait.ge [sflag:s29], $0x8000  }
0x7b: {  	[sflag:s29] =	ssyncset.done $0x0  }
0x7c: {  	s16 =	rddreg [dreg:$0x5];
	[sflag:s29] =	ssyncadd.s32 $0xFFFF8000  }
0x7d: {  	[tilespmem:s11], [sflag:$0x2] =	stream.linear.gather [hbm4b:s16+s2], $0x8000, $0x38;
	[tilespmem:$0x10400] =	vst v63  }
0x7e: {  	_ =	swait.ge [sflag:s12], $0x8000  }
0x7f: {  	[sflag:s12] =	ssyncset.done $0x0  }
0x80: {  	[sflag:s12] =	ssyncadd.s32 $0xFFFF8000  }
0x81: {  	v3 =	vld [tilespmem:$0x100];
	_ =	sdelay $0x4  }
0x82: {  	v52 =	vshll.u32 v3, $0x3  }
0x83: {  	v3 =	vand.u32 $0x7, v3;
	v4 =	vand.u32 $0xFFFFFFC0, v52  }
0x84: {  	v3 =	vor.u32 v3, v4  }
0x85: {  	v4 =	vperm.xlane v3, v0;
	_ =	sdelay $0x1  }
0x86: {  	v4 =	vadd.s32 v1, v4;
	_ =	sdelay $0x4  }
0x87: {  	[hbm4b:s4+s2] =	stream.indirect_vreg.scatter [tilespmem:s22], [sflag:$0x3], $0x80, v4, vm0, $0xb8;
	[tilespmem:$0x10400] =	vst v63  }
0x88: {  	s13 =	simm.s32 $0xC00;
	v3 =	vperm.xlane v3, v2  }
0x89: {  	[hbm4b:s5+s2] =	stream.indirect_vreg.scatter [tilespmem:s13], [sflag:$0x3], $0x80, v4, vm0, $0xb8;
	[tilespmem:$0x10400] =	vst v63  }
0x8a: {  	s1 =	simm.s32 $0x1400;
	v3 =	vadd.s32 v1, v3  }
0x8b: {  	[hbm4b:s6+s2] =	stream.indirect_vreg.scatter [tilespmem:s1], [sflag:$0x3], $0x80, v4, vm0, $0xb8;
	[tilespmem:$0x10400] =	vst v63  }
0x8c: {  	s3 =	simm.s32 $0x1C00  }
0x8d: {  	[hbm4b:s7+s2] =	stream.indirect_vreg.scatter [tilespmem:s3], [sflag:$0x3], $0x80, v4, vm0, $0xb8;
	[tilespmem:$0x10400] =	vst v63  }
0x8e: {  	s9 =	simm.s32 $0x2400  }
0x8f: {  	[hbm4b:s4+s2] =	stream.indirect_vreg.scatter [tilespmem:s9], [sflag:$0x3], $0x80, v3, vm0, $0xb8;
	[tilespmem:$0x10400] =	vst v63  }
0x90: {  	s10 =	simm.s32 $0x2C00  }
0x91: {  	[hbm4b:s5+s2] =	stream.indirect_vreg.scatter [tilespmem:s10], [sflag:$0x3], $0x80, v3, vm0, $0xb8;
	[tilespmem:$0x10400] =	vst v63  }
0x92: {  	s0 =	simm.s32 $0x3400  }
0x93: {  	[hbm4b:s6+s2] =	stream.indirect_vreg.scatter [tilespmem:s0], [sflag:$0x3], $0x80, v3, vm0, $0xb8;
	[tilespmem:$0x10400] =	vst v63  }
0x94: {  	s14 =	simm.s32 $0x3C00  }
0x95: {  	[hbm4b:s7+s2] =	stream.indirect_vreg.scatter [tilespmem:s14], [sflag:$0x3], $0x80, v3, vm0, $0xb8;
	[tilespmem:$0x10400] =	vst v63  }
0x96: {  	v3 =	vld [tilespmem:$0x110];
	_ =	sdelay $0x4  }
0x97: {  	v53 =	vshll.u32 v3, $0x3  }
0x98: {  	v3 =	vand.u32 $0x7, v3;
	v4 =	vand.u32 $0xFFFFFFC0, v53  }
0x99: {  	v3 =	vor.u32 v3, v4  }
0x9a: {  	v4 =	vperm.xlane v3, v0;
	_ =	sdelay $0x1  }
0x9b: {  	v4 =	vadd.s32 v1, v4;
	_ =	sdelay $0x3  }
0x9c: {  	s15 =	simm.s32 $0x4400  }
0x9d: {  	[hbm4b:s4+s2] =	stream.indirect_vreg.scatter [tilespmem:s15], [sflag:$0x3], $0x80, v4, vm0, $0xb8;
	[tilespmem:$0x10400] =	vst v63  }
0x9e: {  	s16 =	simm.s32 $0x4C00;
	v3 =	vperm.xlane v3, v2  }
0x9f: {  	[hbm4b:s5+s2] =	stream.indirect_vreg.scatter [tilespmem:s16], [sflag:$0x3], $0x80, v4, vm0, $0xb8;
	[tilespmem:$0x10400] =	vst v63  }
0xa0: {  	s1 =	simm.s32 $0x5400;
	v3 =	vadd.s32 v1, v3  }
0xa1: {  	[hbm4b:s6+s2] =	stream.indirect_vreg.scatter [tilespmem:s1], [sflag:$0x3], $0x80, v4, vm0, $0xb8;
	[tilespmem:$0x10400] =	vst v63  }
0xa2: {  	s3 =	simm.s32 $0x5C00  }
0xa3: {  	[hbm4b:s7+s2] =	stream.indirect_vreg.scatter [tilespmem:s3], [sflag:$0x3], $0x80, v4, vm0, $0xb8;
	[tilespmem:$0x10400] =	vst v63  }
0xa4: {  	s9 =	simm.s32 $0x6400  }
0xa5: {  	[hbm4b:s4+s2] =	stream.indirect_vreg.scatter [tilespmem:s9], [sflag:$0x3], $0x80, v3, vm0, $0xb8;
	[tilespmem:$0x10400] =	vst v63  }
0xa6: {  	s10 =	simm.s32 $0x6C00  }
0xa7: {  	[hbm4b:s5+s2] =	stream.indirect_vreg.scatter [tilespmem:s10], [sflag:$0x3], $0x80, v3, vm0, $0xb8;
	[tilespmem:$0x10400] =	vst v63  }
0xa8: {  	s13 =	simm.s32 $0x7400  }
0xa9: {  	[hbm4b:s6+s2] =	stream.indirect_vreg.scatter [tilespmem:s13], [sflag:$0x3], $0x80, v3, vm0, $0xb8;
	[tilespmem:$0x10400] =	vst v63  }
0xaa: {  	s18 =	simm.s32 $0x7C00  }
0xab: {  	[hbm4b:s7+s2] =	stream.indirect_vreg.scatter [tilespmem:s18], [sflag:$0x3], $0x80, v3, vm0, $0xb8;
	[tilespmem:$0x10400] =	vst v63  }
0xac: {  	_ =	swait.ge [sflag:s29], $0x8000  }
0xad: {  	[sflag:s29] =	ssyncset.done $0x0  }
0xae: {  	s18 =	rddreg [dreg:$0x6];
	[sflag:s29] =	ssyncadd.s32 $0xFFFF8000  }
0xaf: {  	[tilespmem:s22], [sflag:$0x1] =	stream.linear.gather [hbm4b:s18+s2], $0x8000, $0x38;
	[tilespmem:$0x10400] =	vst v63  }
0xb0: {  	_ =	swait.ge [sflag:s30], $0x8000  }
0xb1: {  	[sflag:s30] =	ssyncset.done $0x0  }
0xb2: {  	[sflag:s30] =	ssyncadd.s32 $0xFFFF8000  }
0xb3: {  	v3 =	vld [tilespmem:$0x180];
	_ =	sdelay $0x4  }
0xb4: {  	v54 =	vshll.u32 v3, $0x3  }
0xb5: {  	v3 =	vand.u32 $0x7, v3;
	v4 =	vand.u32 $0xFFFFFFC0, v54  }
0xb6: {  	v3 =	vor.u32 v3, v4  }
0xb7: {  	v4 =	vperm.xlane v3, v0;
	_ =	sdelay $0x1  }
0xb8: {  	v4 =	vadd.s32 v1, v4;
	_ =	sdelay $0x4  }
0xb9: {  	[hbm4b:s4+s2] =	stream.indirect_vreg.scatter [tilespmem:s11], [sflag:$0x3], $0x80, v4, vm0, $0xb8;
	[tilespmem:$0x10400] =	vst v63  }
0xba: {  	s25 =	simm.s32 $0x8C00;
	v3 =	vperm.xlane v3, v2  }
0xbb: {  	[hbm4b:s5+s2] =	stream.indirect_vreg.scatter [tilespmem:s25], [sflag:$0x3], $0x80, v4, vm0, $0xb8;
	[tilespmem:$0x10400] =	vst v63  }
0xbc: {  	s17 =	simm.s32 $0x9400;
	v3 =	vadd.s32 v1, v3  }
0xbd: {  	[hbm4b:s6+s2] =	stream.indirect_vreg.scatter [tilespmem:s17], [sflag:$0x3], $0x80, v4, vm0, $0xb8;
	[tilespmem:$0x10400] =	vst v63  }
0xbe: {  	s19 =	simm.s32 $0x9C00  }
0xbf: {  	[hbm4b:s7+s2] =	stream.indirect_vreg.scatter [tilespmem:s19], [sflag:$0x3], $0x80, v4, vm0, $0xb8;
	[tilespmem:$0x10400] =	vst v63  }
0xc0: {  	s20 =	simm.s32 $0xA400  }
0xc1: {  	[hbm4b:s4+s2] =	stream.indirect_vreg.scatter [tilespmem:s20], [sflag:$0x3], $0x80, v3, vm0, $0xb8;
	[tilespmem:$0x10400] =	vst v63  }
0xc2: {  	s21 =	simm.s32 $0xAC00  }
0xc3: {  	[hbm4b:s5+s2] =	stream.indirect_vreg.scatter [tilespmem:s21], [sflag:$0x3], $0x80, v3, vm0, $0xb8;
	[tilespmem:$0x10400] =	vst v63  }
0xc4: {  	s26 =	simm.s32 $0xB400  }
0xc5: {  	[hbm4b:s6+s2] =	stream.indirect_vreg.scatter [tilespmem:s26], [sflag:$0x3], $0x80, v3, vm0, $0xb8;
	[tilespmem:$0x10400] =	vst v63  }
0xc6: {  	s28 =	simm.s32 $0xBC00  }
0xc7: {  	[hbm4b:s7+s2] =	stream.indirect_vreg.scatter [tilespmem:s28], [sflag:$0x3], $0x80, v3, vm0, $0xb8;
	[tilespmem:$0x10400] =	vst v63  }
0xc8: {  	v3 =	vld [tilespmem:$0x190];
	_ =	sdelay $0x4  }
0xc9: {  	v55 =	vshll.u32 v3, $0x3  }
0xca: {  	v3 =	vand.u32 $0x7, v3;
	v4 =	vand.u32 $0xFFFFFFC0, v55  }
0xcb: {  	v3 =	vor.u32 v3, v4  }
0xcc: {  	v4 =	vperm.xlane v3, v0;
	_ =	sdelay $0x1  }
0xcd: {  	v4 =	vadd.s32 v1, v4;
	_ =	sdelay $0x3  }
0xce: {  	s31 =	simm.s32 $0xC400  }
0xcf: {  	[hbm4b:s4+s2] =	stream.indirect_vreg.scatter [tilespmem:s31], [sflag:$0x3], $0x80, v4, vm0, $0xb8;
	[tilespmem:$0x10400] =	vst v63  }
0xd0: {  	s21 =	simm.s32 $0xCC00;
	v3 =	vperm.xlane v3, v2  }
0xd1: {  	[hbm4b:s5+s2] =	stream.indirect_vreg.scatter [tilespmem:s21], [sflag:$0x3], $0x80, v4, vm0, $0xb8;
	[tilespmem:$0x10400] =	vst v63  }
0xd2: {  	s18 =	simm.s32 $0xD400;
	v3 =	vadd.s32 v1, v3  }
0xd3: {  	[hbm4b:s6+s2] =	stream.indirect_vreg.scatter [tilespmem:s18], [sflag:$0x3], $0x80, v4, vm0, $0xb8;
	[tilespmem:$0x10400] =	vst v63  }
0xd4: {  	s17 =	simm.s32 $0xDC00  }
0xd5: {  	[hbm4b:s7+s2] =	stream.indirect_vreg.scatter [tilespmem:s17], [sflag:$0x3], $0x80, v4, vm0, $0xb8;
	[tilespmem:$0x10400] =	vst v63  }
0xd6: {  	s19 =	simm.s32 $0xE400  }
0xd7: {  	[hbm4b:s4+s2] =	stream.indirect_vreg.scatter [tilespmem:s19], [sflag:$0x3], $0x80, v3, vm0, $0xb8;
	[tilespmem:$0x10400] =	vst v63  }
0xd8: {  	s20 =	simm.s32 $0xEC00  }
0xd9: {  	[hbm4b:s5+s2] =	stream.indirect_vreg.scatter [tilespmem:s20], [sflag:$0x3], $0x80, v3, vm0, $0xb8;
	[tilespmem:$0x10400] =	vst v63  }
0xda: {  	s23 =	simm.s32 $0xF400  }
0xdb: {  	[hbm4b:s6+s2] =	stream.indirect_vreg.scatter [tilespmem:s23], [sflag:$0x3], $0x80, v3, vm0, $0xb8;
	[tilespmem:$0x10400] =	vst v63  }
0xdc: {  	s24 =	simm.s32 $0xFC00  }
0xdd: {  	[hbm4b:s7+s2] =	stream.indirect_vreg.scatter [tilespmem:s24], [sflag:$0x3], $0x80, v3, vm0, $0xb8;
	[tilespmem:$0x10400] =	vst v63  }
0xde: {  	_ =	swait.ge [sflag:s29], $0x8000  }
0xdf: {  	[sflag:s29] =	ssyncset.done $0x0  }
0xe0: {  	s24 =	rddreg [dreg:$0x7];
	[sflag:s29] =	ssyncadd.s32 $0xFFFF8000  }
0xe1: {  	[tilespmem:s11], [sflag:$0x2] =	stream.linear.gather [hbm4b:s24+s2], $0x8000, $0x38;
	[tilespmem:$0x10400] =	vst v63  }
0xe2: {  	_ =	swait.ge [sflag:s12], $0x8000  }
0xe3: {  	[sflag:s12] =	ssyncset.done $0x0  }
0xe4: {  	[sflag:s12] =	ssyncadd.s32 $0xFFFF8000  }
0xe5: {  	v3 =	vld [tilespmem:$0x200];
	_ =	sdelay $0x4  }
0xe6: {  	v56 =	vshll.u32 v3, $0x3  }
0xe7: {  	v3 =	vand.u32 $0x7, v3;
	v4 =	vand.u32 $0xFFFFFFC0, v56  }
0xe8: {  	v3 =	vor.u32 v3, v4  }
0xe9: {  	v4 =	vperm.xlane v3, v0;
	_ =	sdelay $0x1  }
0xea: {  	v4 =	vadd.s32 v1, v4;
	_ =	sdelay $0x4  }
0xeb: {  	[hbm4b:s4+s2] =	stream.indirect_vreg.scatter [tilespmem:s22], [sflag:$0x3], $0x80, v4, vm0, $0xb8;
	[tilespmem:$0x10400] =	vst v63  }
0xec: {  	s24 =	simm.s32 $0xC00;
	v3 =	vperm.xlane v3, v2  }
0xed: {  	[hbm4b:s5+s2] =	stream.indirect_vreg.scatter [tilespmem:s24], [sflag:$0x3], $0x80, v4, vm0, $0xb8;
	[tilespmem:$0x10400] =	vst v63  }
0xee: {  	v3 =	vadd.s32 v1, v3;
	s24 =	simm.s32 $0x1400  }
0xef: {  	[hbm4b:s6+s2] =	stream.indirect_vreg.scatter [tilespmem:s24], [sflag:$0x3], $0x80, v4, vm0, $0xb8;
	[tilespmem:$0x10400] =	vst v63  }
0xf0: {  	s24 =	simm.s32 $0x1C00  }
0xf1: {  	[hbm4b:s7+s2] =	stream.indirect_vreg.scatter [tilespmem:s24], [sflag:$0x3], $0x80, v4, vm0, $0xb8;
	[tilespmem:$0x10400] =	vst v63  }
0xf2: {  	s24 =	simm.s32 $0x2400  }
0xf3: {  	[hbm4b:s4+s2] =	stream.indirect_vreg.scatter [tilespmem:s24], [sflag:$0x3], $0x80, v3, vm0, $0xb8;
	[tilespmem:$0x10400] =	vst v63  }
0xf4: {  	s24 =	simm.s32 $0x2C00  }
0xf5: {  	[hbm4b:s5+s2] =	stream.indirect_vreg.scatter [tilespmem:s24], [sflag:$0x3], $0x80, v3, vm0, $0xb8;
	[tilespmem:$0x10400] =	vst v63  }
0xf6: {  	_ = 	snop  }
0xf7: {  	[hbm4b:s6+s2] =	stream.indirect_vreg.scatter [tilespmem:s0], [sflag:$0x3], $0x80, v3, vm0, $0xb8;
	[tilespmem:$0x10400] =	vst v63  }
0xf8: {  	_ = 	snop  }
0xf9: {  	[hbm4b:s7+s2] =	stream.indirect_vreg.scatter [tilespmem:s14], [sflag:$0x3], $0x80, v3, vm0, $0xb8;
	[tilespmem:$0x10400] =	vst v63  }
0xfa: {  	v3 =	vld [tilespmem:$0x210];
	_ =	sdelay $0x4  }
0xfb: {  	v57 =	vshll.u32 v3, $0x3  }
0xfc: {  	v3 =	vand.u32 $0x7, v3;
	v4 =	vand.u32 $0xFFFFFFC0, v57  }
0xfd: {  	v3 =	vor.u32 v3, v4  }
0xfe: {  	v4 =	vperm.xlane v3, v0;
	_ =	sdelay $0x1  }
0xff: {  	v4 =	vadd.s32 v1, v4;
	_ =	sdelay $0x4  }
0x100: {  	[hbm4b:s4+s2] =	stream.indirect_vreg.scatter [tilespmem:s15], [sflag:$0x3], $0x80, v4, vm0, $0xb8;
	[tilespmem:$0x10400] =	vst v63  }
0x101: {  	v3 =	vperm.xlane v3, v2  }
0x102: {  	[hbm4b:s5+s2] =	stream.indirect_vreg.scatter [tilespmem:s16], [sflag:$0x3], $0x80, v4, vm0, $0xb8;
	[tilespmem:$0x10400] =	vst v63  }
0x103: {  	v3 =	vadd.s32 v1, v3  }
0x104: {  	[hbm4b:s6+s2] =	stream.indirect_vreg.scatter [tilespmem:s1], [sflag:$0x3], $0x80, v4, vm0, $0xb8;
	[tilespmem:$0x10400] =	vst v63  }
0x105: {  	_ = 	snop  }
0x106: {  	[hbm4b:s7+s2] =	stream.indirect_vreg.scatter [tilespmem:s3], [sflag:$0x3], $0x80, v4, vm0, $0xb8;
	[tilespmem:$0x10400] =	vst v63  }
0x107: {  	_ = 	snop  }
0x108: {  	[hbm4b:s4+s2] =	stream.indirect_vreg.scatter [tilespmem:s9], [sflag:$0x3], $0x80, v3, vm0, $0xb8;
	[tilespmem:$0x10400] =	vst v63  }
0x109: {  	_ = 	snop  }
0x10a: {  	[hbm4b:s5+s2] =	stream.indirect_vreg.scatter [tilespmem:s10], [sflag:$0x3], $0x80, v3, vm0, $0xb8;
	[tilespmem:$0x10400] =	vst v63  }
0x10b: {  	_ = 	snop  }
0x10c: {  	[hbm4b:s6+s2] =	stream.indirect_vreg.scatter [tilespmem:s13], [sflag:$0x3], $0x80, v3, vm0, $0xb8;
	[tilespmem:$0x10400] =	vst v63  }
0x10d: {  	s10 =	simm.s32 $0x7C00  }
0x10e: {  	[hbm4b:s7+s2] =	stream.indirect_vreg.scatter [tilespmem:s10], [sflag:$0x3], $0x80, v3, vm0, $0xb8;
	[tilespmem:$0x10400] =	vst v63  }
0x10f: {  	_ =	swait.ge [sflag:s29], $0x8000  }
0x110: {  	[sflag:s29] =	ssyncset.done $0x0  }
0x111: {  	s24 =	rddreg [dreg:$0x8];
	[sflag:s29] =	ssyncadd.s32 $0xFFFF8000  }
0x112: {  	[tilespmem:s22], [sflag:$0x1] =	stream.linear.gather [hbm4b:s24+s2], $0x8000, $0x38;
	[tilespmem:$0x10400] =	vst v63  }
0x113: {  	_ =	swait.ge [sflag:s30], $0x8000  }
0x114: {  	[sflag:s30] =	ssyncset.done $0x0  }
0x115: {  	[sflag:s30] =	ssyncadd.s32 $0xFFFF8000  }
0x116: {  	v3 =	vld [tilespmem:$0x280];
	_ =	sdelay $0x4  }
0x117: {  	v58 =	vshll.u32 v3, $0x3  }
0x118: {  	v3 =	vand.u32 $0x7, v3;
	v4 =	vand.u32 $0xFFFFFFC0, v58  }
0x119: {  	v3 =	vor.u32 v3, v4  }
0x11a: {  	v4 =	vperm.xlane v3, v0;
	_ =	sdelay $0x1  }
0x11b: {  	v4 =	vadd.s32 v1, v4;
	_ =	sdelay $0x4  }
0x11c: {  	[hbm4b:s4+s2] =	stream.indirect_vreg.scatter [tilespmem:s11], [sflag:$0x3], $0x80, v4, vm0, $0xb8;
	[tilespmem:$0x10400] =	vst v63  }
0x11d: {  	v3 =	vperm.xlane v3, v2  }
0x11e: {  	[hbm4b:s5+s2] =	stream.indirect_vreg.scatter [tilespmem:s25], [sflag:$0x3], $0x80, v4, vm0, $0xb8;
	[tilespmem:$0x10400] =	vst v63  }
0x11f: {  	v3 =	vadd.s32 v1, v3;
	s25 =	simm.s32 $0x9400  }
0x120: {  	[hbm4b:s6+s2] =	stream.indirect_vreg.scatter [tilespmem:s25], [sflag:$0x3], $0x80, v4, vm0, $0xb8;
	[tilespmem:$0x10400] =	vst v63  }
0x121: {  	s0 =	simm.s32 $0x9C00  }
0x122: {  	[hbm4b:s7+s2] =	stream.indirect_vreg.scatter [tilespmem:s0], [sflag:$0x3], $0x80, v4, vm0, $0xb8;
	[tilespmem:$0x10400] =	vst v63  }
0x123: {  	s1 =	simm.s32 $0xA400  }
0x124: {  	[hbm4b:s4+s2] =	stream.indirect_vreg.scatter [tilespmem:s1], [sflag:$0x3], $0x80, v3, vm0, $0xb8;
	[tilespmem:$0x10400] =	vst v63  }
0x125: {  	s1 =	simm.s32 $0xAC00  }
0x126: {  	[hbm4b:s5+s2] =	stream.indirect_vreg.scatter [tilespmem:s1], [sflag:$0x3], $0x80, v3, vm0, $0xb8;
	[tilespmem:$0x10400] =	vst v63  }
0x127: {  	_ = 	snop  }
0x128: {  	[hbm4b:s6+s2] =	stream.indirect_vreg.scatter [tilespmem:s26], [sflag:$0x3], $0x80, v3, vm0, $0xb8;
	[tilespmem:$0x10400] =	vst v63  }
0x129: {  	_ = 	snop  }
0x12a: {  	[hbm4b:s7+s2] =	stream.indirect_vreg.scatter [tilespmem:s28], [sflag:$0x3], $0x80, v3, vm0, $0xb8;
	[tilespmem:$0x10400] =	vst v63  }
0x12b: {  	v3 =	vld [tilespmem:$0x290];
	_ =	sdelay $0x4  }
0x12c: {  	v59 =	vshll.u32 v3, $0x3  }
0x12d: {  	v3 =	vand.u32 $0x7, v3;
	v4 =	vand.u32 $0xFFFFFFC0, v59  }
0x12e: {  	v3 =	vor.u32 v3, v4  }
0x12f: {  	v4 =	vperm.xlane v3, v0;
	_ =	sdelay $0x1  }
0x130: {  	v4 =	vadd.s32 v1, v4;
	_ =	sdelay $0x4  }
0x131: {  	[hbm4b:s4+s2] =	stream.indirect_vreg.scatter [tilespmem:s31], [sflag:$0x3], $0x80, v4, vm0, $0xb8;
	[tilespmem:$0x10400] =	vst v63  }
0x132: {  	v3 =	vperm.xlane v3, v2  }
0x133: {  	[hbm4b:s5+s2] =	stream.indirect_vreg.scatter [tilespmem:s21], [sflag:$0x3], $0x80, v4, vm0, $0xb8;
	[tilespmem:$0x10400] =	vst v63  }
0x134: {  	v3 =	vadd.s32 v1, v3  }
0x135: {  	[hbm4b:s6+s2] =	stream.indirect_vreg.scatter [tilespmem:s18], [sflag:$0x3], $0x80, v4, vm0, $0xb8;
	[tilespmem:$0x10400] =	vst v63  }
0x136: {  	_ = 	snop  }
0x137: {  	[hbm4b:s7+s2] =	stream.indirect_vreg.scatter [tilespmem:s17], [sflag:$0x3], $0x80, v4, vm0, $0xb8;
	[tilespmem:$0x10400] =	vst v63  }
0x138: {  	_ = 	snop  }
0x139: {  	[hbm4b:s4+s2] =	stream.indirect_vreg.scatter [tilespmem:s19], [sflag:$0x3], $0x80, v3, vm0, $0xb8;
	[tilespmem:$0x10400] =	vst v63  }
0x13a: {  	_ = 	snop  }
0x13b: {  	[hbm4b:s5+s2] =	stream.indirect_vreg.scatter [tilespmem:s20], [sflag:$0x3], $0x80, v3, vm0, $0xb8;
	[tilespmem:$0x10400] =	vst v63  }
0x13c: {  	s3 =	simm.s32 $0xF400  }
0x13d: {  	[hbm4b:s6+s2] =	stream.indirect_vreg.scatter [tilespmem:s3], [sflag:$0x3], $0x80, v3, vm0, $0xb8;
	[tilespmem:$0x10400] =	vst v63  }
0x13e: {  	s3 =	simm.s32 $0xFC00  }
0x13f: {  	[hbm4b:s7+s2] =	stream.indirect_vreg.scatter [tilespmem:s3], [sflag:$0x3], $0x80, v3, vm0, $0xb8;
	[tilespmem:$0x10400] =	vst v63  }
0x140: {  	_ =	swait.ge [sflag:s29], $0x8000  }
0x141: {  	[sflag:s29] =	ssyncset.done $0x0  }
0x142: {  	s23 =	rddreg [dreg:$0x9];
	[sflag:s29] =	ssyncadd.s32 $0xFFFF8000  }
0x143: {  	[tilespmem:s11], [sflag:$0x2] =	stream.linear.gather [hbm4b:s23+s2], $0x8000, $0x38;
	[tilespmem:$0x10400] =	vst v63  }
0x144: {  	_ =	swait.ge [sflag:s12], $0x8000  }
0x145: {  	[sflag:s12] =	ssyncset.done $0x0  }
0x146: {  	[sflag:s12] =	ssyncadd.s32 $0xFFFF8000  }
0x147: {  	v3 =	vld [tilespmem:$0x300];
	_ =	sdelay $0x4  }
0x148: {  	v60 =	vshll.u32 v3, $0x3  }
0x149: {  	v3 =	vand.u32 $0x7, v3;
	v4 =	vand.u32 $0xFFFFFFC0, v60  }
0x14a: {  	v3 =	vor.u32 v3, v4  }
0x14b: {  	v4 =	vperm.xlane v3, v0;
	_ =	sdelay $0x1  }
0x14c: {  	v4 =	vadd.s32 v1, v4;
	_ =	sdelay $0x4  }
0x14d: {  	[hbm4b:s4+s2] =	stream.indirect_vreg.scatter [tilespmem:s22], [sflag:$0x3], $0x80, v4, vm0, $0xb8;
	[tilespmem:$0x10400] =	vst v63  }
0x14e: {  	s23 =	simm.s32 $0xC00;
	v3 =	vperm.xlane v3, v2  }
0x14f: {  	[hbm4b:s5+s2] =	stream.indirect_vreg.scatter [tilespmem:s23], [sflag:$0x3], $0x80, v4, vm0, $0xb8;
	[tilespmem:$0x10400] =	vst v63  }
0x150: {  	v3 =	vadd.s32 v1, v3;
	s23 =	simm.s32 $0x1400  }
0x151: {  	[hbm4b:s6+s2] =	stream.indirect_vreg.scatter [tilespmem:s23], [sflag:$0x3], $0x80, v4, vm0, $0xb8;
	[tilespmem:$0x10400] =	vst v63  }
0x152: {  	s23 =	simm.s32 $0x1C00  }
0x153: {  	[hbm4b:s7+s2] =	stream.indirect_vreg.scatter [tilespmem:s23], [sflag:$0x3], $0x80, v4, vm0, $0xb8;
	[tilespmem:$0x10400] =	vst v63  }
0x154: {  	s23 =	simm.s32 $0x2400  }
0x155: {  	[hbm4b:s4+s2] =	stream.indirect_vreg.scatter [tilespmem:s23], [sflag:$0x3], $0x80, v3, vm0, $0xb8;
	[tilespmem:$0x10400] =	vst v63  }
0x156: {  	s23 =	simm.s32 $0x2C00  }
0x157: {  	[hbm4b:s5+s2] =	stream.indirect_vreg.scatter [tilespmem:s23], [sflag:$0x3], $0x80, v3, vm0, $0xb8;
	[tilespmem:$0x10400] =	vst v63  }
0x158: {  	s23 =	simm.s32 $0x3400  }
0x159: {  	[hbm4b:s6+s2] =	stream.indirect_vreg.scatter [tilespmem:s23], [sflag:$0x3], $0x80, v3, vm0, $0xb8;
	[tilespmem:$0x10400] =	vst v63  }
0x15a: {  	s14 =	simm.s32 $0x3C00  }
0x15b: {  	[hbm4b:s7+s2] =	stream.indirect_vreg.scatter [tilespmem:s14], [sflag:$0x3], $0x80, v3, vm0, $0xb8;
	[tilespmem:$0x10400] =	vst v63  }
0x15c: {  	v3 =	vld [tilespmem:$0x310];
	_ =	sdelay $0x4  }
0x15d: {  	v61 =	vshll.u32 v3, $0x3  }
0x15e: {  	v3 =	vand.u32 $0x7, v3;
	v4 =	vand.u32 $0xFFFFFFC0, v61  }
0x15f: {  	v3 =	vor.u32 v3, v4  }
0x160: {  	v4 =	vperm.xlane v3, v0;
	_ =	sdelay $0x1  }
0x161: {  	v4 =	vadd.s32 v1, v4;
	_ =	sdelay $0x3  }
0x162: {  	s15 =	simm.s32 $0x4400  }
0x163: {  	[hbm4b:s4+s2] =	stream.indirect_vreg.scatter [tilespmem:s15], [sflag:$0x3], $0x80, v4, vm0, $0xb8;
	[tilespmem:$0x10400] =	vst v63  }
0x164: {  	s16 =	simm.s32 $0x4C00;
	v3 =	vperm.xlane v3, v2  }
0x165: {  	[hbm4b:s5+s2] =	stream.indirect_vreg.scatter [tilespmem:s16], [sflag:$0x3], $0x80, v4, vm0, $0xb8;
	[tilespmem:$0x10400] =	vst v63  }
0x166: {  	v3 =	vadd.s32 v1, v3;
	s16 =	simm.s32 $0x5400  }
0x167: {  	[hbm4b:s6+s2] =	stream.indirect_vreg.scatter [tilespmem:s16], [sflag:$0x3], $0x80, v4, vm0, $0xb8;
	[tilespmem:$0x10400] =	vst v63  }
0x168: {  	s23 =	simm.s32 $0x5C00  }
0x169: {  	[hbm4b:s7+s2] =	stream.indirect_vreg.scatter [tilespmem:s23], [sflag:$0x3], $0x80, v4, vm0, $0xb8;
	[tilespmem:$0x10400] =	vst v63  }
0x16a: {  	s15 =	simm.s32 $0x6400  }
0x16b: {  	[hbm4b:s4+s2] =	stream.indirect_vreg.scatter [tilespmem:s15], [sflag:$0x3], $0x80, v3, vm0, $0xb8;
	[tilespmem:$0x10400] =	vst v63  }
0x16c: {  	s16 =	simm.s32 $0x6C00  }
0x16d: {  	[hbm4b:s5+s2] =	stream.indirect_vreg.scatter [tilespmem:s16], [sflag:$0x3], $0x80, v3, vm0, $0xb8;
	[tilespmem:$0x10400] =	vst v63  }
0x16e: {  	s13 =	simm.s32 $0x7400  }
0x16f: {  	[hbm4b:s6+s2] =	stream.indirect_vreg.scatter [tilespmem:s13], [sflag:$0x3], $0x80, v3, vm0, $0xb8;
	[tilespmem:$0x10400] =	vst v63  }
0x170: {  	s23 =	simm.s32 $0x7C00  }
0x171: {  	[hbm4b:s7+s2] =	stream.indirect_vreg.scatter [tilespmem:s23], [sflag:$0x3], $0x80, v3, vm0, $0xb8;
	[tilespmem:$0x10400] =	vst v63  }
0x172: {  	_ =	swait.ge [sflag:s29], $0x8000  }
0x173: {  	[sflag:s29] =	ssyncset.done $0x0  }
0x174: {  	[sflag:s29] =	ssyncadd.s32 $0xFFFF8000  }
0x175: {  	_ =	swait.ge [sflag:s30], $0x8000  }
0x176: {  	[sflag:s30] =	ssyncset.done $0x0  }
0x177: {  	[sflag:s30] =	ssyncadd.s32 $0xFFFF8000  }
0x178: {  	v3 =	vld [tilespmem:$0x380];
	_ =	sdelay $0x4  }
0x179: {  	v62 =	vshll.u32 v3, $0x3  }
0x17a: {  	v3 =	vand.u32 $0x7, v3;
	v4 =	vand.u32 $0xFFFFFFC0, v62  }
0x17b: {  	v3 =	vor.u32 v3, v4  }
0x17c: {  	v4 =	vperm.xlane v3, v0;
	_ =	sdelay $0x1  }
0x17d: {  	v4 =	vadd.s32 v1, v4;
	_ =	sdelay $0x4  }
0x17e: {  	[hbm4b:s4+s2] =	stream.indirect_vreg.scatter [tilespmem:s11], [sflag:$0x3], $0x80, v4, vm0, $0xb8;
	[tilespmem:$0x10400] =	vst v63  }
0x17f: {  	s24 =	simm.s32 $0x8C00;
	v3 =	vperm.xlane v3, v2  }
0x180: {  	[hbm4b:s5+s2] =	stream.indirect_vreg.scatter [tilespmem:s24], [sflag:$0x3], $0x80, v4, vm0, $0xb8;
	[tilespmem:$0x10400] =	vst v63  }
0x181: {  	s9 =	simm.s32 $0x9400;
	v3 =	vadd.s32 v1, v3  }
0x182: {  	[hbm4b:s6+s2] =	stream.indirect_vreg.scatter [tilespmem:s9], [sflag:$0x3], $0x80, v4, vm0, $0xb8;
	[tilespmem:$0x10400] =	vst v63  }
0x183: {  	_ = 	snop  }
0x184: {  	[hbm4b:s7+s2] =	stream.indirect_vreg.scatter [tilespmem:s0], [sflag:$0x3], $0x80, v4, vm0, $0xb8;
	[tilespmem:$0x10400] =	vst v63  }
0x185: {  	s10 =	simm.s32 $0xA400  }
0x186: {  	[hbm4b:s4+s2] =	stream.indirect_vreg.scatter [tilespmem:s10], [sflag:$0x3], $0x80, v3, vm0, $0xb8;
	[tilespmem:$0x10400] =	vst v63  }
0x187: {  	_ = 	snop  }
0x188: {  	[hbm4b:s5+s2] =	stream.indirect_vreg.scatter [tilespmem:s1], [sflag:$0x3], $0x80, v3, vm0, $0xb8;
	[tilespmem:$0x10400] =	vst v63  }
0x189: {  	s25 =	simm.s32 $0xB400  }
0x18a: {  	[hbm4b:s6+s2] =	stream.indirect_vreg.scatter [tilespmem:s25], [sflag:$0x3], $0x80, v3, vm0, $0xb8;
	[tilespmem:$0x10400] =	vst v63  }
0x18b: {  	s26 =	simm.s32 $0xBC00  }
0x18c: {  	[hbm4b:s7+s2] =	stream.indirect_vreg.scatter [tilespmem:s26], [sflag:$0x3], $0x80, v3, vm0, $0xb8;
	[tilespmem:$0x10400] =	vst v63  }
0x18d: {  	v3 =	vld [tilespmem:$0x390];
	_ =	sdelay $0x4  }
0x18e: {  	v63 =	vshll.u32 v3, $0x3  }
0x18f: {  	v3 =	vand.u32 $0x7, v3;
	v4 =	vand.u32 $0xFFFFFFC0, v63  }
0x190: {  	v3 =	vor.u32 v3, v4  }
0x191: {  	v4 =	vperm.xlane v3, v0;
	_ =	sdelay $0x1  }
0x192: {  	v4 =	vadd.s32 v1, v4;
	_ =	sdelay $0x3  }
0x193: {  	s28 =	simm.s32 $0xC400  }
0x194: {  	[hbm4b:s4+s2] =	stream.indirect_vreg.scatter [tilespmem:s28], [sflag:$0x3], $0x80, v4, vm0, $0xb8;
	[tilespmem:$0x10400] =	vst v63  }
0x195: {  	s21 =	simm.s32 $0xCC00;
	v3 =	vperm.xlane v3, v2  }
0x196: {  	[hbm4b:s5+s2] =	stream.indirect_vreg.scatter [tilespmem:s21], [sflag:$0x3], $0x80, v4, vm0, $0xb8;
	[tilespmem:$0x10400] =	vst v63  }
0x197: {  	s18 =	simm.s32 $0xD400;
	v3 =	vadd.s32 v1, v3  }
0x198: {  	[hbm4b:s6+s2] =	stream.indirect_vreg.scatter [tilespmem:s18], [sflag:$0x3], $0x80, v4, vm0, $0xb8;
	[tilespmem:$0x10400] =	vst v63  }
0x199: {  	s17 =	simm.s32 $0xDC00  }
0x19a: {  	[hbm4b:s7+s2] =	stream.indirect_vreg.scatter [tilespmem:s17], [sflag:$0x3], $0x80, v4, vm0, $0xb8;
	[tilespmem:$0x10400] =	vst v63  }
0x19b: {  	s19 =	simm.s32 $0xE400  }
0x19c: {  	[hbm4b:s4+s2] =	stream.indirect_vreg.scatter [tilespmem:s19], [sflag:$0x3], $0x80, v3, vm0, $0xb8;
	[tilespmem:$0x10400] =	vst v63  }
0x19d: {  	s20 =	simm.s32 $0xEC00  }
0x19e: {  	[hbm4b:s5+s2] =	stream.indirect_vreg.scatter [tilespmem:s20], [sflag:$0x3], $0x80, v3, vm0, $0xb8;
	[tilespmem:$0x10400] =	vst v63  }
0x19f: {  	p0 =	sne.s32 s8, $0x1;
	s31 =	simm.s32 $0xF400  }
0x1a0: {  	[hbm4b:s6+s2] =	stream.indirect_vreg.scatter [tilespmem:s31], [sflag:$0x3], $0x80, v3, vm0, $0xb8;
	[tilespmem:$0x10400] =	vst v63  }
.Ltmp0:
0x1a1: {  	_ = 	snop;
	(pc) =	sbr.rel @p0 .LBB2_1-.Ltmp0, $4  }
0x1a2: {  	[hbm4b:s7+s2] =	stream.indirect_vreg.scatter [tilespmem:s3], [sflag:$0x3], $0x80, v3, vm0, $0xb8;
	[tilespmem:$0x10400] =	vst v63  }
0x1a3: {  	_ =	swait.ge [sflag:s29], $0x8000  }
0x1a4: {  	[sflag:s29] =	ssyncset.done $0x0  }
0x1a5: {  	s8 =	sadd.s32 $0xFFFFFFFF, s8;
	[sflag:s29] =	ssyncadd.s32 $0xFFFF8000  }
0x1a6: {  	_ =	sfence.sel $0x180000  }
0x1a7: {  	[bflag:$0x0] =	sbarrier.arrive $0xFFFF  }
0x1a8: {  	_ =	strace $0x90000047  }
0x1a9: {  	s0 =	stileid.u32;
	[bflag:$0x2] =	sbarrier.arrive $0xFFFF  }
0x1aa: {  	p0 =	sne.s32 s0, $0x0;
	s0 =	rddreg [dreg:$0x2]  }
0x1ab: {  	s0 =	sadd.s32 @!p0 $0x100000, s0  }
0x1ac: {  	[sflag:s0] =	ssyncadd.tile.s32 @!p0 $0x1;
	_ =	shalt  }
.Lfunc_end2:
_tile_overlayer_lowered:
.L_overlay_start_2:
0x1ad: {  	(tag) =	ssettag $0x2  }
0x1ae: {  	s0 =	rddreg [dreg:$0x0];
	s2 =	stileid.u32  }
0x1af: {  	s1 =	rddreg [dreg:$0x1];
	p0 =	sne.s32 s2, $0x0  }
0x1b0: {  	s3 =	rddreg [dreg:$0x2];
	[bflag:$0x3] =	sbarrier.arrive $0xFFFF;
	s2 =	simm.s32 @!p0 $0x1C04  }
0x1b1: {  	[timem:s3], [sflag:s2] =	dma.local @!p0 [hbm:s0], s1  }
0x1b2: {  	s0 =	simm.s32 @!p0 $0x4  }
0x1b3: {  	_ =	swait.ge @!p0 [sflag:s0], s1  }
0x1b4: {  	s1 =	ssub.s32 @!p0 $0x0, s1;
	[sflag:s0] =	ssyncset.done @!p0 $0x0  }
0x1b5: {  	[sflag:s0] =	ssyncadd.s32 @!p0 s1  }
0x1b6: {  	[bflag:$0x3] =	sbarrier.arrive $0xFFFF  }
0x1b7: {  	_ =	shalt  }

</sc_bundles>
